<compile_context>
chip_gen: v7x
topology: tpu7x:2x2x1
jax: 0.10.2.dev20260603
libtpu: 0.0.44.dev20260713+nightly
codegen_flags: <defaults>
</compile_context>

<pallas_src>
import functools

import jax
import jax.numpy as jnp
from jax import lax
from jax.experimental import pallas as pl
from jax.experimental.pallas import tpu as pltpu
from jax.experimental.pallas import tpu_sc as plsc

N = 10000
E = 320000
D = 128
C = 2

NSC = 2
NSUB = 16
NT = NSC * NSUB
EPT = E // NT
CH = 96
EPTP = 10176
NCH = EPTP // CH
NP = 10240
RPT = NP // NSUB
DEGW = 128

_mesh = plsc.VectorSubcoreMesh(core_axis_name="c", subcore_axis_name="s")



@functools.partial(
    pl.kernel,
    out_type=jax.ShapeDtypeStruct((NSC, NP, D), jnp.float32),
    mesh=_mesh,
    scratch_types=[
        pltpu.VMEM((EPTP,), jnp.int32),
        pltpu.VMEM((NCH, CH), jnp.int32),
        pltpu.VMEM((CH, D), jnp.float32),
        pltpu.VMEM((CH, D), jnp.float32),
        pltpu.VMEM_SHARED((NP, D), jnp.float32),
        pltpu.SemaphoreType.DMA,
        pltpu.SemaphoreType.DMA,
    ],
)
def _sc_scatter_rows(x_hbm, srcp_hbm, dstp_hbm, zeros_hbm, out_hbm,
                     idxs, idxd, rows0, rows1, acc, sem0, sem1):
    c = lax.axis_index("c")
    s = lax.axis_index("s")
    wid = c * NSUB + s
    r0 = s * RPT
    pltpu.sync_copy(zeros_hbm.at[pl.ds(r0, RPT)], acc.at[pl.ds(r0, RPT)])
    pltpu.sync_copy(srcp_hbm.at[wid], idxs)
    pltpu.sync_copy(dstp_hbm.at[wid], idxd)
    plsc.subcore_barrier()

    pltpu.async_copy(x_hbm.at[idxs.at[pl.ds(0, CH)]], rows0, sem0)
    pltpu.async_copy(x_hbm.at[idxs.at[pl.ds(CH, CH)]], rows1, sem1)

    def body(j, carry):
        k = 2 * j
        pltpu.make_async_copy(x_hbm.at[idxs.at[pl.ds(0, CH)]], rows0,
                              sem0).wait()
        pltpu.sync_copy(rows0, acc.at[idxd.at[k]], add=True)

        @pl.when(k + 2 < NCH)
        def _():
            pltpu.async_copy(x_hbm.at[idxs.at[pl.ds((k + 2) * CH, CH)]],
                             rows0, sem0)

        pltpu.make_async_copy(x_hbm.at[idxs.at[pl.ds(0, CH)]], rows1,
                              sem1).wait()
        pltpu.sync_copy(rows1, acc.at[idxd.at[k + 1]], add=True)

        @pl.when(k + 3 < NCH)
        def _():
            pltpu.async_copy(x_hbm.at[idxs.at[pl.ds((k + 3) * CH, CH)]],
                             rows1, sem1)

        return carry

    lax.fori_loop(0, NCH // 2, body, 0)
    plsc.subcore_barrier()
    pltpu.sync_copy(acc.at[pl.ds(r0, RPT)], out_hbm.at[c, pl.ds(r0, RPT)])


@functools.partial(
    pl.kernel,
    out_type=jax.ShapeDtypeStruct((NSC, NP, DEGW), jnp.float32),
    mesh=_mesh,
    scratch_types=[
        pltpu.VMEM((NCH, CH), jnp.int32),
        pltpu.VMEM((CH, DEGW), jnp.float32),
        pltpu.VMEM_SHARED((NP, DEGW), jnp.float32),
    ],
)
def _sc_degree(dstp_hbm, ones_hbm, zeros_hbm, out_hbm, idxd, ones_v, acc):
    c = lax.axis_index("c")
    s = lax.axis_index("s")
    wid = c * NSUB + s
    r0 = s * RPT
    pltpu.sync_copy(zeros_hbm.at[pl.ds(r0, RPT)], acc.at[pl.ds(r0, RPT)])
    pltpu.sync_copy(ones_hbm, ones_v)
    pltpu.sync_copy(dstp_hbm.at[wid], idxd)
    plsc.subcore_barrier()

    def body(k, carry):
        pltpu.sync_copy(ones_v, acc.at[idxd.at[k]], add=True)
        return carry

    lax.fori_loop(0, NCH, body, 0)
    plsc.subcore_barrier()
    pltpu.sync_copy(acc.at[pl.ds(r0, RPT)], out_hbm.at[c, pl.ds(r0, RPT)])



R = 400
GRID = N // R

_row = pl.BlockSpec((R, D), lambda i: (i, 0))
_row2 = pl.BlockSpec((NSC, R, D), lambda i: (0, i, 0))
_col1 = pl.BlockSpec((R, 1), lambda i: (i, 0))
_full = lambda *shape: pl.BlockSpec(shape, lambda i: (0,) * len(shape))


def _dot(a, b):
    return jnp.dot(a, b, preferred_element_type=jnp.float32)


def _tc_mlp_body(x_ref, w1_ref, b1_ref, w2_ref, b2_ref, h_ref):
    h1 = jnp.maximum(_dot(x_ref[...], w1_ref[...]) + b1_ref[...], 0.0)
    h_ref[...] = jnp.maximum(_dot(h1, w2_ref[...]) + b2_ref[...], 0.0)


_tc_mlp = pl.pallas_call(
    _tc_mlp_body,
    grid=(GRID,),
    in_specs=[_row, _full(D, D), _full(1, D), _full(D, D), _full(1, D)],
    out_specs=_row,
    out_shape=jax.ShapeDtypeStruct((N, D), jnp.float32),
)


def _tc_prescale_body(h_ref, degp_ref, y0_ref, dinv_ref):
    deg = degp_ref[0, :, 0:1] + degp_ref[1, :, 0:1]
    dinv = lax.rsqrt(jnp.maximum(deg, 1.0))
    dinv_ref[...] = dinv
    y0_ref[...] = h_ref[...] * dinv


_tc_prescale = pl.pallas_call(
    _tc_prescale_body,
    grid=(GRID,),
    in_specs=[_row, pl.BlockSpec((NSC, R, DEGW), lambda i: (0, i, 0))],
    out_specs=[_row, _col1],
    out_shape=[
        jax.ShapeDtypeStruct((N, D), jnp.float32),
        jax.ShapeDtypeStruct((N, 1), jnp.float32),
    ],
)


def _tc_x1_body(g_ref, dinv_ref, x1_ref, y1_ref):
    dinv = dinv_ref[...]
    x1 = (g_ref[0] + g_ref[1]) * (-dinv)
    x1_ref[...] = x1
    y1_ref[...] = x1 * dinv


_tc_x1 = pl.pallas_call(
    _tc_x1_body,
    grid=(GRID,),
    in_specs=[_row2, _col1],
    out_specs=[_row, _row],
    out_shape=[
        jax.ShapeDtypeStruct((N, D), jnp.float32),
        jax.ShapeDtypeStruct((N, D), jnp.float32),
    ],
)


def _cheb_combine(h, x1, g_ref, dinv, wc_ref, bc_ref):
    x2 = (g_ref[0] + g_ref[1]) * (-2.0 * dinv) - h
    acc = _dot(h, wc_ref[0:D])
    acc = acc + _dot(x1, wc_ref[D:2 * D])
    acc = acc + _dot(x2, wc_ref[2 * D:3 * D])
    return jnp.maximum(acc + bc_ref[...], 0.0)


def _tc_cheb_out_body(h_ref, x1_ref, g_ref, dinv_ref, wc_ref, bc_ref,
                      hn_ref, y0n_ref):
    dinv = dinv_ref[...]
    hn = _cheb_combine(h_ref[...], x1_ref[...], g_ref, dinv, wc_ref, bc_ref)
    hn_ref[...] = hn
    y0n_ref[...] = hn * dinv


_tc_cheb_out = pl.pallas_call(
    _tc_cheb_out_body,
    grid=(GRID,),
    in_specs=[_row, _row, _row2, _col1, _full(3 * D, D), _full(1, D)],
    out_specs=[_row, _row],
    out_shape=[
        jax.ShapeDtypeStruct((N, D), jnp.float32),
        jax.ShapeDtypeStruct((N, D), jnp.float32),
    ],
)


def _tc_head_body(h_ref, x1_ref, g_ref, dinv_ref, wc_ref, bc_ref,
                  w3_ref, b3_ref, w4_ref, b4_ref, out_ref):
    hn = _cheb_combine(h_ref[...], x1_ref[...], g_ref, dinv_ref[...],
                       wc_ref, bc_ref)
    t = jnp.maximum(_dot(hn, w3_ref[...]) + b3_ref[...], 0.0)
    out_ref[...] = _dot(t, w4_ref[...]) + b4_ref[...]


_tc_head = pl.pallas_call(
    _tc_head_body,
    grid=(GRID,),
    in_specs=[_row, _row, _row2, _col1, _full(3 * D, D), _full(1, D),
              _full(D, D), _full(1, D), _full(D, C), _full(1, C)],
    out_specs=pl.BlockSpec((R, C), lambda i: (i, 0)),
    out_shape=jax.ShapeDtypeStruct((N, C), jnp.float32),
)



def kernel(in_feat, edge_index, W1, b1, W2, b2, Wc1, bc1, Wc2, bc2,
           W3, b3, W4, b4):
    pad = EPTP - EPT
    srcp = jnp.concatenate(
        [edge_index[0].reshape(NT, EPT),
         jnp.zeros((NT, pad), jnp.int32)], axis=1)
    dstp = jnp.concatenate(
        [edge_index[1].reshape(NT, EPT),
         jnp.full((NT, pad), N, jnp.int32)], axis=1).reshape(NT, NCH, CH)
    zeros_d = jnp.zeros((NP, D), jnp.float32)
    zeros_g = jnp.zeros((NP, DEGW), jnp.float32)
    ones_g = jnp.ones((CH, DEGW), jnp.float32)
    b1r, b2r = b1.reshape(1, D), b2.reshape(1, D)
    bc1r, bc2r = bc1.reshape(1, D), bc2.reshape(1, D)
    b3r, b4r = b3.reshape(1, D), b4.reshape(1, C)

    degp = _sc_degree(dstp, ones_g, zeros_g)
    h = _tc_mlp(in_feat, W1, b1r, W2, b2r)
    y0, dinv = _tc_prescale(h, degp)

    g0 = _sc_scatter_rows(y0, srcp, dstp, zeros_d)
    x1, y1 = _tc_x1(g0, dinv)
    g1 = _sc_scatter_rows(y1, srcp, dstp, zeros_d)
    h2, y0b = _tc_cheb_out(h, x1, g1, dinv, Wc1, bc1r)

    g2 = _sc_scatter_rows(y0b, srcp, dstp, zeros_d)
    x1b, y1b = _tc_x1(g2, dinv)
    g3 = _sc_scatter_rows(y1b, srcp, dstp, zeros_d)
    return _tc_head(h2, x1b, g3, dinv, Wc2, bc2r, W3, b3r, W4, b4r)

# --- scband reference (transcript-rebuilt; emitter-appended) ---
"""Pipeline reference for scband-cheb-conv-gad-36043365548319 (READ-ONLY COPY).

The authoritative reference and input builder live on the scoring server;
editing this copy changes nothing except your own understanding.
"""

import jax, jax.numpy as jnp
import numpy as np

N = 10000
E = 320000
D = 128
C = 2
K = 3

def setup_inputs(seed: int = 0) -> dict:
    key = jax.random.key(seed)
    ks = jax.random.split(key, 16)
    s = 0.05
    inp = {}
    inp['in_feat'] = jax.random.normal(ks[0], (N, D), dtype=jnp.float32)
    inp['edge_index'] = jax.random.randint(ks[1], (2, E), 0, N, dtype=jnp.int32)
    inp['W1'] = jax.random.normal(ks[2], (D, D), dtype=jnp.float32) * s
    inp['b1'] = jnp.zeros((D,), dtype=jnp.float32)
    inp['W2'] = jax.random.normal(ks[3], (D, D), dtype=jnp.float32) * s
    inp['b2'] = jnp.zeros((D,), dtype=jnp.float32)
    inp['Wc1'] = jax.random.normal(ks[4], (K * D, D), dtype=jnp.float32) * s
    inp['bc1'] = jnp.zeros((D,), dtype=jnp.float32)
    inp['Wc2'] = jax.random.normal(ks[5], (K * D, D), dtype=jnp.float32) * s
    inp['bc2'] = jnp.zeros((D,), dtype=jnp.float32)
    inp['W3'] = jax.random.normal(ks[6], (D, D), dtype=jnp.float32) * s
    inp['b3'] = jnp.zeros((D,), dtype=jnp.float32)
    inp['W4'] = jax.random.normal(ks[7], (D, C), dtype=jnp.float32) * s
    inp['b4'] = jnp.zeros((C,), dtype=jnp.float32)
    return inp


def reference(in_feat, edge_index, W1, b1, W2, b2, Wc1, bc1, Wc2, bc2, W3, b3, W4, b4):
    src = edge_index[0]
    dst = edge_index[1]
    # in-degree based symmetric normalization (DGL ChebConv)
    deg = jax.ops.segment_sum(jnp.ones((E,), jnp.float32), dst, num_segments=N)
    d_inv = jnp.power(jnp.clip(deg, 1.0, None), -0.5)[:, None]
    lambda_max = 2.0  # dgl.laplacian_lambda_max approximation (normalized Laplacian bound)
    re_norm = 2.0 / lambda_max

    def unn_laplacian(f):
        # Feat * D^-1/2 A D^-1/2 via gather + scatter-add
        return jax.ops.segment_sum((f * d_inv)[src], dst, num_segments=N) * d_inv

    def cheb_conv(x, W, b):
        X0 = x
        h = unn_laplacian(X0)
        X1 = -re_norm * h + X0 * (re_norm - 1.0)
        Xs = [X0, X1]
        Xpp, Xp = X0, X1
        for _ in range(2, K):
            h = unn_laplacian(Xp)
            Xi = -2.0 * re_norm * h + Xp * 2.0 * (re_norm - 1.0) - Xpp
            Xs.append(Xi)
            Xpp, Xp = Xp, Xi
        Xcat = jnp.concatenate(Xs, axis=1)
        # DGL ChebConv applies linear then default ReLU activation
        return jax.nn.relu(Xcat @ W + b)

    h = jax.nn.relu(in_feat @ W1 + b1)
    h = jax.nn.relu(h @ W2 + b2)
    h = cheb_conv(h, Wc1, bc1)
    h = cheb_conv(h, Wc2, bc2)
    h = jax.nn.relu(h @ W3 + b3)
    h = h @ W4 + b4
    return h

if __name__ == "__main__":
    import jax
    _d = setup_inputs()
    print(jax.jit(kernel)(*tuple(_d.values())))

</pallas_src>

<mosaic_0001>
#map = affine_map<(d0, d1) -> (0, 0)>
#map1 = affine_map<(d0, d1) -> (0, 0, 0)>
module attributes {stable_mosaic.version = 14 : i64} {
  func.func @_sc_scatter_rows(%arg0: i32, %arg1: i32, %arg2: memref<10000x128xf32, #tpu.memory_space<hbm>>, %arg3: memref<32x10176xi32, #tpu.memory_space<hbm>>, %arg4: memref<32x106x96xi32, #tpu.memory_space<hbm>>, %arg5: memref<10240x128xf32, #tpu.memory_space<hbm>>, %arg6: memref<2x10240x128xf32, #tpu.memory_space<hbm>>, %arg7: memref<10176xi32, #tpu.memory_space<vmem>>, %arg8: memref<106x96xi32, #tpu.memory_space<vmem>>, %arg9: memref<96x128xf32, #tpu.memory_space<vmem>>, %arg10: memref<96x128xf32, #tpu.memory_space<vmem>>, %arg11: memref<10240x128xf32, #tpu.memory_space<vmem_shared>>, %arg12: memref<!tpu.dma_semaphore, #tpu.memory_space<semaphore_mem>>, %arg13: memref<!tpu.dma_semaphore, #tpu.memory_space<semaphore_mem>>) attributes {dimension_semantics = [#tpu.dimension_semantics<core_parallel>, #tpu.dimension_semantics<subcore_parallel>], iteration_bounds = array<i64: 2, 16>, scalar_prefetch = 0 : i64, scratch_operands = 7 : i64, tpu.core_type = #tpu.core_type<sc_vector_subcore>, window_params = [{transform_indices = #map}, {transform_indices = #map}, {transform_indices = #map1}, {transform_indices = #map}, {transform_indices = #map1}]} {
    %mul3A = arith.constant 16 : i32
    %mul3A_0 = arith.muli %arg0, %mul3A : i32
    %add3A = arith.addi %mul3A_0, %arg1 : i32
    %mul3A_1 = arith.constant 640 : i32
    %mul3A_2 = arith.muli %arg1, %mul3A_1 : i32
    "tpu.region"() ({
      %run_scoped3A = tpu.sem_alloc : memref<!tpu.dma_semaphore, #tpu.memory_space<semaphore_mem>>
      %dma_start3A_18 = arith.constant 0 : i32
      %dma_start3A_19 = tpu.memref_slice %arg11[%mul3A_2, %dma_start3A_18] : memref<10240x128xf32, #tpu.memory_space<vmem_shared>> -> memref<640x128xf32, #tpu.memory_space<vmem_shared>>
      %dma_start3A_20 = arith.constant 0 : i32
      %dma_start3A_21 = tpu.memref_slice %arg5[%mul3A_2, %dma_start3A_20] : memref<10240x128xf32, #tpu.memory_space<hbm>> -> memref<640x128xf32, #tpu.memory_space<hbm>>
      tpu.enqueue_dma source(%dma_start3A_21 : memref<640x128xf32, #tpu.memory_space<hbm>>) target(%dma_start3A_19 : memref<640x128xf32, #tpu.memory_space<vmem_shared>>) target_semaphore(%run_scoped3A : memref<!tpu.dma_semaphore, #tpu.memory_space<semaphore_mem>>)
      %dma_wait3A = arith.constant 0 : i32
      %dma_wait3A_22 = tpu.memref_slice %arg11[%mul3A_2, %dma_wait3A] : memref<10240x128xf32, #tpu.memory_space<vmem_shared>> -> memref<640x128xf32, #tpu.memory_space<vmem_shared>>
      %dma_wait3A_23 = arith.constant 0 : i32
      %dma_wait3A_24 = tpu.memref_slice %arg5[%mul3A_2, %dma_wait3A_23] : memref<10240x128xf32, #tpu.memory_space<hbm>> -> memref<640x128xf32, #tpu.memory_space<hbm>>
      tpu.wait_dma2 semaphore(%run_scoped3A : memref<!tpu.dma_semaphore, #tpu.memory_space<semaphore_mem>>) src(%dma_wait3A_24 : memref<640x128xf32, #tpu.memory_space<hbm>>) dst(%dma_wait3A_22 : memref<640x128xf32, #tpu.memory_space<vmem_shared>>)
      tpu.yield
    }) : () -> ()
    "tpu.region"() ({
      %run_scoped3A = tpu.sem_alloc : memref<!tpu.dma_semaphore, #tpu.memory_space<semaphore_mem>>
      %dma_start3A_18 = arith.constant 0 : i32
      %dma_start3A_19 = tpu.memref_slice %arg3[%add3A, %dma_start3A_18] : memref<32x10176xi32, #tpu.memory_space<hbm>> -> memref<1x10176xi32, #tpu.memory_space<hbm>>
      %dma_start3A_20 = tpu.memref_squeeze %dma_start3A_19 : memref<1x10176xi32, #tpu.memory_space<hbm>> -> memref<10176xi32, #tpu.memory_space<hbm>>
      %dma_start3A_21 = arith.constant 0 : i32
      %dma_start3A_22 = tpu.memref_slice %arg3[%add3A, %dma_start3A_21] : memref<32x10176xi32, #tpu.memory_space<hbm>> -> memref<1x10176xi32, #tpu.memory_space<hbm>>
      %dma_start3A_23 = tpu.memref_squeeze %dma_start3A_22 : memref<1x10176xi32, #tpu.memory_space<hbm>> -> memref<10176xi32, #tpu.memory_space<hbm>>
      tpu.enqueue_dma source(%dma_start3A_23 : memref<10176xi32, #tpu.memory_space<hbm>>) target(%arg7 : memref<10176xi32, #tpu.memory_space<vmem>>) target_semaphore(%run_scoped3A : memref<!tpu.dma_semaphore, #tpu.memory_space<semaphore_mem>>)
      %dma_wait3A = arith.constant 0 : i32
      %dma_wait3A_24 = tpu.memref_slice %arg3[%add3A, %dma_wait3A] : memref<32x10176xi32, #tpu.memory_space<hbm>> -> memref<1x10176xi32, #tpu.memory_space<hbm>>
      %dma_wait3A_25 = tpu.memref_squeeze %dma_wait3A_24 : memref<1x10176xi32, #tpu.memory_space<hbm>> -> memref<10176xi32, #tpu.memory_space<hbm>>
      %dma_wait3A_26 = arith.constant 0 : i32
      %dma_wait3A_27 = tpu.memref_slice %arg3[%add3A, %dma_wait3A_26] : memref<32x10176xi32, #tpu.memory_space<hbm>> -> memref<1x10176xi32, #tpu.memory_space<hbm>>
      %dma_wait3A_28 = tpu.memref_squeeze %dma_wait3A_27 : memref<1x10176xi32, #tpu.memory_space<hbm>> -> memref<10176xi32, #tpu.memory_space<hbm>>
      tpu.wait_dma2 semaphore(%run_scoped3A : memref<!tpu.dma_semaphore, #tpu.memory_space<semaphore_mem>>) src(%dma_wait3A_28 : memref<10176xi32, #tpu.memory_space<hbm>>) dst(%arg7 : memref<10176xi32, #tpu.memory_space<vmem>>)
      tpu.yield
    }) : () -> ()
    "tpu.region"() ({
      %run_scoped3A = tpu.sem_alloc : memref<!tpu.dma_semaphore, #tpu.memory_space<semaphore_mem>>
      %dma_start3A_18 = arith.constant 0 : i32
      %dma_start3A_19 = arith.constant 0 : i32
      %dma_start3A_20 = tpu.memref_slice %arg4[%add3A, %dma_start3A_18, %dma_start3A_19] : memref<32x106x96xi32, #tpu.memory_space<hbm>> -> memref<1x106x96xi32, #tpu.memory_space<hbm>>
      %dma_start3A_21 = tpu.memref_squeeze %dma_start3A_20 : memref<1x106x96xi32, #tpu.memory_space<hbm>> -> memref<106x96xi32, #tpu.memory_space<hbm>>
      %dma_start3A_22 = arith.constant 0 : i32
      %dma_start3A_23 = arith.constant 0 : i32
      %dma_start3A_24 = tpu.memref_slice %arg4[%add3A, %dma_start3A_22, %dma_start3A_23] : memref<32x106x96xi32, #tpu.memory_space<hbm>> -> memref<1x106x96xi32, #tpu.memory_space<hbm>>
      %dma_start3A_25 = tpu.memref_squeeze %dma_start3A_24 : memref<1x106x96xi32, #tpu.memory_space<hbm>> -> memref<106x96xi32, #tpu.memory_space<hbm>>
      tpu.enqueue_dma source(%dma_start3A_25 : memref<106x96xi32, #tpu.memory_space<hbm>>) target(%arg8 : memref<106x96xi32, #tpu.memory_space<vmem>>) target_semaphore(%run_scoped3A : memref<!tpu.dma_semaphore, #tpu.memory_space<semaphore_mem>>)
      %dma_wait3A = arith.constant 0 : i32
      %dma_wait3A_26 = arith.constant 0 : i32
      %dma_wait3A_27 = tpu.memref_slice %arg4[%add3A, %dma_wait3A, %dma_wait3A_26] : memref<32x106x96xi32, #tpu.memory_space<hbm>> -> memref<1x106x96xi32, #tpu.memory_space<hbm>>
      %dma_wait3A_28 = tpu.memref_squeeze %dma_wait3A_27 : memref<1x106x96xi32, #tpu.memory_space<hbm>> -> memref<106x96xi32, #tpu.memory_space<hbm>>
      %dma_wait3A_29 = arith.constant 0 : i32
      %dma_wait3A_30 = arith.constant 0 : i32
      %dma_wait3A_31 = tpu.memref_slice %arg4[%add3A, %dma_wait3A_29, %dma_wait3A_30] : memref<32x106x96xi32, #tpu.memory_space<hbm>> -> memref<1x106x96xi32, #tpu.memory_space<hbm>>
      %dma_wait3A_32 = tpu.memref_squeeze %dma_wait3A_31 : memref<1x106x96xi32, #tpu.memory_space<hbm>> -> memref<106x96xi32, #tpu.memory_space<hbm>>
      tpu.wait_dma2 semaphore(%run_scoped3A : memref<!tpu.dma_semaphore, #tpu.memory_space<semaphore_mem>>) src(%dma_wait3A_32 : memref<106x96xi32, #tpu.memory_space<hbm>>) dst(%arg8 : memref<106x96xi32, #tpu.memory_space<vmem>>)
      tpu.yield
    }) : () -> ()
    %barrier3A = arith.constant 0 : index
    tpu.barrier barrier_id(%barrier3A)
    %dma_start3A = arith.constant 0 : i32
    %dma_start3A_3 = tpu.memref_slice %arg7[%dma_start3A] : memref<10176xi32, #tpu.memory_space<vmem>> -> memref<96xi32, #tpu.memory_space<vmem>>
    %dma_start3A_4 = arith.constant 0 : i32
    %dma_start3A_5 = arith.constant 0 : i32
    %dma_start3A_6 = tpu.memref_slice %arg2[%dma_start3A_4, %dma_start3A_5] : memref<10000x128xf32, #tpu.memory_space<hbm>> -> memref<10000x128xf32, #tpu.memory_space<hbm>>
    tpu.enqueue_indirect_dma source(%dma_start3A_6 : memref<10000x128xf32, #tpu.memory_space<hbm>>) target(%arg9 : memref<96x128xf32, #tpu.memory_space<vmem>>) offsets(%dma_start3A_3 : memref<96xi32, #tpu.memory_space<vmem>>) semaphore(%arg12 : memref<!tpu.dma_semaphore, #tpu.memory_space<semaphore_mem>>)
    %dma_start3A_7 = arith.constant 96 : i32
    %dma_start3A_8 = tpu.memref_slice %arg7[%dma_start3A_7] : memref<10176xi32, #tpu.memory_space<vmem>> -> memref<96xi32, #tpu.memory_space<vmem>>
    %dma_start3A_9 = arith.constant 0 : i32
    %dma_start3A_10 = arith.constant 0 : i32
    %dma_start3A_11 = tpu.memref_slice %arg2[%dma_start3A_9, %dma_start3A_10] : memref<10000x128xf32, #tpu.memory_space<hbm>> -> memref<10000x128xf32, #tpu.memory_space<hbm>>
    tpu.enqueue_indirect_dma source(%dma_start3A_11 : memref<10000x128xf32, #tpu.memory_space<hbm>>) target(%arg10 : memref<96x128xf32, #tpu.memory_space<vmem>>) offsets(%dma_start3A_8 : memref<96xi32, #tpu.memory_space<vmem>>) semaphore(%arg13 : memref<!tpu.dma_semaphore, #tpu.memory_space<semaphore_mem>>)
    %scan3A = arith.constant 0 : i32
    %scan3A_12 = arith.constant 0 : i32
    %scan3A_13 = arith.constant 53 : i32
    %scan3A_14 = arith.addi %scan3A_12, %scan3A_13 : i32
    %scan3A_15 = arith.constant 1 : i32
    scf.for %scan3A_18 = %scan3A_12 to %scan3A_14 step %scan3A_15  : i32 {
      %mul3A_19 = arith.constant 2 : i32
      %mul3A_20 = arith.muli %mul3A_19, %scan3A_18 : i32
      %dma_wait3A = arith.constant 0 : i32
      %dma_wait3A_21 = tpu.memref_slice %arg7[%dma_wait3A] : memref<10176xi32, #tpu.memory_space<vmem>> -> memref<96xi32, #tpu.memory_space<vmem>>
      %dma_wait3A_22 = arith.constant 0 : i32
      %dma_wait3A_23 = arith.constant 0 : i32
      %dma_wait3A_24 = tpu.memref_slice %arg2[%dma_wait3A_22, %dma_wait3A_23] : memref<10000x128xf32, #tpu.memory_space<hbm>> -> memref<10000x128xf32, #tpu.memory_space<hbm>>
      tpu.wait_indirect_dma semaphore(%arg12 : memref<!tpu.dma_semaphore, #tpu.memory_space<semaphore_mem>>) src(%dma_wait3A_24 : memref<10000x128xf32, #tpu.memory_space<hbm>>) dst(%arg9 : memref<96x128xf32, #tpu.memory_space<vmem>>)
      "tpu.region"() ({
        %run_scoped3A = tpu.sem_alloc : memref<!tpu.dma_semaphore, #tpu.memory_space<semaphore_mem>>
        %dma_start3A_43 = arith.constant 0 : i32
        %dma_start3A_44 = tpu.memref_slice %arg8[%mul3A_20, %dma_start3A_43] : memref<106x96xi32, #tpu.memory_space<vmem>> -> memref<1x96xi32, #tpu.memory_space<vmem>>
        %dma_start3A_45 = tpu.memref_squeeze %dma_start3A_44 : memref<1x96xi32, #tpu.memory_space<vmem>> -> memref<96xi32, #tpu.memory_space<vmem>>
        %dma_start3A_46 = arith.constant 0 : i32
        %dma_start3A_47 = arith.constant 0 : i32
        %dma_start3A_48 = tpu.memref_slice %arg11[%dma_start3A_46, %dma_start3A_47] : memref<10240x128xf32, #tpu.memory_space<vmem_shared>> -> memref<10240x128xf32, #tpu.memory_space<vmem_shared>>
        tpu.enqueue_indirect_dma source(%arg9 : memref<96x128xf32, #tpu.memory_space<vmem>>) target(%dma_start3A_48 : memref<10240x128xf32, #tpu.memory_space<vmem_shared>>) offsets(%dma_start3A_45 : memref<96xi32, #tpu.memory_space<vmem>>) semaphore(%run_scoped3A : memref<!tpu.dma_semaphore, #tpu.memory_space<semaphore_mem>>) {add = true}
        %dma_wait3A_49 = arith.constant 0 : i32
        %dma_wait3A_50 = tpu.memref_slice %arg8[%mul3A_20, %dma_wait3A_49] : memref<106x96xi32, #tpu.memory_space<vmem>> -> memref<1x96xi32, #tpu.memory_space<vmem>>
        %dma_wait3A_51 = tpu.memref_squeeze %dma_wait3A_50 : memref<1x96xi32, #tpu.memory_space<vmem>> -> memref<96xi32, #tpu.memory_space<vmem>>
        %dma_wait3A_52 = arith.constant 0 : i32
        %dma_wait3A_53 = arith.constant 0 : i32
        %dma_wait3A_54 = tpu.memref_slice %arg11[%dma_wait3A_52, %dma_wait3A_53] : memref<10240x128xf32, #tpu.memory_space<vmem_shared>> -> memref<10240x128xf32, #tpu.memory_space<vmem_shared>>
        tpu.wait_indirect_dma semaphore(%run_scoped3A : memref<!tpu.dma_semaphore, #tpu.memory_space<semaphore_mem>>) src(%arg9 : memref<96x128xf32, #tpu.memory_space<vmem>>) dst(%dma_wait3A_54 : memref<10240x128xf32, #tpu.memory_space<vmem_shared>>)
        tpu.yield
      }) : () -> ()
      %add3A_25 = arith.constant 2 : i32
      %add3A_26 = arith.addi %mul3A_20, %add3A_25 : i32
      %lt3A = arith.constant 106 : i32
      %lt3A_27 = arith.cmpi slt, %add3A_26, %lt3A : i32
      %convert_element_type3A = arith.extui %lt3A_27 : i1 to i32
      %cond3A = arith.constant 0 : i32
      %cond3A_28 = arith.cmpi ne, %convert_element_type3A, %cond3A : i32
      scf.if %cond3A_28 {
        %add3A_43 = arith.constant 2 : i32
        %add3A_44 = arith.addi %mul3A_20, %add3A_43 : i32
        %mul3A_45 = arith.constant 96 : i32
        %mul3A_46 = arith.muli %add3A_44, %mul3A_45 : i32
        %dma_start3A_47 = tpu.memref_slice %arg7[%mul3A_46] : memref<10176xi32, #tpu.memory_space<vmem>> -> memref<96xi32, #tpu.memory_space<vmem>>
        %dma_start3A_48 = arith.constant 0 : i32
        %dma_start3A_49 = arith.constant 0 : i32
        %dma_start3A_50 = tpu.memref_slice %arg2[%dma_start3A_48, %dma_start3A_49] : memref<10000x128xf32, #tpu.memory_space<hbm>> -> memref<10000x128xf32, #tpu.memory_space<hbm>>
        tpu.enqueue_indirect_dma source(%dma_start3A_50 : memref<10000x128xf32, #tpu.memory_space<hbm>>) target(%arg9 : memref<96x128xf32, #tpu.memory_space<vmem>>) offsets(%dma_start3A_47 : memref<96xi32, #tpu.memory_space<vmem>>) semaphore(%arg12 : memref<!tpu.dma_semaphore, #tpu.memory_space<semaphore_mem>>)
      } else {
      }
      %dma_wait3A_29 = arith.constant 0 : i32
      %dma_wait3A_30 = tpu.memref_slice %arg7[%dma_wait3A_29] : memref<10176xi32, #tpu.memory_space<vmem>> -> memref<96xi32, #tpu.memory_space<vmem>>
      %dma_wait3A_31 = arith.constant 0 : i32
      %dma_wait3A_32 = arith.constant 0 : i32
      %dma_wait3A_33 = tpu.memref_slice %arg2[%dma_wait3A_31, %dma_wait3A_32] : memref<10000x128xf32, #tpu.memory_space<hbm>> -> memref<10000x128xf32, #tpu.memory_space<hbm>>
      tpu.wait_indirect_dma semaphore(%arg13 : memref<!tpu.dma_semaphore, #tpu.memory_space<semaphore_mem>>) src(%dma_wait3A_33 : memref<10000x128xf32, #tpu.memory_space<hbm>>) dst(%arg10 : memref<96x128xf32, #tpu.memory_space<vmem>>)
      %add3A_34 = arith.constant 1 : i32
      %add3A_35 = arith.addi %mul3A_20, %add3A_34 : i32
      "tpu.region"() ({
        %run_scoped3A = tpu.sem_alloc : memref<!tpu.dma_semaphore, #tpu.memory_space<semaphore_mem>>
        %dma_start3A_43 = arith.constant 0 : i32
        %dma_start3A_44 = tpu.memref_slice %arg8[%add3A_35, %dma_start3A_43] : memref<106x96xi32, #tpu.memory_space<vmem>> -> memref<1x96xi32, #tpu.memory_space<vmem>>
        %dma_start3A_45 = tpu.memref_squeeze %dma_start3A_44 : memref<1x96xi32, #tpu.memory_space<vmem>> -> memref<96xi32, #tpu.memory_space<vmem>>
        %dma_start3A_46 = arith.constant 0 : i32
        %dma_start3A_47 = arith.constant 0 : i32
        %dma_start3A_48 = tpu.memref_slice %arg11[%dma_start3A_46, %dma_start3A_47] : memref<10240x128xf32, #tpu.memory_space<vmem_shared>> -> memref<10240x128xf32, #tpu.memory_space<vmem_shared>>
        tpu.enqueue_indirect_dma source(%arg10 : memref<96x128xf32, #tpu.memory_space<vmem>>) target(%dma_start3A_48 : memref<10240x128xf32, #tpu.memory_space<vmem_shared>>) offsets(%dma_start3A_45 : memref<96xi32, #tpu.memory_space<vmem>>) semaphore(%run_scoped3A : memref<!tpu.dma_semaphore, #tpu.memory_space<semaphore_mem>>) {add = true}
        %dma_wait3A_49 = arith.constant 0 : i32
        %dma_wait3A_50 = tpu.memref_slice %arg8[%add3A_35, %dma_wait3A_49] : memref<106x96xi32, #tpu.memory_space<vmem>> -> memref<1x96xi32, #tpu.memory_space<vmem>>
        %dma_wait3A_51 = tpu.memref_squeeze %dma_wait3A_50 : memref<1x96xi32, #tpu.memory_space<vmem>> -> memref<96xi32, #tpu.memory_space<vmem>>
        %dma_wait3A_52 = arith.constant 0 : i32
        %dma_wait3A_53 = arith.constant 0 : i32
        %dma_wait3A_54 = tpu.memref_slice %arg11[%dma_wait3A_52, %dma_wait3A_53] : memref<10240x128xf32, #tpu.memory_space<vmem_shared>> -> memref<10240x128xf32, #tpu.memory_space<vmem_shared>>
        tpu.wait_indirect_dma semaphore(%run_scoped3A : memref<!tpu.dma_semaphore, #tpu.memory_space<semaphore_mem>>) src(%arg10 : memref<96x128xf32, #tpu.memory_space<vmem>>) dst(%dma_wait3A_54 : memref<10240x128xf32, #tpu.memory_space<vmem_shared>>)
        tpu.yield
      }) : () -> ()
      %add3A_36 = arith.constant 3 : i32
      %add3A_37 = arith.addi %mul3A_20, %add3A_36 : i32
      %lt3A_38 = arith.constant 106 : i32
      %lt3A_39 = arith.cmpi slt, %add3A_37, %lt3A_38 : i32
      %convert_element_type3A_40 = arith.extui %lt3A_39 : i1 to i32
      %cond3A_41 = arith.constant 0 : i32
      %cond3A_42 = arith.cmpi ne, %convert_element_type3A_40, %cond3A_41 : i32
      scf.if %cond3A_42 {
        %add3A_43 = arith.constant 3 : i32
        %add3A_44 = arith.addi %mul3A_20, %add3A_43 : i32
        %mul3A_45 = arith.constant 96 : i32
        %mul3A_46 = arith.muli %add3A_44, %mul3A_45 : i32
        %dma_start3A_47 = tpu.memref_slice %arg7[%mul3A_46] : memref<10176xi32, #tpu.memory_space<vmem>> -> memref<96xi32, #tpu.memory_space<vmem>>
        %dma_start3A_48 = arith.constant 0 : i32
        %dma_start3A_49 = arith.constant 0 : i32
        %dma_start3A_50 = tpu.memref_slice %arg2[%dma_start3A_48, %dma_start3A_49] : memref<10000x128xf32, #tpu.memory_space<hbm>> -> memref<10000x128xf32, #tpu.memory_space<hbm>>
        tpu.enqueue_indirect_dma source(%dma_start3A_50 : memref<10000x128xf32, #tpu.memory_space<hbm>>) target(%arg10 : memref<96x128xf32, #tpu.memory_space<vmem>>) offsets(%dma_start3A_47 : memref<96xi32, #tpu.memory_space<vmem>>) semaphore(%arg13 : memref<!tpu.dma_semaphore, #tpu.memory_space<semaphore_mem>>)
      } else {
      }
    }
    %scan3A_16 = arith.constant 53 : i32
    %barrier3A_17 = arith.constant 0 : index
    tpu.barrier barrier_id(%barrier3A_17)
    "tpu.region"() ({
      %run_scoped3A = tpu.sem_alloc : memref<!tpu.dma_semaphore, #tpu.memory_space<semaphore_mem>>
      %dma_start3A_18 = arith.constant 0 : i32
      %dma_start3A_19 = tpu.memref_slice %arg6[%arg0, %mul3A_2, %dma_start3A_18] : memref<2x10240x128xf32, #tpu.memory_space<hbm>> -> memref<1x640x128xf32, #tpu.memory_space<hbm>>
      %dma_start3A_20 = tpu.memref_squeeze %dma_start3A_19 : memref<1x640x128xf32, #tpu.memory_space<hbm>> -> memref<640x128xf32, #tpu.memory_space<hbm>>
      %dma_start3A_21 = arith.constant 0 : i32
      %dma_start3A_22 = tpu.memref_slice %arg11[%mul3A_2, %dma_start3A_21] : memref<10240x128xf32, #tpu.memory_space<vmem_shared>> -> memref<640x128xf32, #tpu.memory_space<vmem_shared>>
      tpu.enqueue_dma source(%dma_start3A_22 : memref<640x128xf32, #tpu.memory_space<vmem_shared>>) target(%dma_start3A_20 : memref<640x128xf32, #tpu.memory_space<hbm>>) target_semaphore(%run_scoped3A : memref<!tpu.dma_semaphore, #tpu.memory_space<semaphore_mem>>)
      %dma_wait3A = arith.constant 0 : i32
      %dma_wait3A_23 = tpu.memref_slice %arg6[%arg0, %mul3A_2, %dma_wait3A] : memref<2x10240x128xf32, #tpu.memory_space<hbm>> -> memref<1x640x128xf32, #tpu.memory_space<hbm>>
      %dma_wait3A_24 = tpu.memref_squeeze %dma_wait3A_23 : memref<1x640x128xf32, #tpu.memory_space<hbm>> -> memref<640x128xf32, #tpu.memory_space<hbm>>
      %dma_wait3A_25 = arith.constant 0 : i32
      %dma_wait3A_26 = tpu.memref_slice %arg11[%mul3A_2, %dma_wait3A_25] : memref<10240x128xf32, #tpu.memory_space<vmem_shared>> -> memref<640x128xf32, #tpu.memory_space<vmem_shared>>
      tpu.wait_dma2 semaphore(%run_scoped3A : memref<!tpu.dma_semaphore, #tpu.memory_space<semaphore_mem>>) src(%dma_wait3A_26 : memref<640x128xf32, #tpu.memory_space<vmem_shared>>) dst(%dma_wait3A_24 : memref<640x128xf32, #tpu.memory_space<hbm>>)
      tpu.yield
    }) : () -> ()
    return
  }
}

#map = affine_map<(d0, d1) -> (0, 0, 0)>
#map1 = affine_map<(d0, d1) -> (0, 0)>
module attributes {stable_mosaic.version = 14 : i64} {
  func.func @_sc_degree(%arg0: i32, %arg1: i32, %arg2: memref<32x106x96xi32, #tpu.memory_space<hbm>>, %arg3: memref<96x128xf32, #tpu.memory_space<hbm>>, %arg4: memref<10240x128xf32, #tpu.memory_space<hbm>>, %arg5: memref<2x10240x128xf32, #tpu.memory_space<hbm>>, %arg6: memref<106x96xi32, #tpu.memory_space<vmem>>, %arg7: memref<96x128xf32, #tpu.memory_space<vmem>>, %arg8: memref<10240x128xf32, #tpu.memory_space<vmem_shared>>) attributes {dimension_semantics = [#tpu.dimension_semantics<core_parallel>, #tpu.dimension_semantics<subcore_parallel>], iteration_bounds = array<i64: 2, 16>, scalar_prefetch = 0 : i64, scratch_operands = 3 : i64, tpu.core_type = #tpu.core_type<sc_vector_subcore>, window_params = [{transform_indices = #map}, {transform_indices = #map1}, {transform_indices = #map1}, {transform_indices = #map}]} {
    %mul3A = arith.constant 16 : i32
    %mul3A_0 = arith.muli %arg0, %mul3A : i32
    %add3A = arith.addi %mul3A_0, %arg1 : i32
    %mul3A_1 = arith.constant 640 : i32
    %mul3A_2 = arith.muli %arg1, %mul3A_1 : i32
    "tpu.region"() ({
      %run_scoped3A = tpu.sem_alloc : memref<!tpu.dma_semaphore, #tpu.memory_space<semaphore_mem>>
      %dma_start3A = arith.constant 0 : i32
      %dma_start3A_9 = tpu.memref_slice %arg8[%mul3A_2, %dma_start3A] : memref<10240x128xf32, #tpu.memory_space<vmem_shared>> -> memref<640x128xf32, #tpu.memory_space<vmem_shared>>
      %dma_start3A_10 = arith.constant 0 : i32
      %dma_start3A_11 = tpu.memref_slice %arg4[%mul3A_2, %dma_start3A_10] : memref<10240x128xf32, #tpu.memory_space<hbm>> -> memref<640x128xf32, #tpu.memory_space<hbm>>
      tpu.enqueue_dma source(%dma_start3A_11 : memref<640x128xf32, #tpu.memory_space<hbm>>) target(%dma_start3A_9 : memref<640x128xf32, #tpu.memory_space<vmem_shared>>) target_semaphore(%run_scoped3A : memref<!tpu.dma_semaphore, #tpu.memory_space<semaphore_mem>>)
      %dma_wait3A = arith.constant 0 : i32
      %dma_wait3A_12 = tpu.memref_slice %arg8[%mul3A_2, %dma_wait3A] : memref<10240x128xf32, #tpu.memory_space<vmem_shared>> -> memref<640x128xf32, #tpu.memory_space<vmem_shared>>
      %dma_wait3A_13 = arith.constant 0 : i32
      %dma_wait3A_14 = tpu.memref_slice %arg4[%mul3A_2, %dma_wait3A_13] : memref<10240x128xf32, #tpu.memory_space<hbm>> -> memref<640x128xf32, #tpu.memory_space<hbm>>
      tpu.wait_dma2 semaphore(%run_scoped3A : memref<!tpu.dma_semaphore, #tpu.memory_space<semaphore_mem>>) src(%dma_wait3A_14 : memref<640x128xf32, #tpu.memory_space<hbm>>) dst(%dma_wait3A_12 : memref<640x128xf32, #tpu.memory_space<vmem_shared>>)
      tpu.yield
    }) : () -> ()
    "tpu.region"() ({
      %run_scoped3A = tpu.sem_alloc : memref<!tpu.dma_semaphore, #tpu.memory_space<semaphore_mem>>
      tpu.enqueue_dma source(%arg3 : memref<96x128xf32, #tpu.memory_space<hbm>>) target(%arg7 : memref<96x128xf32, #tpu.memory_space<vmem>>) target_semaphore(%run_scoped3A : memref<!tpu.dma_semaphore, #tpu.memory_space<semaphore_mem>>)
      tpu.wait_dma2 semaphore(%run_scoped3A : memref<!tpu.dma_semaphore, #tpu.memory_space<semaphore_mem>>) src(%arg3 : memref<96x128xf32, #tpu.memory_space<hbm>>) dst(%arg7 : memref<96x128xf32, #tpu.memory_space<vmem>>)
      tpu.yield
    }) : () -> ()
    "tpu.region"() ({
      %run_scoped3A = tpu.sem_alloc : memref<!tpu.dma_semaphore, #tpu.memory_space<semaphore_mem>>
      %dma_start3A = arith.constant 0 : i32
      %dma_start3A_9 = arith.constant 0 : i32
      %dma_start3A_10 = tpu.memref_slice %arg2[%add3A, %dma_start3A, %dma_start3A_9] : memref<32x106x96xi32, #tpu.memory_space<hbm>> -> memref<1x106x96xi32, #tpu.memory_space<hbm>>
      %dma_start3A_11 = tpu.memref_squeeze %dma_start3A_10 : memref<1x106x96xi32, #tpu.memory_space<hbm>> -> memref<106x96xi32, #tpu.memory_space<hbm>>
      %dma_start3A_12 = arith.constant 0 : i32
      %dma_start3A_13 = arith.constant 0 : i32
      %dma_start3A_14 = tpu.memref_slice %arg2[%add3A, %dma_start3A_12, %dma_start3A_13] : memref<32x106x96xi32, #tpu.memory_space<hbm>> -> memref<1x106x96xi32, #tpu.memory_space<hbm>>
      %dma_start3A_15 = tpu.memref_squeeze %dma_start3A_14 : memref<1x106x96xi32, #tpu.memory_space<hbm>> -> memref<106x96xi32, #tpu.memory_space<hbm>>
      tpu.enqueue_dma source(%dma_start3A_15 : memref<106x96xi32, #tpu.memory_space<hbm>>) target(%arg6 : memref<106x96xi32, #tpu.memory_space<vmem>>) target_semaphore(%run_scoped3A : memref<!tpu.dma_semaphore, #tpu.memory_space<semaphore_mem>>)
      %dma_wait3A = arith.constant 0 : i32
      %dma_wait3A_16 = arith.constant 0 : i32
      %dma_wait3A_17 = tpu.memref_slice %arg2[%add3A, %dma_wait3A, %dma_wait3A_16] : memref<32x106x96xi32, #tpu.memory_space<hbm>> -> memref<1x106x96xi32, #tpu.memory_space<hbm>>
      %dma_wait3A_18 = tpu.memref_squeeze %dma_wait3A_17 : memref<1x106x96xi32, #tpu.memory_space<hbm>> -> memref<106x96xi32, #tpu.memory_space<hbm>>
      %dma_wait3A_19 = arith.constant 0 : i32
      %dma_wait3A_20 = arith.constant 0 : i32
      %dma_wait3A_21 = tpu.memref_slice %arg2[%add3A, %dma_wait3A_19, %dma_wait3A_20] : memref<32x106x96xi32, #tpu.memory_space<hbm>> -> memref<1x106x96xi32, #tpu.memory_space<hbm>>
      %dma_wait3A_22 = tpu.memref_squeeze %dma_wait3A_21 : memref<1x106x96xi32, #tpu.memory_space<hbm>> -> memref<106x96xi32, #tpu.memory_space<hbm>>
      tpu.wait_dma2 semaphore(%run_scoped3A : memref<!tpu.dma_semaphore, #tpu.memory_space<semaphore_mem>>) src(%dma_wait3A_22 : memref<106x96xi32, #tpu.memory_space<hbm>>) dst(%arg6 : memref<106x96xi32, #tpu.memory_space<vmem>>)
      tpu.yield
    }) : () -> ()
    %barrier3A = arith.constant 0 : index
    tpu.barrier barrier_id(%barrier3A)
    %scan3A = arith.constant 0 : i32
    %scan3A_3 = arith.constant 0 : i32
    %scan3A_4 = arith.constant 106 : i32
    %scan3A_5 = arith.addi %scan3A_3, %scan3A_4 : i32
    %scan3A_6 = arith.constant 1 : i32
    scf.for %scan3A_9 = %scan3A_3 to %scan3A_5 step %scan3A_6  : i32 {
      "tpu.region"() ({
        %run_scoped3A = tpu.sem_alloc : memref<!tpu.dma_semaphore, #tpu.memory_space<semaphore_mem>>
        %dma_start3A = arith.constant 0 : i32
        %dma_start3A_10 = tpu.memref_slice %arg6[%scan3A_9, %dma_start3A] : memref<106x96xi32, #tpu.memory_space<vmem>> -> memref<1x96xi32, #tpu.memory_space<vmem>>
        %dma_start3A_11 = tpu.memref_squeeze %dma_start3A_10 : memref<1x96xi32, #tpu.memory_space<vmem>> -> memref<96xi32, #tpu.memory_space<vmem>>
        %dma_start3A_12 = arith.constant 0 : i32
        %dma_start3A_13 = arith.constant 0 : i32
        %dma_start3A_14 = tpu.memref_slice %arg8[%dma_start3A_12, %dma_start3A_13] : memref<10240x128xf32, #tpu.memory_space<vmem_shared>> -> memref<10240x128xf32, #tpu.memory_space<vmem_shared>>
        tpu.enqueue_indirect_dma source(%arg7 : memref<96x128xf32, #tpu.memory_space<vmem>>) target(%dma_start3A_14 : memref<10240x128xf32, #tpu.memory_space<vmem_shared>>) offsets(%dma_start3A_11 : memref<96xi32, #tpu.memory_space<vmem>>) semaphore(%run_scoped3A : memref<!tpu.dma_semaphore, #tpu.memory_space<semaphore_mem>>) {add = true}
        %dma_wait3A = arith.constant 0 : i32
        %dma_wait3A_15 = tpu.memref_slice %arg6[%scan3A_9, %dma_wait3A] : memref<106x96xi32, #tpu.memory_space<vmem>> -> memref<1x96xi32, #tpu.memory_space<vmem>>
        %dma_wait3A_16 = tpu.memref_squeeze %dma_wait3A_15 : memref<1x96xi32, #tpu.memory_space<vmem>> -> memref<96xi32, #tpu.memory_space<vmem>>
        %dma_wait3A_17 = arith.constant 0 : i32
        %dma_wait3A_18 = arith.constant 0 : i32
        %dma_wait3A_19 = tpu.memref_slice %arg8[%dma_wait3A_17, %dma_wait3A_18] : memref<10240x128xf32, #tpu.memory_space<vmem_shared>> -> memref<10240x128xf32, #tpu.memory_space<vmem_shared>>
        tpu.wait_indirect_dma semaphore(%run_scoped3A : memref<!tpu.dma_semaphore, #tpu.memory_space<semaphore_mem>>) src(%arg7 : memref<96x128xf32, #tpu.memory_space<vmem>>) dst(%dma_wait3A_19 : memref<10240x128xf32, #tpu.memory_space<vmem_shared>>)
        tpu.yield
      }) : () -> ()
    }
    %scan3A_7 = arith.constant 106 : i32
    %barrier3A_8 = arith.constant 0 : index
    tpu.barrier barrier_id(%barrier3A_8)
    "tpu.region"() ({
      %run_scoped3A = tpu.sem_alloc : memref<!tpu.dma_semaphore, #tpu.memory_space<semaphore_mem>>
      %dma_start3A = arith.constant 0 : i32
      %dma_start3A_9 = tpu.memref_slice %arg5[%arg0, %mul3A_2, %dma_start3A] : memref<2x10240x128xf32, #tpu.memory_space<hbm>> -> memref<1x640x128xf32, #tpu.memory_space<hbm>>
      %dma_start3A_10 = tpu.memref_squeeze %dma_start3A_9 : memref<1x640x128xf32, #tpu.memory_space<hbm>> -> memref<640x128xf32, #tpu.memory_space<hbm>>
      %dma_start3A_11 = arith.constant 0 : i32
      %dma_start3A_12 = tpu.memref_slice %arg8[%mul3A_2, %dma_start3A_11] : memref<10240x128xf32, #tpu.memory_space<vmem_shared>> -> memref<640x128xf32, #tpu.memory_space<vmem_shared>>
      tpu.enqueue_dma source(%dma_start3A_12 : memref<640x128xf32, #tpu.memory_space<vmem_shared>>) target(%dma_start3A_10 : memref<640x128xf32, #tpu.memory_space<hbm>>) target_semaphore(%run_scoped3A : memref<!tpu.dma_semaphore, #tpu.memory_space<semaphore_mem>>)
      %dma_wait3A = arith.constant 0 : i32
      %dma_wait3A_13 = tpu.memref_slice %arg5[%arg0, %mul3A_2, %dma_wait3A] : memref<2x10240x128xf32, #tpu.memory_space<hbm>> -> memref<1x640x128xf32, #tpu.memory_space<hbm>>
      %dma_wait3A_14 = tpu.memref_squeeze %dma_wait3A_13 : memref<1x640x128xf32, #tpu.memory_space<hbm>> -> memref<640x128xf32, #tpu.memory_space<hbm>>
      %dma_wait3A_15 = arith.constant 0 : i32
      %dma_wait3A_16 = tpu.memref_slice %arg8[%mul3A_2, %dma_wait3A_15] : memref<10240x128xf32, #tpu.memory_space<vmem_shared>> -> memref<640x128xf32, #tpu.memory_space<vmem_shared>>
      tpu.wait_dma2 semaphore(%run_scoped3A : memref<!tpu.dma_semaphore, #tpu.memory_space<semaphore_mem>>) src(%dma_wait3A_16 : memref<640x128xf32, #tpu.memory_space<vmem_shared>>) dst(%dma_wait3A_14 : memref<640x128xf32, #tpu.memory_space<hbm>>)
      tpu.yield
    }) : () -> ()
    return
  }
}

#map = affine_map<(d0, d1) -> (0, 0)>
#map1 = affine_map<(d0, d1) -> (0, 0, 0)>
module attributes {stable_mosaic.version = 14 : i64} {
  func.func @_sc_scatter_rows(%arg0: i32, %arg1: i32, %arg2: memref<10000x128xf32, #tpu.memory_space<hbm>>, %arg3: memref<32x10176xi32, #tpu.memory_space<hbm>>, %arg4: memref<32x106x96xi32, #tpu.memory_space<hbm>>, %arg5: memref<10240x128xf32, #tpu.memory_space<hbm>>, %arg6: memref<2x10240x128xf32, #tpu.memory_space<hbm>>, %arg7: memref<10176xi32, #tpu.memory_space<vmem>>, %arg8: memref<106x96xi32, #tpu.memory_space<vmem>>, %arg9: memref<96x128xf32, #tpu.memory_space<vmem>>, %arg10: memref<96x128xf32, #tpu.memory_space<vmem>>, %arg11: memref<10240x128xf32, #tpu.memory_space<vmem_shared>>, %arg12: memref<!tpu.dma_semaphore, #tpu.memory_space<semaphore_mem>>, %arg13: memref<!tpu.dma_semaphore, #tpu.memory_space<semaphore_mem>>) attributes {dimension_semantics = [#tpu.dimension_semantics<core_parallel>, #tpu.dimension_semantics<subcore_parallel>], iteration_bounds = array<i64: 2, 16>, scalar_prefetch = 0 : i64, scratch_operands = 7 : i64, tpu.core_type = #tpu.core_type<sc_vector_subcore>, window_params = [{transform_indices = #map}, {transform_indices = #map}, {transform_indices = #map1}, {transform_indices = #map}, {transform_indices = #map1}]} {
    %mul3A = arith.constant 16 : i32
    %mul3A_0 = arith.muli %arg0, %mul3A : i32
    %add3A = arith.addi %mul3A_0, %arg1 : i32
    %mul3A_1 = arith.constant 640 : i32
    %mul3A_2 = arith.muli %arg1, %mul3A_1 : i32
    "tpu.region"() ({
      %run_scoped3A = tpu.sem_alloc : memref<!tpu.dma_semaphore, #tpu.memory_space<semaphore_mem>>
      %dma_start3A_18 = arith.constant 0 : i32
      %dma_start3A_19 = tpu.memref_slice %arg11[%mul3A_2, %dma_start3A_18] : memref<10240x128xf32, #tpu.memory_space<vmem_shared>> -> memref<640x128xf32, #tpu.memory_space<vmem_shared>>
      %dma_start3A_20 = arith.constant 0 : i32
      %dma_start3A_21 = tpu.memref_slice %arg5[%mul3A_2, %dma_start3A_20] : memref<10240x128xf32, #tpu.memory_space<hbm>> -> memref<640x128xf32, #tpu.memory_space<hbm>>
      tpu.enqueue_dma source(%dma_start3A_21 : memref<640x128xf32, #tpu.memory_space<hbm>>) target(%dma_start3A_19 : memref<640x128xf32, #tpu.memory_space<vmem_shared>>) target_semaphore(%run_scoped3A : memref<!tpu.dma_semaphore, #tpu.memory_space<semaphore_mem>>)
      %dma_wait3A = arith.constant 0 : i32
      %dma_wait3A_22 = tpu.memref_slice %arg11[%mul3A_2, %dma_wait3A] : memref<10240x128xf32, #tpu.memory_space<vmem_shared>> -> memref<640x128xf32, #tpu.memory_space<vmem_shared>>
      %dma_wait3A_23 = arith.constant 0 : i32
      %dma_wait3A_24 = tpu.memref_slice %arg5[%mul3A_2, %dma_wait3A_23] : memref<10240x128xf32, #tpu.memory_space<hbm>> -> memref<640x128xf32, #tpu.memory_space<hbm>>
      tpu.wait_dma2 semaphore(%run_scoped3A : memref<!tpu.dma_semaphore, #tpu.memory_space<semaphore_mem>>) src(%dma_wait3A_24 : memref<640x128xf32, #tpu.memory_space<hbm>>) dst(%dma_wait3A_22 : memref<640x128xf32, #tpu.memory_space<vmem_shared>>)
      tpu.yield
    }) : () -> ()
    "tpu.region"() ({
      %run_scoped3A = tpu.sem_alloc : memref<!tpu.dma_semaphore, #tpu.memory_space<semaphore_mem>>
      %dma_start3A_18 = arith.constant 0 : i32
      %dma_start3A_19 = tpu.memref_slice %arg3[%add3A, %dma_start3A_18] : memref<32x10176xi32, #tpu.memory_space<hbm>> -> memref<1x10176xi32, #tpu.memory_space<hbm>>
      %dma_start3A_20 = tpu.memref_squeeze %dma_start3A_19 : memref<1x10176xi32, #tpu.memory_space<hbm>> -> memref<10176xi32, #tpu.memory_space<hbm>>
      %dma_start3A_21 = arith.constant 0 : i32
      %dma_start3A_22 = tpu.memref_slice %arg3[%add3A, %dma_start3A_21] : memref<32x10176xi32, #tpu.memory_space<hbm>> -> memref<1x10176xi32, #tpu.memory_space<hbm>>
      %dma_start3A_23 = tpu.memref_squeeze %dma_start3A_22 : memref<1x10176xi32, #tpu.memory_space<hbm>> -> memref<10176xi32, #tpu.memory_space<hbm>>
      tpu.enqueue_dma source(%dma_start3A_23 : memref<10176xi32, #tpu.memory_space<hbm>>) target(%arg7 : memref<10176xi32, #tpu.memory_space<vmem>>) target_semaphore(%run_scoped3A : memref<!tpu.dma_semaphore, #tpu.memory_space<semaphore_mem>>)
      %dma_wait3A = arith.constant 0 : i32
      %dma_wait3A_24 = tpu.memref_slice %arg3[%add3A, %dma_wait3A] : memref<32x10176xi32, #tpu.memory_space<hbm>> -> memref<1x10176xi32, #tpu.memory_space<hbm>>
      %dma_wait3A_25 = tpu.memref_squeeze %dma_wait3A_24 : memref<1x10176xi32, #tpu.memory_space<hbm>> -> memref<10176xi32, #tpu.memory_space<hbm>>
      %dma_wait3A_26 = arith.constant 0 : i32
      %dma_wait3A_27 = tpu.memref_slice %arg3[%add3A, %dma_wait3A_26] : memref<32x10176xi32, #tpu.memory_space<hbm>> -> memref<1x10176xi32, #tpu.memory_space<hbm>>
      %dma_wait3A_28 = tpu.memref_squeeze %dma_wait3A_27 : memref<1x10176xi32, #tpu.memory_space<hbm>> -> memref<10176xi32, #tpu.memory_space<hbm>>
      tpu.wait_dma2 semaphore(%run_scoped3A : memref<!tpu.dma_semaphore, #tpu.memory_space<semaphore_mem>>) src(%dma_wait3A_28 : memref<10176xi32, #tpu.memory_space<hbm>>) dst(%arg7 : memref<10176xi32, #tpu.memory_space<vmem>>)
      tpu.yield
    }) : () -> ()
    "tpu.region"() ({
      %run_scoped3A = tpu.sem_alloc : memref<!tpu.dma_semaphore, #tpu.memory_space<semaphore_mem>>
      %dma_start3A_18 = arith.constant 0 : i32
      %dma_start3A_19 = arith.constant 0 : i32
      %dma_start3A_20 = tpu.memref_slice %arg4[%add3A, %dma_start3A_18, %dma_start3A_19] : memref<32x106x96xi32, #tpu.memory_space<hbm>> -> memref<1x106x96xi32, #tpu.memory_space<hbm>>
      %dma_start3A_21 = tpu.memref_squeeze %dma_start3A_20 : memref<1x106x96xi32, #tpu.memory_space<hbm>> -> memref<106x96xi32, #tpu.memory_space<hbm>>
      %dma_start3A_22 = arith.constant 0 : i32
      %dma_start3A_23 = arith.constant 0 : i32
      %dma_start3A_24 = tpu.memref_slice %arg4[%add3A, %dma_start3A_22, %dma_start3A_23] : memref<32x106x96xi32, #tpu.memory_space<hbm>> -> memref<1x106x96xi32, #tpu.memory_space<hbm>>
      %dma_start3A_25 = tpu.memref_squeeze %dma_start3A_24 : memref<1x106x96xi32, #tpu.memory_space<hbm>> -> memref<106x96xi32, #tpu.memory_space<hbm>>
      tpu.enqueue_dma source(%dma_start3A_25 : memref<106x96xi32, #tpu.memory_space<hbm>>) target(%arg8 : memref<106x96xi32, #tpu.memory_space<vmem>>) target_semaphore(%run_scoped3A : memref<!tpu.dma_semaphore, #tpu.memory_space<semaphore_mem>>)
      %dma_wait3A = arith.constant 0 : i32
      %dma_wait3A_26 = arith.constant 0 : i32
      %dma_wait3A_27 = tpu.memref_slice %arg4[%add3A, %dma_wait3A, %dma_wait3A_26] : memref<32x106x96xi32, #tpu.memory_space<hbm>> -> memref<1x106x96xi32, #tpu.memory_space<hbm>>
      %dma_wait3A_28 = tpu.memref_squeeze %dma_wait3A_27 : memref<1x106x96xi32, #tpu.memory_space<hbm>> -> memref<106x96xi32, #tpu.memory_space<hbm>>
      %dma_wait3A_29 = arith.constant 0 : i32
      %dma_wait3A_30 = arith.constant 0 : i32
      %dma_wait3A_31 = tpu.memref_slice %arg4[%add3A, %dma_wait3A_29, %dma_wait3A_30] : memref<32x106x96xi32, #tpu.memory_space<hbm>> -> memref<1x106x96xi32, #tpu.memory_space<hbm>>
      %dma_wait3A_32 = tpu.memref_squeeze %dma_wait3A_31 : memref<1x106x96xi32, #tpu.memory_space<hbm>> -> memref<106x96xi32, #tpu.memory_space<hbm>>
      tpu.wait_dma2 semaphore(%run_scoped3A : memref<!tpu.dma_semaphore, #tpu.memory_space<semaphore_mem>>) src(%dma_wait3A_32 : memref<106x96xi32, #tpu.memory_space<hbm>>) dst(%arg8 : memref<106x96xi32, #tpu.memory_space<vmem>>)
      tpu.yield
    }) : () -> ()
    %barrier3A = arith.constant 0 : index
    tpu.barrier barrier_id(%barrier3A)
    %dma_start3A = arith.constant 0 : i32
    %dma_start3A_3 = tpu.memref_slice %arg7[%dma_start3A] : memref<10176xi32, #tpu.memory_space<vmem>> -> memref<96xi32, #tpu.memory_space<vmem>>
    %dma_start3A_4 = arith.constant 0 : i32
    %dma_start3A_5 = arith.constant 0 : i32
    %dma_start3A_6 = tpu.memref_slice %arg2[%dma_start3A_4, %dma_start3A_5] : memref<10000x128xf32, #tpu.memory_space<hbm>> -> memref<10000x128xf32, #tpu.memory_space<hbm>>
    tpu.enqueue_indirect_dma source(%dma_start3A_6 : memref<10000x128xf32, #tpu.memory_space<hbm>>) target(%arg9 : memref<96x128xf32, #tpu.memory_space<vmem>>) offsets(%dma_start3A_3 : memref<96xi32, #tpu.memory_space<vmem>>) semaphore(%arg12 : memref<!tpu.dma_semaphore, #tpu.memory_space<semaphore_mem>>)
    %dma_start3A_7 = arith.constant 96 : i32
    %dma_start3A_8 = tpu.memref_slice %arg7[%dma_start3A_7] : memref<10176xi32, #tpu.memory_space<vmem>> -> memref<96xi32, #tpu.memory_space<vmem>>
    %dma_start3A_9 = arith.constant 0 : i32
    %dma_start3A_10 = arith.constant 0 : i32
    %dma_start3A_11 = tpu.memref_slice %arg2[%dma_start3A_9, %dma_start3A_10] : memref<10000x128xf32, #tpu.memory_space<hbm>> -> memref<10000x128xf32, #tpu.memory_space<hbm>>
    tpu.enqueue_indirect_dma source(%dma_start3A_11 : memref<10000x128xf32, #tpu.memory_space<hbm>>) target(%arg10 : memref<96x128xf32, #tpu.memory_space<vmem>>) offsets(%dma_start3A_8 : memref<96xi32, #tpu.memory_space<vmem>>) semaphore(%arg13 : memref<!tpu.dma_semaphore, #tpu.memory_space<semaphore_mem>>)
    %scan3A = arith.constant 0 : i32
    %scan3A_12 = arith.constant 0 : i32
    %scan3A_13 = arith.constant 53 : i32
    %scan3A_14 = arith.addi %scan3A_12, %scan3A_13 : i32
    %scan3A_15 = arith.constant 1 : i32
    scf.for %scan3A_18 = %scan3A_12 to %scan3A_14 step %scan3A_15  : i32 {
      %mul3A_19 = arith.constant 2 : i32
      %mul3A_20 = arith.muli %mul3A_19, %scan3A_18 : i32
      %dma_wait3A = arith.constant 0 : i32
      %dma_wait3A_21 = tpu.memref_slice %arg7[%dma_wait3A] : memref<10176xi32, #tpu.memory_space<vmem>> -> memref<96xi32, #tpu.memory_space<vmem>>
      %dma_wait3A_22 = arith.constant 0 : i32
      %dma_wait3A_23 = arith.constant 0 : i32
      %dma_wait3A_24 = tpu.memref_slice %arg2[%dma_wait3A_22, %dma_wait3A_23] : memref<10000x128xf32, #tpu.memory_space<hbm>> -> memref<10000x128xf32, #tpu.memory_space<hbm>>
      tpu.wait_indirect_dma semaphore(%arg12 : memref<!tpu.dma_semaphore, #tpu.memory_space<semaphore_mem>>) src(%dma_wait3A_24 : memref<10000x128xf32, #tpu.memory_space<hbm>>) dst(%arg9 : memref<96x128xf32, #tpu.memory_space<vmem>>)
      "tpu.region"() ({
        %run_scoped3A = tpu.sem_alloc : memref<!tpu.dma_semaphore, #tpu.memory_space<semaphore_mem>>
        %dma_start3A_43 = arith.constant 0 : i32
        %dma_start3A_44 = tpu.memref_slice %arg8[%mul3A_20, %dma_start3A_43] : memref<106x96xi32, #tpu.memory_space<vmem>> -> memref<1x96xi32, #tpu.memory_space<vmem>>
        %dma_start3A_45 = tpu.memref_squeeze %dma_start3A_44 : memref<1x96xi32, #tpu.memory_space<vmem>> -> memref<96xi32, #tpu.memory_space<vmem>>
        %dma_start3A_46 = arith.constant 0 : i32
        %dma_start3A_47 = arith.constant 0 : i32
        %dma_start3A_48 = tpu.memref_slice %arg11[%dma_start3A_46, %dma_start3A_47] : memref<10240x128xf32, #tpu.memory_space<vmem_shared>> -> memref<10240x128xf32, #tpu.memory_space<vmem_shared>>
        tpu.enqueue_indirect_dma source(%arg9 : memref<96x128xf32, #tpu.memory_space<vmem>>) target(%dma_start3A_48 : memref<10240x128xf32, #tpu.memory_space<vmem_shared>>) offsets(%dma_start3A_45 : memref<96xi32, #tpu.memory_space<vmem>>) semaphore(%run_scoped3A : memref<!tpu.dma_semaphore, #tpu.memory_space<semaphore_mem>>) {add = true}
        %dma_wait3A_49 = arith.constant 0 : i32
        %dma_wait3A_50 = tpu.memref_slice %arg8[%mul3A_20, %dma_wait3A_49] : memref<106x96xi32, #tpu.memory_space<vmem>> -> memref<1x96xi32, #tpu.memory_space<vmem>>
        %dma_wait3A_51 = tpu.memref_squeeze %dma_wait3A_50 : memref<1x96xi32, #tpu.memory_space<vmem>> -> memref<96xi32, #tpu.memory_space<vmem>>
        %dma_wait3A_52 = arith.constant 0 : i32
        %dma_wait3A_53 = arith.constant 0 : i32
        %dma_wait3A_54 = tpu.memref_slice %arg11[%dma_wait3A_52, %dma_wait3A_53] : memref<10240x128xf32, #tpu.memory_space<vmem_shared>> -> memref<10240x128xf32, #tpu.memory_space<vmem_shared>>
        tpu.wait_indirect_dma semaphore(%run_scoped3A : memref<!tpu.dma_semaphore, #tpu.memory_space<semaphore_mem>>) src(%arg9 : memref<96x128xf32, #tpu.memory_space<vmem>>) dst(%dma_wait3A_54 : memref<10240x128xf32, #tpu.memory_space<vmem_shared>>)
        tpu.yield
      }) : () -> ()
      %add3A_25 = arith.constant 2 : i32
      %add3A_26 = arith.addi %mul3A_20, %add3A_25 : i32
      %lt3A = arith.constant 106 : i32
      %lt3A_27 = arith.cmpi slt, %add3A_26, %lt3A : i32
      %convert_element_type3A = arith.extui %lt3A_27 : i1 to i32
      %cond3A = arith.constant 0 : i32
      %cond3A_28 = arith.cmpi ne, %convert_element_type3A, %cond3A : i32
      scf.if %cond3A_28 {
        %add3A_43 = arith.constant 2 : i32
        %add3A_44 = arith.addi %mul3A_20, %add3A_43 : i32
        %mul3A_45 = arith.constant 96 : i32
        %mul3A_46 = arith.muli %add3A_44, %mul3A_45 : i32
        %dma_start3A_47 = tpu.memref_slice %arg7[%mul3A_46] : memref<10176xi32, #tpu.memory_space<vmem>> -> memref<96xi32, #tpu.memory_space<vmem>>
        %dma_start3A_48 = arith.constant 0 : i32
        %dma_start3A_49 = arith.constant 0 : i32
        %dma_start3A_50 = tpu.memref_slice %arg2[%dma_start3A_48, %dma_start3A_49] : memref<10000x128xf32, #tpu.memory_space<hbm>> -> memref<10000x128xf32, #tpu.memory_space<hbm>>
        tpu.enqueue_indirect_dma source(%dma_start3A_50 : memref<10000x128xf32, #tpu.memory_space<hbm>>) target(%arg9 : memref<96x128xf32, #tpu.memory_space<vmem>>) offsets(%dma_start3A_47 : memref<96xi32, #tpu.memory_space<vmem>>) semaphore(%arg12 : memref<!tpu.dma_semaphore, #tpu.memory_space<semaphore_mem>>)
      } else {
      }
      %dma_wait3A_29 = arith.constant 0 : i32
      %dma_wait3A_30 = tpu.memref_slice %arg7[%dma_wait3A_29] : memref<10176xi32, #tpu.memory_space<vmem>> -> memref<96xi32, #tpu.memory_space<vmem>>
      %dma_wait3A_31 = arith.constant 0 : i32
      %dma_wait3A_32 = arith.constant 0 : i32
      %dma_wait3A_33 = tpu.memref_slice %arg2[%dma_wait3A_31, %dma_wait3A_32] : memref<10000x128xf32, #tpu.memory_space<hbm>> -> memref<10000x128xf32, #tpu.memory_space<hbm>>
      tpu.wait_indirect_dma semaphore(%arg13 : memref<!tpu.dma_semaphore, #tpu.memory_space<semaphore_mem>>) src(%dma_wait3A_33 : memref<10000x128xf32, #tpu.memory_space<hbm>>) dst(%arg10 : memref<96x128xf32, #tpu.memory_space<vmem>>)
      %add3A_34 = arith.constant 1 : i32
      %add3A_35 = arith.addi %mul3A_20, %add3A_34 : i32
      "tpu.region"() ({
        %run_scoped3A = tpu.sem_alloc : memref<!tpu.dma_semaphore, #tpu.memory_space<semaphore_mem>>
        %dma_start3A_43 = arith.constant 0 : i32
        %dma_start3A_44 = tpu.memref_slice %arg8[%add3A_35, %dma_start3A_43] : memref<106x96xi32, #tpu.memory_space<vmem>> -> memref<1x96xi32, #tpu.memory_space<vmem>>
        %dma_start3A_45 = tpu.memref_squeeze %dma_start3A_44 : memref<1x96xi32, #tpu.memory_space<vmem>> -> memref<96xi32, #tpu.memory_space<vmem>>
        %dma_start3A_46 = arith.constant 0 : i32
        %dma_start3A_47 = arith.constant 0 : i32
        %dma_start3A_48 = tpu.memref_slice %arg11[%dma_start3A_46, %dma_start3A_47] : memref<10240x128xf32, #tpu.memory_space<vmem_shared>> -> memref<10240x128xf32, #tpu.memory_space<vmem_shared>>
        tpu.enqueue_indirect_dma source(%arg10 : memref<96x128xf32, #tpu.memory_space<vmem>>) target(%dma_start3A_48 : memref<10240x128xf32, #tpu.memory_space<vmem_shared>>) offsets(%dma_start3A_45 : memref<96xi32, #tpu.memory_space<vmem>>) semaphore(%run_scoped3A : memref<!tpu.dma_semaphore, #tpu.memory_space<semaphore_mem>>) {add = true}
        %dma_wait3A_49 = arith.constant 0 : i32
        %dma_wait3A_50 = tpu.memref_slice %arg8[%add3A_35, %dma_wait3A_49] : memref<106x96xi32, #tpu.memory_space<vmem>> -> memref<1x96xi32, #tpu.memory_space<vmem>>
        %dma_wait3A_51 = tpu.memref_squeeze %dma_wait3A_50 : memref<1x96xi32, #tpu.memory_space<vmem>> -> memref<96xi32, #tpu.memory_space<vmem>>
        %dma_wait3A_52 = arith.constant 0 : i32
        %dma_wait3A_53 = arith.constant 0 : i32
        %dma_wait3A_54 = tpu.memref_slice %arg11[%dma_wait3A_52, %dma_wait3A_53] : memref<10240x128xf32, #tpu.memory_space<vmem_shared>> -> memref<10240x128xf32, #tpu.memory_space<vmem_shared>>
        tpu.wait_indirect_dma semaphore(%run_scoped3A : memref<!tpu.dma_semaphore, #tpu.memory_space<semaphore_mem>>) src(%arg10 : memref<96x128xf32, #tpu.memory_space<vmem>>) dst(%dma_wait3A_54 : memref<10240x128xf32, #tpu.memory_space<vmem_shared>>)
        tpu.yield
      }) : () -> ()
      %add3A_36 = arith.constant 3 : i32
      %add3A_37 = arith.addi %mul3A_20, %add3A_36 : i32
      %lt3A_38 = arith.constant 106 : i32
      %lt3A_39 = arith.cmpi slt, %add3A_37, %lt3A_38 : i32
      %convert_element_type3A_40 = arith.extui %lt3A_39 : i1 to i32
      %cond3A_41 = arith.constant 0 : i32
      %cond3A_42 = arith.cmpi ne, %convert_element_type3A_40, %cond3A_41 : i32
      scf.if %cond3A_42 {
        %add3A_43 = arith.constant 3 : i32
        %add3A_44 = arith.addi %mul3A_20, %add3A_43 : i32
        %mul3A_45 = arith.constant 96 : i32
        %mul3A_46 = arith.muli %add3A_44, %mul3A_45 : i32
        %dma_start3A_47 = tpu.memref_slice %arg7[%mul3A_46] : memref<10176xi32, #tpu.memory_space<vmem>> -> memref<96xi32, #tpu.memory_space<vmem>>
        %dma_start3A_48 = arith.constant 0 : i32
        %dma_start3A_49 = arith.constant 0 : i32
        %dma_start3A_50 = tpu.memref_slice %arg2[%dma_start3A_48, %dma_start3A_49] : memref<10000x128xf32, #tpu.memory_space<hbm>> -> memref<10000x128xf32, #tpu.memory_space<hbm>>
        tpu.enqueue_indirect_dma source(%dma_start3A_50 : memref<10000x128xf32, #tpu.memory_space<hbm>>) target(%arg10 : memref<96x128xf32, #tpu.memory_space<vmem>>) offsets(%dma_start3A_47 : memref<96xi32, #tpu.memory_space<vmem>>) semaphore(%arg13 : memref<!tpu.dma_semaphore, #tpu.memory_space<semaphore_mem>>)
      } else {
      }
    }
    %scan3A_16 = arith.constant 53 : i32
    %barrier3A_17 = arith.constant 0 : index
    tpu.barrier barrier_id(%barrier3A_17)
    "tpu.region"() ({
      %run_scoped3A = tpu.sem_alloc : memref<!tpu.dma_semaphore, #tpu.memory_space<semaphore_mem>>
      %dma_start3A_18 = arith.constant 0 : i32
      %dma_start3A_19 = tpu.memref_slice %arg6[%arg0, %mul3A_2, %dma_start3A_18] : memref<2x10240x128xf32, #tpu.memory_space<hbm>> -> memref<1x640x128xf32, #tpu.memory_space<hbm>>
      %dma_start3A_20 = tpu.memref_squeeze %dma_start3A_19 : memref<1x640x128xf32, #tpu.memory_space<hbm>> -> memref<640x128xf32, #tpu.memory_space<hbm>>
      %dma_start3A_21 = arith.constant 0 : i32
      %dma_start3A_22 = tpu.memref_slice %arg11[%mul3A_2, %dma_start3A_21] : memref<10240x128xf32, #tpu.memory_space<vmem_shared>> -> memref<640x128xf32, #tpu.memory_space<vmem_shared>>
      tpu.enqueue_dma source(%dma_start3A_22 : memref<640x128xf32, #tpu.memory_space<vmem_shared>>) target(%dma_start3A_20 : memref<640x128xf32, #tpu.memory_space<hbm>>) target_semaphore(%run_scoped3A : memref<!tpu.dma_semaphore, #tpu.memory_space<semaphore_mem>>)
      %dma_wait3A = arith.constant 0 : i32
      %dma_wait3A_23 = tpu.memref_slice %arg6[%arg0, %mul3A_2, %dma_wait3A] : memref<2x10240x128xf32, #tpu.memory_space<hbm>> -> memref<1x640x128xf32, #tpu.memory_space<hbm>>
      %dma_wait3A_24 = tpu.memref_squeeze %dma_wait3A_23 : memref<1x640x128xf32, #tpu.memory_space<hbm>> -> memref<640x128xf32, #tpu.memory_space<hbm>>
      %dma_wait3A_25 = arith.constant 0 : i32
      %dma_wait3A_26 = tpu.memref_slice %arg11[%mul3A_2, %dma_wait3A_25] : memref<10240x128xf32, #tpu.memory_space<vmem_shared>> -> memref<640x128xf32, #tpu.memory_space<vmem_shared>>
      tpu.wait_dma2 semaphore(%run_scoped3A : memref<!tpu.dma_semaphore, #tpu.memory_space<semaphore_mem>>) src(%dma_wait3A_26 : memref<640x128xf32, #tpu.memory_space<vmem_shared>>) dst(%dma_wait3A_24 : memref<640x128xf32, #tpu.memory_space<hbm>>)
      tpu.yield
    }) : () -> ()
    return
  }
}

#map = affine_map<(d0, d1) -> (0, 0)>
#map1 = affine_map<(d0, d1) -> (0, 0, 0)>
module attributes {stable_mosaic.version = 14 : i64} {
  func.func @_sc_scatter_rows(%arg0: i32, %arg1: i32, %arg2: memref<10000x128xf32, #tpu.memory_space<hbm>>, %arg3: memref<32x10176xi32, #tpu.memory_space<hbm>>, %arg4: memref<32x106x96xi32, #tpu.memory_space<hbm>>, %arg5: memref<10240x128xf32, #tpu.memory_space<hbm>>, %arg6: memref<2x10240x128xf32, #tpu.memory_space<hbm>>, %arg7: memref<10176xi32, #tpu.memory_space<vmem>>, %arg8: memref<106x96xi32, #tpu.memory_space<vmem>>, %arg9: memref<96x128xf32, #tpu.memory_space<vmem>>, %arg10: memref<96x128xf32, #tpu.memory_space<vmem>>, %arg11: memref<10240x128xf32, #tpu.memory_space<vmem_shared>>, %arg12: memref<!tpu.dma_semaphore, #tpu.memory_space<semaphore_mem>>, %arg13: memref<!tpu.dma_semaphore, #tpu.memory_space<semaphore_mem>>) attributes {dimension_semantics = [#tpu.dimension_semantics<core_parallel>, #tpu.dimension_semantics<subcore_parallel>], iteration_bounds = array<i64: 2, 16>, scalar_prefetch = 0 : i64, scratch_operands = 7 : i64, tpu.core_type = #tpu.core_type<sc_vector_subcore>, window_params = [{transform_indices = #map}, {transform_indices = #map}, {transform_indices = #map1}, {transform_indices = #map}, {transform_indices = #map1}]} {
    %mul3A = arith.constant 16 : i32
    %mul3A_0 = arith.muli %arg0, %mul3A : i32
    %add3A = arith.addi %mul3A_0, %arg1 : i32
    %mul3A_1 = arith.constant 640 : i32
    %mul3A_2 = arith.muli %arg1, %mul3A_1 : i32
    "tpu.region"() ({
      %run_scoped3A = tpu.sem_alloc : memref<!tpu.dma_semaphore, #tpu.memory_space<semaphore_mem>>
      %dma_start3A_18 = arith.constant 0 : i32
      %dma_start3A_19 = tpu.memref_slice %arg11[%mul3A_2, %dma_start3A_18] : memref<10240x128xf32, #tpu.memory_space<vmem_shared>> -> memref<640x128xf32, #tpu.memory_space<vmem_shared>>
      %dma_start3A_20 = arith.constant 0 : i32
      %dma_start3A_21 = tpu.memref_slice %arg5[%mul3A_2, %dma_start3A_20] : memref<10240x128xf32, #tpu.memory_space<hbm>> -> memref<640x128xf32, #tpu.memory_space<hbm>>
      tpu.enqueue_dma source(%dma_start3A_21 : memref<640x128xf32, #tpu.memory_space<hbm>>) target(%dma_start3A_19 : memref<640x128xf32, #tpu.memory_space<vmem_shared>>) target_semaphore(%run_scoped3A : memref<!tpu.dma_semaphore, #tpu.memory_space<semaphore_mem>>)
      %dma_wait3A = arith.constant 0 : i32
      %dma_wait3A_22 = tpu.memref_slice %arg11[%mul3A_2, %dma_wait3A] : memref<10240x128xf32, #tpu.memory_space<vmem_shared>> -> memref<640x128xf32, #tpu.memory_space<vmem_shared>>
      %dma_wait3A_23 = arith.constant 0 : i32
      %dma_wait3A_24 = tpu.memref_slice %arg5[%mul3A_2, %dma_wait3A_23] : memref<10240x128xf32, #tpu.memory_space<hbm>> -> memref<640x128xf32, #tpu.memory_space<hbm>>
      tpu.wait_dma2 semaphore(%run_scoped3A : memref<!tpu.dma_semaphore, #tpu.memory_space<semaphore_mem>>) src(%dma_wait3A_24 : memref<640x128xf32, #tpu.memory_space<hbm>>) dst(%dma_wait3A_22 : memref<640x128xf32, #tpu.memory_space<vmem_shared>>)
      tpu.yield
    }) : () -> ()
    "tpu.region"() ({
      %run_scoped3A = tpu.sem_alloc : memref<!tpu.dma_semaphore, #tpu.memory_space<semaphore_mem>>
      %dma_start3A_18 = arith.constant 0 : i32
      %dma_start3A_19 = tpu.memref_slice %arg3[%add3A, %dma_start3A_18] : memref<32x10176xi32, #tpu.memory_space<hbm>> -> memref<1x10176xi32, #tpu.memory_space<hbm>>
      %dma_start3A_20 = tpu.memref_squeeze %dma_start3A_19 : memref<1x10176xi32, #tpu.memory_space<hbm>> -> memref<10176xi32, #tpu.memory_space<hbm>>
      %dma_start3A_21 = arith.constant 0 : i32
      %dma_start3A_22 = tpu.memref_slice %arg3[%add3A, %dma_start3A_21] : memref<32x10176xi32, #tpu.memory_space<hbm>> -> memref<1x10176xi32, #tpu.memory_space<hbm>>
      %dma_start3A_23 = tpu.memref_squeeze %dma_start3A_22 : memref<1x10176xi32, #tpu.memory_space<hbm>> -> memref<10176xi32, #tpu.memory_space<hbm>>
      tpu.enqueue_dma source(%dma_start3A_23 : memref<10176xi32, #tpu.memory_space<hbm>>) target(%arg7 : memref<10176xi32, #tpu.memory_space<vmem>>) target_semaphore(%run_scoped3A : memref<!tpu.dma_semaphore, #tpu.memory_space<semaphore_mem>>)
      %dma_wait3A = arith.constant 0 : i32
      %dma_wait3A_24 = tpu.memref_slice %arg3[%add3A, %dma_wait3A] : memref<32x10176xi32, #tpu.memory_space<hbm>> -> memref<1x10176xi32, #tpu.memory_space<hbm>>
      %dma_wait3A_25 = tpu.memref_squeeze %dma_wait3A_24 : memref<1x10176xi32, #tpu.memory_space<hbm>> -> memref<10176xi32, #tpu.memory_space<hbm>>
      %dma_wait3A_26 = arith.constant 0 : i32
      %dma_wait3A_27 = tpu.memref_slice %arg3[%add3A, %dma_wait3A_26] : memref<32x10176xi32, #tpu.memory_space<hbm>> -> memref<1x10176xi32, #tpu.memory_space<hbm>>
      %dma_wait3A_28 = tpu.memref_squeeze %dma_wait3A_27 : memref<1x10176xi32, #tpu.memory_space<hbm>> -> memref<10176xi32, #tpu.memory_space<hbm>>
      tpu.wait_dma2 semaphore(%run_scoped3A : memref<!tpu.dma_semaphore, #tpu.memory_space<semaphore_mem>>) src(%dma_wait3A_28 : memref<10176xi32, #tpu.memory_space<hbm>>) dst(%arg7 : memref<10176xi32, #tpu.memory_space<vmem>>)
      tpu.yield
    }) : () -> ()
    "tpu.region"() ({
      %run_scoped3A = tpu.sem_alloc : memref<!tpu.dma_semaphore, #tpu.memory_space<semaphore_mem>>
      %dma_start3A_18 = arith.constant 0 : i32
      %dma_start3A_19 = arith.constant 0 : i32
      %dma_start3A_20 = tpu.memref_slice %arg4[%add3A, %dma_start3A_18, %dma_start3A_19] : memref<32x106x96xi32, #tpu.memory_space<hbm>> -> memref<1x106x96xi32, #tpu.memory_space<hbm>>
      %dma_start3A_21 = tpu.memref_squeeze %dma_start3A_20 : memref<1x106x96xi32, #tpu.memory_space<hbm>> -> memref<106x96xi32, #tpu.memory_space<hbm>>
      %dma_start3A_22 = arith.constant 0 : i32
      %dma_start3A_23 = arith.constant 0 : i32
      %dma_start3A_24 = tpu.memref_slice %arg4[%add3A, %dma_start3A_22, %dma_start3A_23] : memref<32x106x96xi32, #tpu.memory_space<hbm>> -> memref<1x106x96xi32, #tpu.memory_space<hbm>>
      %dma_start3A_25 = tpu.memref_squeeze %dma_start3A_24 : memref<1x106x96xi32, #tpu.memory_space<hbm>> -> memref<106x96xi32, #tpu.memory_space<hbm>>
      tpu.enqueue_dma source(%dma_start3A_25 : memref<106x96xi32, #tpu.memory_space<hbm>>) target(%arg8 : memref<106x96xi32, #tpu.memory_space<vmem>>) target_semaphore(%run_scoped3A : memref<!tpu.dma_semaphore, #tpu.memory_space<semaphore_mem>>)
      %dma_wait3A = arith.constant 0 : i32
      %dma_wait3A_26 = arith.constant 0 : i32
      %dma_wait3A_27 = tpu.memref_slice %arg4[%add3A, %dma_wait3A, %dma_wait3A_26] : memref<32x106x96xi32, #tpu.memory_space<hbm>> -> memref<1x106x96xi32, #tpu.memory_space<hbm>>
      %dma_wait3A_28 = tpu.memref_squeeze %dma_wait3A_27 : memref<1x106x96xi32, #tpu.memory_space<hbm>> -> memref<106x96xi32, #tpu.memory_space<hbm>>
      %dma_wait3A_29 = arith.constant 0 : i32
      %dma_wait3A_30 = arith.constant 0 : i32
      %dma_wait3A_31 = tpu.memref_slice %arg4[%add3A, %dma_wait3A_29, %dma_wait3A_30] : memref<32x106x96xi32, #tpu.memory_space<hbm>> -> memref<1x106x96xi32, #tpu.memory_space<hbm>>
      %dma_wait3A_32 = tpu.memref_squeeze %dma_wait3A_31 : memref<1x106x96xi32, #tpu.memory_space<hbm>> -> memref<106x96xi32, #tpu.memory_space<hbm>>
      tpu.wait_dma2 semaphore(%run_scoped3A : memref<!tpu.dma_semaphore, #tpu.memory_space<semaphore_mem>>) src(%dma_wait3A_32 : memref<106x96xi32, #tpu.memory_space<hbm>>) dst(%arg8 : memref<106x96xi32, #tpu.memory_space<vmem>>)
      tpu.yield
    }) : () -> ()
    %barrier3A = arith.constant 0 : index
    tpu.barrier barrier_id(%barrier3A)
    %dma_start3A = arith.constant 0 : i32
    %dma_start3A_3 = tpu.memref_slice %arg7[%dma_start3A] : memref<10176xi32, #tpu.memory_space<vmem>> -> memref<96xi32, #tpu.memory_space<vmem>>
    %dma_start3A_4 = arith.constant 0 : i32
    %dma_start3A_5 = arith.constant 0 : i32
    %dma_start3A_6 = tpu.memref_slice %arg2[%dma_start3A_4, %dma_start3A_5] : memref<10000x128xf32, #tpu.memory_space<hbm>> -> memref<10000x128xf32, #tpu.memory_space<hbm>>
    tpu.enqueue_indirect_dma source(%dma_start3A_6 : memref<10000x128xf32, #tpu.memory_space<hbm>>) target(%arg9 : memref<96x128xf32, #tpu.memory_space<vmem>>) offsets(%dma_start3A_3 : memref<96xi32, #tpu.memory_space<vmem>>) semaphore(%arg12 : memref<!tpu.dma_semaphore, #tpu.memory_space<semaphore_mem>>)
    %dma_start3A_7 = arith.constant 96 : i32
    %dma_start3A_8 = tpu.memref_slice %arg7[%dma_start3A_7] : memref<10176xi32, #tpu.memory_space<vmem>> -> memref<96xi32, #tpu.memory_space<vmem>>
    %dma_start3A_9 = arith.constant 0 : i32
    %dma_start3A_10 = arith.constant 0 : i32
    %dma_start3A_11 = tpu.memref_slice %arg2[%dma_start3A_9, %dma_start3A_10] : memref<10000x128xf32, #tpu.memory_space<hbm>> -> memref<10000x128xf32, #tpu.memory_space<hbm>>
    tpu.enqueue_indirect_dma source(%dma_start3A_11 : memref<10000x128xf32, #tpu.memory_space<hbm>>) target(%arg10 : memref<96x128xf32, #tpu.memory_space<vmem>>) offsets(%dma_start3A_8 : memref<96xi32, #tpu.memory_space<vmem>>) semaphore(%arg13 : memref<!tpu.dma_semaphore, #tpu.memory_space<semaphore_mem>>)
    %scan3A = arith.constant 0 : i32
    %scan3A_12 = arith.constant 0 : i32
    %scan3A_13 = arith.constant 53 : i32
    %scan3A_14 = arith.addi %scan3A_12, %scan3A_13 : i32
    %scan3A_15 = arith.constant 1 : i32
    scf.for %scan3A_18 = %scan3A_12 to %scan3A_14 step %scan3A_15  : i32 {
      %mul3A_19 = arith.constant 2 : i32
      %mul3A_20 = arith.muli %mul3A_19, %scan3A_18 : i32
      %dma_wait3A = arith.constant 0 : i32
      %dma_wait3A_21 = tpu.memref_slice %arg7[%dma_wait3A] : memref<10176xi32, #tpu.memory_space<vmem>> -> memref<96xi32, #tpu.memory_space<vmem>>
      %dma_wait3A_22 = arith.constant 0 : i32
      %dma_wait3A_23 = arith.constant 0 : i32
      %dma_wait3A_24 = tpu.memref_slice %arg2[%dma_wait3A_22, %dma_wait3A_23] : memref<10000x128xf32, #tpu.memory_space<hbm>> -> memref<10000x128xf32, #tpu.memory_space<hbm>>
      tpu.wait_indirect_dma semaphore(%arg12 : memref<!tpu.dma_semaphore, #tpu.memory_space<semaphore_mem>>) src(%dma_wait3A_24 : memref<10000x128xf32, #tpu.memory_space<hbm>>) dst(%arg9 : memref<96x128xf32, #tpu.memory_space<vmem>>)
      "tpu.region"() ({
        %run_scoped3A = tpu.sem_alloc : memref<!tpu.dma_semaphore, #tpu.memory_space<semaphore_mem>>
        %dma_start3A_43 = arith.constant 0 : i32
        %dma_start3A_44 = tpu.memref_slice %arg8[%mul3A_20, %dma_start3A_43] : memref<106x96xi32, #tpu.memory_space<vmem>> -> memref<1x96xi32, #tpu.memory_space<vmem>>
        %dma_start3A_45 = tpu.memref_squeeze %dma_start3A_44 : memref<1x96xi32, #tpu.memory_space<vmem>> -> memref<96xi32, #tpu.memory_space<vmem>>
        %dma_start3A_46 = arith.constant 0 : i32
        %dma_start3A_47 = arith.constant 0 : i32
        %dma_start3A_48 = tpu.memref_slice %arg11[%dma_start3A_46, %dma_start3A_47] : memref<10240x128xf32, #tpu.memory_space<vmem_shared>> -> memref<10240x128xf32, #tpu.memory_space<vmem_shared>>
        tpu.enqueue_indirect_dma source(%arg9 : memref<96x128xf32, #tpu.memory_space<vmem>>) target(%dma_start3A_48 : memref<10240x128xf32, #tpu.memory_space<vmem_shared>>) offsets(%dma_start3A_45 : memref<96xi32, #tpu.memory_space<vmem>>) semaphore(%run_scoped3A : memref<!tpu.dma_semaphore, #tpu.memory_space<semaphore_mem>>) {add = true}
        %dma_wait3A_49 = arith.constant 0 : i32
        %dma_wait3A_50 = tpu.memref_slice %arg8[%mul3A_20, %dma_wait3A_49] : memref<106x96xi32, #tpu.memory_space<vmem>> -> memref<1x96xi32, #tpu.memory_space<vmem>>
        %dma_wait3A_51 = tpu.memref_squeeze %dma_wait3A_50 : memref<1x96xi32, #tpu.memory_space<vmem>> -> memref<96xi32, #tpu.memory_space<vmem>>
        %dma_wait3A_52 = arith.constant 0 : i32
        %dma_wait3A_53 = arith.constant 0 : i32
        %dma_wait3A_54 = tpu.memref_slice %arg11[%dma_wait3A_52, %dma_wait3A_53] : memref<10240x128xf32, #tpu.memory_space<vmem_shared>> -> memref<10240x128xf32, #tpu.memory_space<vmem_shared>>
        tpu.wait_indirect_dma semaphore(%run_scoped3A : memref<!tpu.dma_semaphore, #tpu.memory_space<semaphore_mem>>) src(%arg9 : memref<96x128xf32, #tpu.memory_space<vmem>>) dst(%dma_wait3A_54 : memref<10240x128xf32, #tpu.memory_space<vmem_shared>>)
        tpu.yield
      }) : () -> ()
      %add3A_25 = arith.constant 2 : i32
      %add3A_26 = arith.addi %mul3A_20, %add3A_25 : i32
      %lt3A = arith.constant 106 : i32
      %lt3A_27 = arith.cmpi slt, %add3A_26, %lt3A : i32
      %convert_element_type3A = arith.extui %lt3A_27 : i1 to i32
      %cond3A = arith.constant 0 : i32
      %cond3A_28 = arith.cmpi ne, %convert_element_type3A, %cond3A : i32
      scf.if %cond3A_28 {
        %add3A_43 = arith.constant 2 : i32
        %add3A_44 = arith.addi %mul3A_20, %add3A_43 : i32
        %mul3A_45 = arith.constant 96 : i32
        %mul3A_46 = arith.muli %add3A_44, %mul3A_45 : i32
        %dma_start3A_47 = tpu.memref_slice %arg7[%mul3A_46] : memref<10176xi32, #tpu.memory_space<vmem>> -> memref<96xi32, #tpu.memory_space<vmem>>
        %dma_start3A_48 = arith.constant 0 : i32
        %dma_start3A_49 = arith.constant 0 : i32
        %dma_start3A_50 = tpu.memref_slice %arg2[%dma_start3A_48, %dma_start3A_49] : memref<10000x128xf32, #tpu.memory_space<hbm>> -> memref<10000x128xf32, #tpu.memory_space<hbm>>
        tpu.enqueue_indirect_dma source(%dma_start3A_50 : memref<10000x128xf32, #tpu.memory_space<hbm>>) target(%arg9 : memref<96x128xf32, #tpu.memory_space<vmem>>) offsets(%dma_start3A_47 : memref<96xi32, #tpu.memory_space<vmem>>) semaphore(%arg12 : memref<!tpu.dma_semaphore, #tpu.memory_space<semaphore_mem>>)
      } else {
      }
      %dma_wait3A_29 = arith.constant 0 : i32
      %dma_wait3A_30 = tpu.memref_slice %arg7[%dma_wait3A_29] : memref<10176xi32, #tpu.memory_space<vmem>> -> memref<96xi32, #tpu.memory_space<vmem>>
      %dma_wait3A_31 = arith.constant 0 : i32
      %dma_wait3A_32 = arith.constant 0 : i32
      %dma_wait3A_33 = tpu.memref_slice %arg2[%dma_wait3A_31, %dma_wait3A_32] : memref<10000x128xf32, #tpu.memory_space<hbm>> -> memref<10000x128xf32, #tpu.memory_space<hbm>>
      tpu.wait_indirect_dma semaphore(%arg13 : memref<!tpu.dma_semaphore, #tpu.memory_space<semaphore_mem>>) src(%dma_wait3A_33 : memref<10000x128xf32, #tpu.memory_space<hbm>>) dst(%arg10 : memref<96x128xf32, #tpu.memory_space<vmem>>)
      %add3A_34 = arith.constant 1 : i32
      %add3A_35 = arith.addi %mul3A_20, %add3A_34 : i32
      "tpu.region"() ({
        %run_scoped3A = tpu.sem_alloc : memref<!tpu.dma_semaphore, #tpu.memory_space<semaphore_mem>>
        %dma_start3A_43 = arith.constant 0 : i32
        %dma_start3A_44 = tpu.memref_slice %arg8[%add3A_35, %dma_start3A_43] : memref<106x96xi32, #tpu.memory_space<vmem>> -> memref<1x96xi32, #tpu.memory_space<vmem>>
        %dma_start3A_45 = tpu.memref_squeeze %dma_start3A_44 : memref<1x96xi32, #tpu.memory_space<vmem>> -> memref<96xi32, #tpu.memory_space<vmem>>
        %dma_start3A_46 = arith.constant 0 : i32
        %dma_start3A_47 = arith.constant 0 : i32
        %dma_start3A_48 = tpu.memref_slice %arg11[%dma_start3A_46, %dma_start3A_47] : memref<10240x128xf32, #tpu.memory_space<vmem_shared>> -> memref<10240x128xf32, #tpu.memory_space<vmem_shared>>
        tpu.enqueue_indirect_dma source(%arg10 : memref<96x128xf32, #tpu.memory_space<vmem>>) target(%dma_start3A_48 : memref<10240x128xf32, #tpu.memory_space<vmem_shared>>) offsets(%dma_start3A_45 : memref<96xi32, #tpu.memory_space<vmem>>) semaphore(%run_scoped3A : memref<!tpu.dma_semaphore, #tpu.memory_space<semaphore_mem>>) {add = true}
        %dma_wait3A_49 = arith.constant 0 : i32
        %dma_wait3A_50 = tpu.memref_slice %arg8[%add3A_35, %dma_wait3A_49] : memref<106x96xi32, #tpu.memory_space<vmem>> -> memref<1x96xi32, #tpu.memory_space<vmem>>
        %dma_wait3A_51 = tpu.memref_squeeze %dma_wait3A_50 : memref<1x96xi32, #tpu.memory_space<vmem>> -> memref<96xi32, #tpu.memory_space<vmem>>
        %dma_wait3A_52 = arith.constant 0 : i32
        %dma_wait3A_53 = arith.constant 0 : i32
        %dma_wait3A_54 = tpu.memref_slice %arg11[%dma_wait3A_52, %dma_wait3A_53] : memref<10240x128xf32, #tpu.memory_space<vmem_shared>> -> memref<10240x128xf32, #tpu.memory_space<vmem_shared>>
        tpu.wait_indirect_dma semaphore(%run_scoped3A : memref<!tpu.dma_semaphore, #tpu.memory_space<semaphore_mem>>) src(%arg10 : memref<96x128xf32, #tpu.memory_space<vmem>>) dst(%dma_wait3A_54 : memref<10240x128xf32, #tpu.memory_space<vmem_shared>>)
        tpu.yield
      }) : () -> ()
      %add3A_36 = arith.constant 3 : i32
      %add3A_37 = arith.addi %mul3A_20, %add3A_36 : i32
      %lt3A_38 = arith.constant 106 : i32
      %lt3A_39 = arith.cmpi slt, %add3A_37, %lt3A_38 : i32
      %convert_element_type3A_40 = arith.extui %lt3A_39 : i1 to i32
      %cond3A_41 = arith.constant 0 : i32
      %cond3A_42 = arith.cmpi ne, %convert_element_type3A_40, %cond3A_41 : i32
      scf.if %cond3A_42 {
        %add3A_43 = arith.constant 3 : i32
        %add3A_44 = arith.addi %mul3A_20, %add3A_43 : i32
        %mul3A_45 = arith.constant 96 : i32
        %mul3A_46 = arith.muli %add3A_44, %mul3A_45 : i32
        %dma_start3A_47 = tpu.memref_slice %arg7[%mul3A_46] : memref<10176xi32, #tpu.memory_space<vmem>> -> memref<96xi32, #tpu.memory_space<vmem>>
        %dma_start3A_48 = arith.constant 0 : i32
        %dma_start3A_49 = arith.constant 0 : i32
        %dma_start3A_50 = tpu.memref_slice %arg2[%dma_start3A_48, %dma_start3A_49] : memref<10000x128xf32, #tpu.memory_space<hbm>> -> memref<10000x128xf32, #tpu.memory_space<hbm>>
        tpu.enqueue_indirect_dma source(%dma_start3A_50 : memref<10000x128xf32, #tpu.memory_space<hbm>>) target(%arg10 : memref<96x128xf32, #tpu.memory_space<vmem>>) offsets(%dma_start3A_47 : memref<96xi32, #tpu.memory_space<vmem>>) semaphore(%arg13 : memref<!tpu.dma_semaphore, #tpu.memory_space<semaphore_mem>>)
      } else {
      }
    }
    %scan3A_16 = arith.constant 53 : i32
    %barrier3A_17 = arith.constant 0 : index
    tpu.barrier barrier_id(%barrier3A_17)
    "tpu.region"() ({
      %run_scoped3A = tpu.sem_alloc : memref<!tpu.dma_semaphore, #tpu.memory_space<semaphore_mem>>
      %dma_start3A_18 = arith.constant 0 : i32
      %dma_start3A_19 = tpu.memref_slice %arg6[%arg0, %mul3A_2, %dma_start3A_18] : memref<2x10240x128xf32, #tpu.memory_space<hbm>> -> memref<1x640x128xf32, #tpu.memory_space<hbm>>
      %dma_start3A_20 = tpu.memref_squeeze %dma_start3A_19 : memref<1x640x128xf32, #tpu.memory_space<hbm>> -> memref<640x128xf32, #tpu.memory_space<hbm>>
      %dma_start3A_21 = arith.constant 0 : i32
      %dma_start3A_22 = tpu.memref_slice %arg11[%mul3A_2, %dma_start3A_21] : memref<10240x128xf32, #tpu.memory_space<vmem_shared>> -> memref<640x128xf32, #tpu.memory_space<vmem_shared>>
      tpu.enqueue_dma source(%dma_start3A_22 : memref<640x128xf32, #tpu.memory_space<vmem_shared>>) target(%dma_start3A_20 : memref<640x128xf32, #tpu.memory_space<hbm>>) target_semaphore(%run_scoped3A : memref<!tpu.dma_semaphore, #tpu.memory_space<semaphore_mem>>)
      %dma_wait3A = arith.constant 0 : i32
      %dma_wait3A_23 = tpu.memref_slice %arg6[%arg0, %mul3A_2, %dma_wait3A] : memref<2x10240x128xf32, #tpu.memory_space<hbm>> -> memref<1x640x128xf32, #tpu.memory_space<hbm>>
      %dma_wait3A_24 = tpu.memref_squeeze %dma_wait3A_23 : memref<1x640x128xf32, #tpu.memory_space<hbm>> -> memref<640x128xf32, #tpu.memory_space<hbm>>
      %dma_wait3A_25 = arith.constant 0 : i32
      %dma_wait3A_26 = tpu.memref_slice %arg11[%mul3A_2, %dma_wait3A_25] : memref<10240x128xf32, #tpu.memory_space<vmem_shared>> -> memref<640x128xf32, #tpu.memory_space<vmem_shared>>
      tpu.wait_dma2 semaphore(%run_scoped3A : memref<!tpu.dma_semaphore, #tpu.memory_space<semaphore_mem>>) src(%dma_wait3A_26 : memref<640x128xf32, #tpu.memory_space<vmem_shared>>) dst(%dma_wait3A_24 : memref<640x128xf32, #tpu.memory_space<hbm>>)
      tpu.yield
    }) : () -> ()
    return
  }
}

#map = affine_map<(d0, d1) -> (0, 0)>
#map1 = affine_map<(d0, d1) -> (0, 0, 0)>
module attributes {stable_mosaic.version = 14 : i64} {
  func.func @_sc_scatter_rows(%arg0: i32, %arg1: i32, %arg2: memref<10000x128xf32, #tpu.memory_space<hbm>>, %arg3: memref<32x10176xi32, #tpu.memory_space<hbm>>, %arg4: memref<32x106x96xi32, #tpu.memory_space<hbm>>, %arg5: memref<10240x128xf32, #tpu.memory_space<hbm>>, %arg6: memref<2x10240x128xf32, #tpu.memory_space<hbm>>, %arg7: memref<10176xi32, #tpu.memory_space<vmem>>, %arg8: memref<106x96xi32, #tpu.memory_space<vmem>>, %arg9: memref<96x128xf32, #tpu.memory_space<vmem>>, %arg10: memref<96x128xf32, #tpu.memory_space<vmem>>, %arg11: memref<10240x128xf32, #tpu.memory_space<vmem_shared>>, %arg12: memref<!tpu.dma_semaphore, #tpu.memory_space<semaphore_mem>>, %arg13: memref<!tpu.dma_semaphore, #tpu.memory_space<semaphore_mem>>) attributes {dimension_semantics = [#tpu.dimension_semantics<core_parallel>, #tpu.dimension_semantics<subcore_parallel>], iteration_bounds = array<i64: 2, 16>, scalar_prefetch = 0 : i64, scratch_operands = 7 : i64, tpu.core_type = #tpu.core_type<sc_vector_subcore>, window_params = [{transform_indices = #map}, {transform_indices = #map}, {transform_indices = #map1}, {transform_indices = #map}, {transform_indices = #map1}]} {
    %mul3A = arith.constant 16 : i32
    %mul3A_0 = arith.muli %arg0, %mul3A : i32
    %add3A = arith.addi %mul3A_0, %arg1 : i32
    %mul3A_1 = arith.constant 640 : i32
    %mul3A_2 = arith.muli %arg1, %mul3A_1 : i32
    "tpu.region"() ({
      %run_scoped3A = tpu.sem_alloc : memref<!tpu.dma_semaphore, #tpu.memory_space<semaphore_mem>>
      %dma_start3A_18 = arith.constant 0 : i32
      %dma_start3A_19 = tpu.memref_slice %arg11[%mul3A_2, %dma_start3A_18] : memref<10240x128xf32, #tpu.memory_space<vmem_shared>> -> memref<640x128xf32, #tpu.memory_space<vmem_shared>>
      %dma_start3A_20 = arith.constant 0 : i32
      %dma_start3A_21 = tpu.memref_slice %arg5[%mul3A_2, %dma_start3A_20] : memref<10240x128xf32, #tpu.memory_space<hbm>> -> memref<640x128xf32, #tpu.memory_space<hbm>>
      tpu.enqueue_dma source(%dma_start3A_21 : memref<640x128xf32, #tpu.memory_space<hbm>>) target(%dma_start3A_19 : memref<640x128xf32, #tpu.memory_space<vmem_shared>>) target_semaphore(%run_scoped3A : memref<!tpu.dma_semaphore, #tpu.memory_space<semaphore_mem>>)
      %dma_wait3A = arith.constant 0 : i32
      %dma_wait3A_22 = tpu.memref_slice %arg11[%mul3A_2, %dma_wait3A] : memref<10240x128xf32, #tpu.memory_space<vmem_shared>> -> memref<640x128xf32, #tpu.memory_space<vmem_shared>>
      %dma_wait3A_23 = arith.constant 0 : i32
      %dma_wait3A_24 = tpu.memref_slice %arg5[%mul3A_2, %dma_wait3A_23] : memref<10240x128xf32, #tpu.memory_space<hbm>> -> memref<640x128xf32, #tpu.memory_space<hbm>>
      tpu.wait_dma2 semaphore(%run_scoped3A : memref<!tpu.dma_semaphore, #tpu.memory_space<semaphore_mem>>) src(%dma_wait3A_24 : memref<640x128xf32, #tpu.memory_space<hbm>>) dst(%dma_wait3A_22 : memref<640x128xf32, #tpu.memory_space<vmem_shared>>)
      tpu.yield
    }) : () -> ()
    "tpu.region"() ({
      %run_scoped3A = tpu.sem_alloc : memref<!tpu.dma_semaphore, #tpu.memory_space<semaphore_mem>>
      %dma_start3A_18 = arith.constant 0 : i32
      %dma_start3A_19 = tpu.memref_slice %arg3[%add3A, %dma_start3A_18] : memref<32x10176xi32, #tpu.memory_space<hbm>> -> memref<1x10176xi32, #tpu.memory_space<hbm>>
      %dma_start3A_20 = tpu.memref_squeeze %dma_start3A_19 : memref<1x10176xi32, #tpu.memory_space<hbm>> -> memref<10176xi32, #tpu.memory_space<hbm>>
      %dma_start3A_21 = arith.constant 0 : i32
      %dma_start3A_22 = tpu.memref_slice %arg3[%add3A, %dma_start3A_21] : memref<32x10176xi32, #tpu.memory_space<hbm>> -> memref<1x10176xi32, #tpu.memory_space<hbm>>
      %dma_start3A_23 = tpu.memref_squeeze %dma_start3A_22 : memref<1x10176xi32, #tpu.memory_space<hbm>> -> memref<10176xi32, #tpu.memory_space<hbm>>
      tpu.enqueue_dma source(%dma_start3A_23 : memref<10176xi32, #tpu.memory_space<hbm>>) target(%arg7 : memref<10176xi32, #tpu.memory_space<vmem>>) target_semaphore(%run_scoped3A : memref<!tpu.dma_semaphore, #tpu.memory_space<semaphore_mem>>)
      %dma_wait3A = arith.constant 0 : i32
      %dma_wait3A_24 = tpu.memref_slice %arg3[%add3A, %dma_wait3A] : memref<32x10176xi32, #tpu.memory_space<hbm>> -> memref<1x10176xi32, #tpu.memory_space<hbm>>
      %dma_wait3A_25 = tpu.memref_squeeze %dma_wait3A_24 : memref<1x10176xi32, #tpu.memory_space<hbm>> -> memref<10176xi32, #tpu.memory_space<hbm>>
      %dma_wait3A_26 = arith.constant 0 : i32
      %dma_wait3A_27 = tpu.memref_slice %arg3[%add3A, %dma_wait3A_26] : memref<32x10176xi32, #tpu.memory_space<hbm>> -> memref<1x10176xi32, #tpu.memory_space<hbm>>
      %dma_wait3A_28 = tpu.memref_squeeze %dma_wait3A_27 : memref<1x10176xi32, #tpu.memory_space<hbm>> -> memref<10176xi32, #tpu.memory_space<hbm>>
      tpu.wait_dma2 semaphore(%run_scoped3A : memref<!tpu.dma_semaphore, #tpu.memory_space<semaphore_mem>>) src(%dma_wait3A_28 : memref<10176xi32, #tpu.memory_space<hbm>>) dst(%arg7 : memref<10176xi32, #tpu.memory_space<vmem>>)
      tpu.yield
    }) : () -> ()
    "tpu.region"() ({
      %run_scoped3A = tpu.sem_alloc : memref<!tpu.dma_semaphore, #tpu.memory_space<semaphore_mem>>
      %dma_start3A_18 = arith.constant 0 : i32
      %dma_start3A_19 = arith.constant 0 : i32
      %dma_start3A_20 = tpu.memref_slice %arg4[%add3A, %dma_start3A_18, %dma_start3A_19] : memref<32x106x96xi32, #tpu.memory_space<hbm>> -> memref<1x106x96xi32, #tpu.memory_space<hbm>>
      %dma_start3A_21 = tpu.memref_squeeze %dma_start3A_20 : memref<1x106x96xi32, #tpu.memory_space<hbm>> -> memref<106x96xi32, #tpu.memory_space<hbm>>
      %dma_start3A_22 = arith.constant 0 : i32
      %dma_start3A_23 = arith.constant 0 : i32
      %dma_start3A_24 = tpu.memref_slice %arg4[%add3A, %dma_start3A_22, %dma_start3A_23] : memref<32x106x96xi32, #tpu.memory_space<hbm>> -> memref<1x106x96xi32, #tpu.memory_space<hbm>>
      %dma_start3A_25 = tpu.memref_squeeze %dma_start3A_24 : memref<1x106x96xi32, #tpu.memory_space<hbm>> -> memref<106x96xi32, #tpu.memory_space<hbm>>
      tpu.enqueue_dma source(%dma_start3A_25 : memref<106x96xi32, #tpu.memory_space<hbm>>) target(%arg8 : memref<106x96xi32, #tpu.memory_space<vmem>>) target_semaphore(%run_scoped3A : memref<!tpu.dma_semaphore, #tpu.memory_space<semaphore_mem>>)
      %dma_wait3A = arith.constant 0 : i32
      %dma_wait3A_26 = arith.constant 0 : i32
      %dma_wait3A_27 = tpu.memref_slice %arg4[%add3A, %dma_wait3A, %dma_wait3A_26] : memref<32x106x96xi32, #tpu.memory_space<hbm>> -> memref<1x106x96xi32, #tpu.memory_space<hbm>>
      %dma_wait3A_28 = tpu.memref_squeeze %dma_wait3A_27 : memref<1x106x96xi32, #tpu.memory_space<hbm>> -> memref<106x96xi32, #tpu.memory_space<hbm>>
      %dma_wait3A_29 = arith.constant 0 : i32
      %dma_wait3A_30 = arith.constant 0 : i32
      %dma_wait3A_31 = tpu.memref_slice %arg4[%add3A, %dma_wait3A_29, %dma_wait3A_30] : memref<32x106x96xi32, #tpu.memory_space<hbm>> -> memref<1x106x96xi32, #tpu.memory_space<hbm>>
      %dma_wait3A_32 = tpu.memref_squeeze %dma_wait3A_31 : memref<1x106x96xi32, #tpu.memory_space<hbm>> -> memref<106x96xi32, #tpu.memory_space<hbm>>
      tpu.wait_dma2 semaphore(%run_scoped3A : memref<!tpu.dma_semaphore, #tpu.memory_space<semaphore_mem>>) src(%dma_wait3A_32 : memref<106x96xi32, #tpu.memory_space<hbm>>) dst(%arg8 : memref<106x96xi32, #tpu.memory_space<vmem>>)
      tpu.yield
    }) : () -> ()
    %barrier3A = arith.constant 0 : index
    tpu.barrier barrier_id(%barrier3A)
    %dma_start3A = arith.constant 0 : i32
    %dma_start3A_3 = tpu.memref_slice %arg7[%dma_start3A] : memref<10176xi32, #tpu.memory_space<vmem>> -> memref<96xi32, #tpu.memory_space<vmem>>
    %dma_start3A_4 = arith.constant 0 : i32
    %dma_start3A_5 = arith.constant 0 : i32
    %dma_start3A_6 = tpu.memref_slice %arg2[%dma_start3A_4, %dma_start3A_5] : memref<10000x128xf32, #tpu.memory_space<hbm>> -> memref<10000x128xf32, #tpu.memory_space<hbm>>
    tpu.enqueue_indirect_dma source(%dma_start3A_6 : memref<10000x128xf32, #tpu.memory_space<hbm>>) target(%arg9 : memref<96x128xf32, #tpu.memory_space<vmem>>) offsets(%dma_start3A_3 : memref<96xi32, #tpu.memory_space<vmem>>) semaphore(%arg12 : memref<!tpu.dma_semaphore, #tpu.memory_space<semaphore_mem>>)
    %dma_start3A_7 = arith.constant 96 : i32
    %dma_start3A_8 = tpu.memref_slice %arg7[%dma_start3A_7] : memref<10176xi32, #tpu.memory_space<vmem>> -> memref<96xi32, #tpu.memory_space<vmem>>
    %dma_start3A_9 = arith.constant 0 : i32
    %dma_start3A_10 = arith.constant 0 : i32
    %dma_start3A_11 = tpu.memref_slice %arg2[%dma_start3A_9, %dma_start3A_10] : memref<10000x128xf32, #tpu.memory_space<hbm>> -> memref<10000x128xf32, #tpu.memory_space<hbm>>
    tpu.enqueue_indirect_dma source(%dma_start3A_11 : memref<10000x128xf32, #tpu.memory_space<hbm>>) target(%arg10 : memref<96x128xf32, #tpu.memory_space<vmem>>) offsets(%dma_start3A_8 : memref<96xi32, #tpu.memory_space<vmem>>) semaphore(%arg13 : memref<!tpu.dma_semaphore, #tpu.memory_space<semaphore_mem>>)
    %scan3A = arith.constant 0 : i32
    %scan3A_12 = arith.constant 0 : i32
    %scan3A_13 = arith.constant 53 : i32
    %scan3A_14 = arith.addi %scan3A_12, %scan3A_13 : i32
    %scan3A_15 = arith.constant 1 : i32
    scf.for %scan3A_18 = %scan3A_12 to %scan3A_14 step %scan3A_15  : i32 {
      %mul3A_19 = arith.constant 2 : i32
      %mul3A_20 = arith.muli %mul3A_19, %scan3A_18 : i32
      %dma_wait3A = arith.constant 0 : i32
      %dma_wait3A_21 = tpu.memref_slice %arg7[%dma_wait3A] : memref<10176xi32, #tpu.memory_space<vmem>> -> memref<96xi32, #tpu.memory_space<vmem>>
      %dma_wait3A_22 = arith.constant 0 : i32
      %dma_wait3A_23 = arith.constant 0 : i32
      %dma_wait3A_24 = tpu.memref_slice %arg2[%dma_wait3A_22, %dma_wait3A_23] : memref<10000x128xf32, #tpu.memory_space<hbm>> -> memref<10000x128xf32, #tpu.memory_space<hbm>>
      tpu.wait_indirect_dma semaphore(%arg12 : memref<!tpu.dma_semaphore, #tpu.memory_space<semaphore_mem>>) src(%dma_wait3A_24 : memref<10000x128xf32, #tpu.memory_space<hbm>>) dst(%arg9 : memref<96x128xf32, #tpu.memory_space<vmem>>)
      "tpu.region"() ({
        %run_scoped3A = tpu.sem_alloc : memref<!tpu.dma_semaphore, #tpu.memory_space<semaphore_mem>>
        %dma_start3A_43 = arith.constant 0 : i32
        %dma_start3A_44 = tpu.memref_slice %arg8[%mul3A_20, %dma_start3A_43] : memref<106x96xi32, #tpu.memory_space<vmem>> -> memref<1x96xi32, #tpu.memory_space<vmem>>
        %dma_start3A_45 = tpu.memref_squeeze %dma_start3A_44 : memref<1x96xi32, #tpu.memory_space<vmem>> -> memref<96xi32, #tpu.memory_space<vmem>>
        %dma_start3A_46 = arith.constant 0 : i32
        %dma_start3A_47 = arith.constant 0 : i32
        %dma_start3A_48 = tpu.memref_slice %arg11[%dma_start3A_46, %dma_start3A_47] : memref<10240x128xf32, #tpu.memory_space<vmem_shared>> -> memref<10240x128xf32, #tpu.memory_space<vmem_shared>>
        tpu.enqueue_indirect_dma source(%arg9 : memref<96x128xf32, #tpu.memory_space<vmem>>) target(%dma_start3A_48 : memref<10240x128xf32, #tpu.memory_space<vmem_shared>>) offsets(%dma_start3A_45 : memref<96xi32, #tpu.memory_space<vmem>>) semaphore(%run_scoped3A : memref<!tpu.dma_semaphore, #tpu.memory_space<semaphore_mem>>) {add = true}
        %dma_wait3A_49 = arith.constant 0 : i32
        %dma_wait3A_50 = tpu.memref_slice %arg8[%mul3A_20, %dma_wait3A_49] : memref<106x96xi32, #tpu.memory_space<vmem>> -> memref<1x96xi32, #tpu.memory_space<vmem>>
        %dma_wait3A_51 = tpu.memref_squeeze %dma_wait3A_50 : memref<1x96xi32, #tpu.memory_space<vmem>> -> memref<96xi32, #tpu.memory_space<vmem>>
        %dma_wait3A_52 = arith.constant 0 : i32
        %dma_wait3A_53 = arith.constant 0 : i32
        %dma_wait3A_54 = tpu.memref_slice %arg11[%dma_wait3A_52, %dma_wait3A_53] : memref<10240x128xf32, #tpu.memory_space<vmem_shared>> -> memref<10240x128xf32, #tpu.memory_space<vmem_shared>>
        tpu.wait_indirect_dma semaphore(%run_scoped3A : memref<!tpu.dma_semaphore, #tpu.memory_space<semaphore_mem>>) src(%arg9 : memref<96x128xf32, #tpu.memory_space<vmem>>) dst(%dma_wait3A_54 : memref<10240x128xf32, #tpu.memory_space<vmem_shared>>)
        tpu.yield
      }) : () -> ()
      %add3A_25 = arith.constant 2 : i32
      %add3A_26 = arith.addi %mul3A_20, %add3A_25 : i32
      %lt3A = arith.constant 106 : i32
      %lt3A_27 = arith.cmpi slt, %add3A_26, %lt3A : i32
      %convert_element_type3A = arith.extui %lt3A_27 : i1 to i32
      %cond3A = arith.constant 0 : i32
      %cond3A_28 = arith.cmpi ne, %convert_element_type3A, %cond3A : i32
      scf.if %cond3A_28 {
        %add3A_43 = arith.constant 2 : i32
        %add3A_44 = arith.addi %mul3A_20, %add3A_43 : i32
        %mul3A_45 = arith.constant 96 : i32
        %mul3A_46 = arith.muli %add3A_44, %mul3A_45 : i32
        %dma_start3A_47 = tpu.memref_slice %arg7[%mul3A_46] : memref<10176xi32, #tpu.memory_space<vmem>> -> memref<96xi32, #tpu.memory_space<vmem>>
        %dma_start3A_48 = arith.constant 0 : i32
        %dma_start3A_49 = arith.constant 0 : i32
        %dma_start3A_50 = tpu.memref_slice %arg2[%dma_start3A_48, %dma_start3A_49] : memref<10000x128xf32, #tpu.memory_space<hbm>> -> memref<10000x128xf32, #tpu.memory_space<hbm>>
        tpu.enqueue_indirect_dma source(%dma_start3A_50 : memref<10000x128xf32, #tpu.memory_space<hbm>>) target(%arg9 : memref<96x128xf32, #tpu.memory_space<vmem>>) offsets(%dma_start3A_47 : memref<96xi32, #tpu.memory_space<vmem>>) semaphore(%arg12 : memref<!tpu.dma_semaphore, #tpu.memory_space<semaphore_mem>>)
      } else {
      }
      %dma_wait3A_29 = arith.constant 0 : i32
      %dma_wait3A_30 = tpu.memref_slice %arg7[%dma_wait3A_29] : memref<10176xi32, #tpu.memory_space<vmem>> -> memref<96xi32, #tpu.memory_space<vmem>>
      %dma_wait3A_31 = arith.constant 0 : i32
      %dma_wait3A_32 = arith.constant 0 : i32
      %dma_wait3A_33 = tpu.memref_slice %arg2[%dma_wait3A_31, %dma_wait3A_32] : memref<10000x128xf32, #tpu.memory_space<hbm>> -> memref<10000x128xf32, #tpu.memory_space<hbm>>
      tpu.wait_indirect_dma semaphore(%arg13 : memref<!tpu.dma_semaphore, #tpu.memory_space<semaphore_mem>>) src(%dma_wait3A_33 : memref<10000x128xf32, #tpu.memory_space<hbm>>) dst(%arg10 : memref<96x128xf32, #tpu.memory_space<vmem>>)
      %add3A_34 = arith.constant 1 : i32
      %add3A_35 = arith.addi %mul3A_20, %add3A_34 : i32
      "tpu.region"() ({
        %run_scoped3A = tpu.sem_alloc : memref<!tpu.dma_semaphore, #tpu.memory_space<semaphore_mem>>
        %dma_start3A_43 = arith.constant 0 : i32
        %dma_start3A_44 = tpu.memref_slice %arg8[%add3A_35, %dma_start3A_43] : memref<106x96xi32, #tpu.memory_space<vmem>> -> memref<1x96xi32, #tpu.memory_space<vmem>>
        %dma_start3A_45 = tpu.memref_squeeze %dma_start3A_44 : memref<1x96xi32, #tpu.memory_space<vmem>> -> memref<96xi32, #tpu.memory_space<vmem>>
        %dma_start3A_46 = arith.constant 0 : i32
        %dma_start3A_47 = arith.constant 0 : i32
        %dma_start3A_48 = tpu.memref_slice %arg11[%dma_start3A_46, %dma_start3A_47] : memref<10240x128xf32, #tpu.memory_space<vmem_shared>> -> memref<10240x128xf32, #tpu.memory_space<vmem_shared>>
        tpu.enqueue_indirect_dma source(%arg10 : memref<96x128xf32, #tpu.memory_space<vmem>>) target(%dma_start3A_48 : memref<10240x128xf32, #tpu.memory_space<vmem_shared>>) offsets(%dma_start3A_45 : memref<96xi32, #tpu.memory_space<vmem>>) semaphore(%run_scoped3A : memref<!tpu.dma_semaphore, #tpu.memory_space<semaphore_mem>>) {add = true}
        %dma_wait3A_49 = arith.constant 0 : i32
        %dma_wait3A_50 = tpu.memref_slice %arg8[%add3A_35, %dma_wait3A_49] : memref<106x96xi32, #tpu.memory_space<vmem>> -> memref<1x96xi32, #tpu.memory_space<vmem>>
        %dma_wait3A_51 = tpu.memref_squeeze %dma_wait3A_50 : memref<1x96xi32, #tpu.memory_space<vmem>> -> memref<96xi32, #tpu.memory_space<vmem>>
        %dma_wait3A_52 = arith.constant 0 : i32
        %dma_wait3A_53 = arith.constant 0 : i32
        %dma_wait3A_54 = tpu.memref_slice %arg11[%dma_wait3A_52, %dma_wait3A_53] : memref<10240x128xf32, #tpu.memory_space<vmem_shared>> -> memref<10240x128xf32, #tpu.memory_space<vmem_shared>>
        tpu.wait_indirect_dma semaphore(%run_scoped3A : memref<!tpu.dma_semaphore, #tpu.memory_space<semaphore_mem>>) src(%arg10 : memref<96x128xf32, #tpu.memory_space<vmem>>) dst(%dma_wait3A_54 : memref<10240x128xf32, #tpu.memory_space<vmem_shared>>)
        tpu.yield
      }) : () -> ()
      %add3A_36 = arith.constant 3 : i32
      %add3A_37 = arith.addi %mul3A_20, %add3A_36 : i32
      %lt3A_38 = arith.constant 106 : i32
      %lt3A_39 = arith.cmpi slt, %add3A_37, %lt3A_38 : i32
      %convert_element_type3A_40 = arith.extui %lt3A_39 : i1 to i32
      %cond3A_41 = arith.constant 0 : i32
      %cond3A_42 = arith.cmpi ne, %convert_element_type3A_40, %cond3A_41 : i32
      scf.if %cond3A_42 {
        %add3A_43 = arith.constant 3 : i32
        %add3A_44 = arith.addi %mul3A_20, %add3A_43 : i32
        %mul3A_45 = arith.constant 96 : i32
        %mul3A_46 = arith.muli %add3A_44, %mul3A_45 : i32
        %dma_start3A_47 = tpu.memref_slice %arg7[%mul3A_46] : memref<10176xi32, #tpu.memory_space<vmem>> -> memref<96xi32, #tpu.memory_space<vmem>>
        %dma_start3A_48 = arith.constant 0 : i32
        %dma_start3A_49 = arith.constant 0 : i32
        %dma_start3A_50 = tpu.memref_slice %arg2[%dma_start3A_48, %dma_start3A_49] : memref<10000x128xf32, #tpu.memory_space<hbm>> -> memref<10000x128xf32, #tpu.memory_space<hbm>>
        tpu.enqueue_indirect_dma source(%dma_start3A_50 : memref<10000x128xf32, #tpu.memory_space<hbm>>) target(%arg10 : memref<96x128xf32, #tpu.memory_space<vmem>>) offsets(%dma_start3A_47 : memref<96xi32, #tpu.memory_space<vmem>>) semaphore(%arg13 : memref<!tpu.dma_semaphore, #tpu.memory_space<semaphore_mem>>)
      } else {
      }
    }
    %scan3A_16 = arith.constant 53 : i32
    %barrier3A_17 = arith.constant 0 : index
    tpu.barrier barrier_id(%barrier3A_17)
    "tpu.region"() ({
      %run_scoped3A = tpu.sem_alloc : memref<!tpu.dma_semaphore, #tpu.memory_space<semaphore_mem>>
      %dma_start3A_18 = arith.constant 0 : i32
      %dma_start3A_19 = tpu.memref_slice %arg6[%arg0, %mul3A_2, %dma_start3A_18] : memref<2x10240x128xf32, #tpu.memory_space<hbm>> -> memref<1x640x128xf32, #tpu.memory_space<hbm>>
      %dma_start3A_20 = tpu.memref_squeeze %dma_start3A_19 : memref<1x640x128xf32, #tpu.memory_space<hbm>> -> memref<640x128xf32, #tpu.memory_space<hbm>>
      %dma_start3A_21 = arith.constant 0 : i32
      %dma_start3A_22 = tpu.memref_slice %arg11[%mul3A_2, %dma_start3A_21] : memref<10240x128xf32, #tpu.memory_space<vmem_shared>> -> memref<640x128xf32, #tpu.memory_space<vmem_shared>>
      tpu.enqueue_dma source(%dma_start3A_22 : memref<640x128xf32, #tpu.memory_space<vmem_shared>>) target(%dma_start3A_20 : memref<640x128xf32, #tpu.memory_space<hbm>>) target_semaphore(%run_scoped3A : memref<!tpu.dma_semaphore, #tpu.memory_space<semaphore_mem>>)
      %dma_wait3A = arith.constant 0 : i32
      %dma_wait3A_23 = tpu.memref_slice %arg6[%arg0, %mul3A_2, %dma_wait3A] : memref<2x10240x128xf32, #tpu.memory_space<hbm>> -> memref<1x640x128xf32, #tpu.memory_space<hbm>>
      %dma_wait3A_24 = tpu.memref_squeeze %dma_wait3A_23 : memref<1x640x128xf32, #tpu.memory_space<hbm>> -> memref<640x128xf32, #tpu.memory_space<hbm>>
      %dma_wait3A_25 = arith.constant 0 : i32
      %dma_wait3A_26 = tpu.memref_slice %arg11[%mul3A_2, %dma_wait3A_25] : memref<10240x128xf32, #tpu.memory_space<vmem_shared>> -> memref<640x128xf32, #tpu.memory_space<vmem_shared>>
      tpu.wait_dma2 semaphore(%run_scoped3A : memref<!tpu.dma_semaphore, #tpu.memory_space<semaphore_mem>>) src(%dma_wait3A_26 : memref<640x128xf32, #tpu.memory_space<vmem_shared>>) dst(%dma_wait3A_24 : memref<640x128xf32, #tpu.memory_space<hbm>>)
      tpu.yield
    }) : () -> ()
    return
  }
}

module attributes {stable_mosaic.version = 14 : i64} {
  func.func @_tc_mlp_body(%arg0: i32, %arg1: memref<400x128xf32, #tpu.memory_space<vmem>>, %arg2: memref<128x128xf32, #tpu.memory_space<vmem>>, %arg3: memref<1x128xf32, #tpu.memory_space<vmem>>, %arg4: memref<128x128xf32, #tpu.memory_space<vmem>>, %arg5: memref<1x128xf32, #tpu.memory_space<vmem>>, %arg6: memref<400x128xf32, #tpu.memory_space<vmem>>) attributes {dimension_semantics = [#tpu.dimension_semantics<arbitrary>], iteration_bounds = array<i64: 25>, scalar_prefetch = 0 : i64, scratch_operands = 0 : i64, tpu.core_type = #tpu.core_type<tc>, window_params = [{transform_indices = @transform_0, window_bounds = array<i64: 400, 128>}, {pipeline_mode = #tpu.pipeline_mode<synchronous>, transform_indices = @transform_1, window_bounds = array<i64: 128, 128>}, {pipeline_mode = #tpu.pipeline_mode<synchronous>, transform_indices = @transform_2, window_bounds = array<i64: 1, 128>}, {pipeline_mode = #tpu.pipeline_mode<synchronous>, transform_indices = @transform_3, window_bounds = array<i64: 128, 128>}, {pipeline_mode = #tpu.pipeline_mode<synchronous>, transform_indices = @transform_4, window_bounds = array<i64: 1, 128>}, {transform_indices = @transform_5, window_bounds = array<i64: 400, 128>}]} {
    %get3A = arith.constant 0 : index
    %get3A_0 = arith.constant 0 : index
    %get3A_1 = vector.load %arg1[%get3A, %get3A_0] : memref<400x128xf32, #tpu.memory_space<vmem>>, vector<400x128xf32>
    %get3A_2 = arith.constant 0 : index
    %get3A_3 = arith.constant 0 : index
    %get3A_4 = vector.load %arg2[%get3A_2, %get3A_3] : memref<128x128xf32, #tpu.memory_space<vmem>>, vector<128x128xf32>
    %dot_general3A = arith.constant dense<0.000000e+00> : vector<400x128xf32>
    %dot_general3A_5 = tpu.matmul %get3A_1, %get3A_4, %dot_general3A {dimension_numbers = #tpu.dot_dimension_numbers<[1], [0], [0], [1], [0, 0, 1, 1], [], []>, transpose_lhs_hint = false} : vector<400x128xf32>, vector<128x128xf32>, vector<400x128xf32> -> vector<400x128xf32>
    %get3A_6 = arith.constant 0 : index
    %get3A_7 = arith.constant 0 : index
    %get3A_8 = vector.load %arg3[%get3A_6, %get3A_7] : memref<1x128xf32, #tpu.memory_space<vmem>>, vector<1x128xf32>
    %add3A = vector.broadcast %get3A_8 : vector<1x128xf32> to vector<400x128xf32>
    %add3A_9 = arith.addf %dot_general3A_5, %add3A : vector<400x128xf32>
    %max3A = arith.constant 0.000000e+00 : f32
    %max3A_10 = vector.broadcast %max3A : f32 to vector<400x128xf32>
    %max3A_11 = arith.maximumf %add3A_9, %max3A_10 : vector<400x128xf32>
    %get3A_12 = arith.constant 0 : index
    %get3A_13 = arith.constant 0 : index
    %get3A_14 = vector.load %arg4[%get3A_12, %get3A_13] : memref<128x128xf32, #tpu.memory_space<vmem>>, vector<128x128xf32>
    %dot_general3A_15 = arith.constant dense<0.000000e+00> : vector<400x128xf32>
    %dot_general3A_16 = tpu.matmul %max3A_11, %get3A_14, %dot_general3A_15 {dimension_numbers = #tpu.dot_dimension_numbers<[1], [0], [0], [1], [0, 0, 1, 1], [], []>, transpose_lhs_hint = false} : vector<400x128xf32>, vector<128x128xf32>, vector<400x128xf32> -> vector<400x128xf32>
    %get3A_17 = arith.constant 0 : index
    %get3A_18 = arith.constant 0 : index
    %get3A_19 = vector.load %arg5[%get3A_17, %get3A_18] : memref<1x128xf32, #tpu.memory_space<vmem>>, vector<1x128xf32>
    %add3A_20 = vector.broadcast %get3A_19 : vector<1x128xf32> to vector<400x128xf32>
    %add3A_21 = arith.addf %dot_general3A_16, %add3A_20 : vector<400x128xf32>
    %max3A_22 = arith.constant 0.000000e+00 : f32
    %max3A_23 = vector.broadcast %max3A_22 : f32 to vector<400x128xf32>
    %max3A_24 = arith.maximumf %add3A_21, %max3A_23 : vector<400x128xf32>
    %swap3A = arith.constant 0 : index
    %swap3A_25 = arith.constant 0 : index
    %swap3A_26 = vector.load %arg6[%swap3A, %swap3A_25] : memref<400x128xf32, #tpu.memory_space<vmem>>, vector<400x128xf32>
    tpu.vector_store %arg6[%swap3A, %swap3A_25], %max3A_24 {strides = array<i32>} : memref<400x128xf32, #tpu.memory_space<vmem>>, vector<400x128xf32>,
    return
  }
  func.func @transform_0(%arg0: i32) -> (i32, i32) {
    %c0_i32 = arith.constant 0 : i32
    %c0_i32_0 = arith.constant 0 : i32
    return %arg0, %c0_i32 : i32, i32
  }
  func.func @transform_1(%arg0: i32) -> (i32, i32) {
    %c0_i32 = arith.constant 0 : i32
    %c0_i32_0 = arith.constant 0 : i32
    %c0_i32_1 = arith.constant 0 : i32
    return %c0_i32, %c0_i32_0 : i32, i32
  }
  func.func @transform_2(%arg0: i32) -> (i32, i32) {
    %c0_i32 = arith.constant 0 : i32
    %c0_i32_0 = arith.constant 0 : i32
    %c0_i32_1 = arith.constant 0 : i32
    return %c0_i32, %c0_i32_0 : i32, i32
  }
  func.func @transform_3(%arg0: i32) -> (i32, i32) {
    %c0_i32 = arith.constant 0 : i32
    %c0_i32_0 = arith.constant 0 : i32
    %c0_i32_1 = arith.constant 0 : i32
    return %c0_i32, %c0_i32_0 : i32, i32
  }
  func.func @transform_4(%arg0: i32) -> (i32, i32) {
    %c0_i32 = arith.constant 0 : i32
    %c0_i32_0 = arith.constant 0 : i32
    %c0_i32_1 = arith.constant 0 : i32
    return %c0_i32, %c0_i32_0 : i32, i32
  }
  func.func @transform_5(%arg0: i32) -> (i32, i32) {
    %c0_i32 = arith.constant 0 : i32
    %c0_i32_0 = arith.constant 0 : i32
    return %arg0, %c0_i32 : i32, i32
  }
}

module attributes {stable_mosaic.version = 14 : i64} {
  func.func @_tc_x1_body(%arg0: i32, %arg1: memref<2x400x128xf32, #tpu.memory_space<vmem>>, %arg2: memref<400x1xf32, #tpu.memory_space<vmem>>, %arg3: memref<400x128xf32, #tpu.memory_space<vmem>>, %arg4: memref<400x128xf32, #tpu.memory_space<vmem>>) attributes {dimension_semantics = [#tpu.dimension_semantics<arbitrary>], iteration_bounds = array<i64: 25>, scalar_prefetch = 0 : i64, scratch_operands = 0 : i64, tpu.core_type = #tpu.core_type<tc>, window_params = [{transform_indices = @transform_0, window_bounds = array<i64: 2, 400, 128>}, {transform_indices = @transform_1, window_bounds = array<i64: 400, 1>}, {transform_indices = @transform_2, window_bounds = array<i64: 400, 128>}, {transform_indices = @transform_3, window_bounds = array<i64: 400, 128>}]} {
    %get3A = arith.constant 0 : index
    %get3A_0 = arith.constant 0 : index
    %get3A_1 = vector.load %arg2[%get3A, %get3A_0] : memref<400x1xf32, #tpu.memory_space<vmem>>, vector<400x1xf32>
    %get3A_2 = arith.constant 0 : index
    %get3A_3 = arith.constant 0 : index
    %get3A_4 = arith.constant 0 : index
    %get3A_5 = vector.load %arg1[%get3A_2, %get3A_3, %get3A_4] : memref<2x400x128xf32, #tpu.memory_space<vmem>>, vector<1x400x128xf32>
    %get3A_6 = vector.shape_cast %get3A_5 : vector<1x400x128xf32> to vector<400x128xf32>
    %get3A_7 = arith.constant 1 : index
    %get3A_8 = arith.constant 0 : index
    %get3A_9 = arith.constant 0 : index
    %get3A_10 = vector.load %arg1[%get3A_7, %get3A_8, %get3A_9] : memref<2x400x128xf32, #tpu.memory_space<vmem>>, vector<1x400x128xf32>
    %get3A_11 = vector.shape_cast %get3A_10 : vector<1x400x128xf32> to vector<400x128xf32>
    %add3A = arith.addf %get3A_6, %get3A_11 : vector<400x128xf32>
    %neg3A = arith.constant 0.000000e+00 : f32
    %neg3A_12 = vector.broadcast %neg3A : f32 to vector<400x1xf32>
    %neg3A_13 = arith.subf %neg3A_12, %get3A_1 : vector<400x1xf32>
    %mul3A = vector.broadcast %neg3A_13 : vector<400x1xf32> to vector<400x128xf32>
    %mul3A_14 = arith.mulf %add3A, %mul3A : vector<400x128xf32>
    %swap3A = arith.constant 0 : index
    %swap3A_15 = arith.constant 0 : index
    %swap3A_16 = vector.load %arg3[%swap3A, %swap3A_15] : memref<400x128xf32, #tpu.memory_space<vmem>>, vector<400x128xf32>
    tpu.vector_store %arg3[%swap3A, %swap3A_15], %mul3A_14 {strides = array<i32>} : memref<400x128xf32, #tpu.memory_space<vmem>>, vector<400x128xf32>,
    %mul3A_17 = vector.broadcast %get3A_1 : vector<400x1xf32> to vector<400x128xf32>
    %mul3A_18 = arith.mulf %mul3A_14, %mul3A_17 : vector<400x128xf32>
    %swap3A_19 = arith.constant 0 : index
    %swap3A_20 = arith.constant 0 : index
    %swap3A_21 = vector.load %arg4[%swap3A_19, %swap3A_20] : memref<400x128xf32, #tpu.memory_space<vmem>>, vector<400x128xf32>
    tpu.vector_store %arg4[%swap3A_19, %swap3A_20], %mul3A_18 {strides = array<i32>} : memref<400x128xf32, #tpu.memory_space<vmem>>, vector<400x128xf32>,
    return
  }
  func.func @transform_0(%arg0: i32) -> (i32, i32, i32) {
    %c0_i32 = arith.constant 0 : i32
    %c0_i32_0 = arith.constant 0 : i32
    %c0_i32_1 = arith.constant 0 : i32
    return %c0_i32, %arg0, %c0_i32_0 : i32, i32, i32
  }
  func.func @transform_1(%arg0: i32) -> (i32, i32) {
    %c0_i32 = arith.constant 0 : i32
    %c0_i32_0 = arith.constant 0 : i32
    return %arg0, %c0_i32 : i32, i32
  }
  func.func @transform_2(%arg0: i32) -> (i32, i32) {
    %c0_i32 = arith.constant 0 : i32
    %c0_i32_0 = arith.constant 0 : i32
    return %arg0, %c0_i32 : i32, i32
  }
  func.func @transform_3(%arg0: i32) -> (i32, i32) {
    %c0_i32 = arith.constant 0 : i32
    %c0_i32_0 = arith.constant 0 : i32
    return %arg0, %c0_i32 : i32, i32
  }
}

module attributes {stable_mosaic.version = 14 : i64} {
  func.func @_tc_prescale_body(%arg0: i32, %arg1: memref<400x128xf32, #tpu.memory_space<vmem>>, %arg2: memref<2x400x128xf32, #tpu.memory_space<vmem>>, %arg3: memref<400x128xf32, #tpu.memory_space<vmem>>, %arg4: memref<400x1xf32, #tpu.memory_space<vmem>>) attributes {dimension_semantics = [#tpu.dimension_semantics<arbitrary>], iteration_bounds = array<i64: 25>, scalar_prefetch = 0 : i64, scratch_operands = 0 : i64, tpu.core_type = #tpu.core_type<tc>, window_params = [{transform_indices = @transform_0, window_bounds = array<i64: 400, 128>}, {transform_indices = @transform_1, window_bounds = array<i64: 2, 400, 128>}, {transform_indices = @transform_2, window_bounds = array<i64: 400, 128>}, {transform_indices = @transform_3, window_bounds = array<i64: 400, 1>}]} {
    %get3A = arith.constant 0 : index
    %get3A_0 = arith.constant 0 : index
    %get3A_1 = arith.constant 0 : index
    %get3A_2 = vector.load %arg2[%get3A, %get3A_0, %get3A_1] : memref<2x400x128xf32, #tpu.memory_space<vmem>>, vector<1x400x1xf32>
    %get3A_3 = vector.shape_cast %get3A_2 : vector<1x400x1xf32> to vector<400x1xf32>
    %get3A_4 = arith.constant 1 : index
    %get3A_5 = arith.constant 0 : index
    %get3A_6 = arith.constant 0 : index
    %get3A_7 = vector.load %arg2[%get3A_4, %get3A_5, %get3A_6] : memref<2x400x128xf32, #tpu.memory_space<vmem>>, vector<1x400x1xf32>
    %get3A_8 = vector.shape_cast %get3A_7 : vector<1x400x1xf32> to vector<400x1xf32>
    %add3A = arith.addf %get3A_3, %get3A_8 : vector<400x1xf32>
    %max3A = arith.constant 1.000000e+00 : f32
    %max3A_9 = vector.broadcast %max3A : f32 to vector<400x1xf32>
    %max3A_10 = arith.maximumf %add3A, %max3A_9 : vector<400x1xf32>
    %rsqrt3A = math.rsqrt %max3A_10 : vector<400x1xf32>
    %swap3A = arith.constant 0 : index
    %swap3A_11 = arith.constant 0 : index
    %swap3A_12 = vector.load %arg4[%swap3A, %swap3A_11] : memref<400x1xf32, #tpu.memory_space<vmem>>, vector<400x1xf32>
    tpu.vector_store %arg4[%swap3A, %swap3A_11], %rsqrt3A {strides = array<i32>} : memref<400x1xf32, #tpu.memory_space<vmem>>, vector<400x1xf32>,
    %get3A_13 = arith.constant 0 : index
    %get3A_14 = arith.constant 0 : index
    %get3A_15 = vector.load %arg1[%get3A_13, %get3A_14] : memref<400x128xf32, #tpu.memory_space<vmem>>, vector<400x128xf32>
    %mul3A = vector.broadcast %rsqrt3A : vector<400x1xf32> to vector<400x128xf32>
    %mul3A_16 = arith.mulf %get3A_15, %mul3A : vector<400x128xf32>
    %swap3A_17 = arith.constant 0 : index
    %swap3A_18 = arith.constant 0 : index
    %swap3A_19 = vector.load %arg3[%swap3A_17, %swap3A_18] : memref<400x128xf32, #tpu.memory_space<vmem>>, vector<400x128xf32>
    tpu.vector_store %arg3[%swap3A_17, %swap3A_18], %mul3A_16 {strides = array<i32>} : memref<400x128xf32, #tpu.memory_space<vmem>>, vector<400x128xf32>,
    return
  }
  func.func @transform_0(%arg0: i32) -> (i32, i32) {
    %c0_i32 = arith.constant 0 : i32
    %c0_i32_0 = arith.constant 0 : i32
    return %arg0, %c0_i32 : i32, i32
  }
  func.func @transform_1(%arg0: i32) -> (i32, i32, i32) {
    %c0_i32 = arith.constant 0 : i32
    %c0_i32_0 = arith.constant 0 : i32
    %c0_i32_1 = arith.constant 0 : i32
    return %c0_i32, %arg0, %c0_i32_0 : i32, i32, i32
  }
  func.func @transform_2(%arg0: i32) -> (i32, i32) {
    %c0_i32 = arith.constant 0 : i32
    %c0_i32_0 = arith.constant 0 : i32
    return %arg0, %c0_i32 : i32, i32
  }
  func.func @transform_3(%arg0: i32) -> (i32, i32) {
    %c0_i32 = arith.constant 0 : i32
    %c0_i32_0 = arith.constant 0 : i32
    return %arg0, %c0_i32 : i32, i32
  }
}

module attributes {stable_mosaic.version = 14 : i64} {
  func.func @_tc_cheb_out_body(%arg0: i32, %arg1: memref<400x128xf32, #tpu.memory_space<vmem>>, %arg2: memref<400x128xf32, #tpu.memory_space<vmem>>, %arg3: memref<2x400x128xf32, #tpu.memory_space<vmem>>, %arg4: memref<400x1xf32, #tpu.memory_space<vmem>>, %arg5: memref<384x128xf32, #tpu.memory_space<vmem>>, %arg6: memref<1x128xf32, #tpu.memory_space<vmem>>, %arg7: memref<400x128xf32, #tpu.memory_space<vmem>>, %arg8: memref<400x128xf32, #tpu.memory_space<vmem>>) attributes {dimension_semantics = [#tpu.dimension_semantics<arbitrary>], iteration_bounds = array<i64: 25>, scalar_prefetch = 0 : i64, scratch_operands = 0 : i64, tpu.core_type = #tpu.core_type<tc>, window_params = [{transform_indices = @transform_0, window_bounds = array<i64: 400, 128>}, {transform_indices = @transform_1, window_bounds = array<i64: 400, 128>}, {transform_indices = @transform_2, window_bounds = array<i64: 2, 400, 128>}, {transform_indices = @transform_3, window_bounds = array<i64: 400, 1>}, {pipeline_mode = #tpu.pipeline_mode<synchronous>, transform_indices = @transform_4, window_bounds = array<i64: 384, 128>}, {pipeline_mode = #tpu.pipeline_mode<synchronous>, transform_indices = @transform_5, window_bounds = array<i64: 1, 128>}, {transform_indices = @transform_6, window_bounds = array<i64: 400, 128>}, {transform_indices = @transform_7, window_bounds = array<i64: 400, 128>}]} {
    %get3A = arith.constant 0 : index
    %get3A_0 = arith.constant 0 : index
    %get3A_1 = vector.load %arg4[%get3A, %get3A_0] : memref<400x1xf32, #tpu.memory_space<vmem>>, vector<400x1xf32>
    %get3A_2 = arith.constant 0 : index
    %get3A_3 = arith.constant 0 : index
    %get3A_4 = vector.load %arg1[%get3A_2, %get3A_3] : memref<400x128xf32, #tpu.memory_space<vmem>>, vector<400x128xf32>
    %get3A_5 = arith.constant 0 : index
    %get3A_6 = arith.constant 0 : index
    %get3A_7 = vector.load %arg2[%get3A_5, %get3A_6] : memref<400x128xf32, #tpu.memory_space<vmem>>, vector<400x128xf32>
    %get3A_8 = arith.constant 0 : index
    %get3A_9 = arith.constant 0 : index
    %get3A_10 = arith.constant 0 : index
    %get3A_11 = vector.load %arg3[%get3A_8, %get3A_9, %get3A_10] : memref<2x400x128xf32, #tpu.memory_space<vmem>>, vector<1x400x128xf32>
    %get3A_12 = vector.shape_cast %get3A_11 : vector<1x400x128xf32> to vector<400x128xf32>
    %get3A_13 = arith.constant 1 : index
    %get3A_14 = arith.constant 0 : index
    %get3A_15 = arith.constant 0 : index
    %get3A_16 = vector.load %arg3[%get3A_13, %get3A_14, %get3A_15] : memref<2x400x128xf32, #tpu.memory_space<vmem>>, vector<1x400x128xf32>
    %get3A_17 = vector.shape_cast %get3A_16 : vector<1x400x128xf32> to vector<400x128xf32>
    %add3A = arith.addf %get3A_12, %get3A_17 : vector<400x128xf32>
    %mul3A = arith.constant -2.000000e+00 : f32
    %mul3A_18 = vector.broadcast %mul3A : f32 to vector<400x1xf32>
    %mul3A_19 = arith.mulf %mul3A_18, %get3A_1 : vector<400x1xf32>
    %mul3A_20 = vector.broadcast %mul3A_19 : vector<400x1xf32> to vector<400x128xf32>
    %mul3A_21 = arith.mulf %add3A, %mul3A_20 : vector<400x128xf32>
    %sub3A = arith.subf %mul3A_21, %get3A_4 : vector<400x128xf32>
    %get3A_22 = arith.constant 0 : index
    %get3A_23 = arith.constant 0 : index
    %get3A_24 = vector.load %arg5[%get3A_22, %get3A_23] : memref<384x128xf32, #tpu.memory_space<vmem>>, vector<128x128xf32>
    %dot_general3A = arith.constant dense<0.000000e+00> : vector<400x128xf32>
    %dot_general3A_25 = tpu.matmul %get3A_4, %get3A_24, %dot_general3A {dimension_numbers = #tpu.dot_dimension_numbers<[1], [0], [0], [1], [0, 0, 1, 1], [], []>, transpose_lhs_hint = false} : vector<400x128xf32>, vector<128x128xf32>, vector<400x128xf32> -> vector<400x128xf32>
    %get3A_26 = arith.constant 128 : index
    %get3A_27 = arith.constant 0 : index
    %get3A_28 = vector.load %arg5[%get3A_26, %get3A_27] : memref<384x128xf32, #tpu.memory_space<vmem>>, vector<128x128xf32>
    %dot_general3A_29 = arith.constant dense<0.000000e+00> : vector<400x128xf32>
    %dot_general3A_30 = tpu.matmul %get3A_7, %get3A_28, %dot_general3A_29 {dimension_numbers = #tpu.dot_dimension_numbers<[1], [0], [0], [1], [0, 0, 1, 1], [], []>, transpose_lhs_hint = false} : vector<400x128xf32>, vector<128x128xf32>, vector<400x128xf32> -> vector<400x128xf32>
    %add3A_31 = arith.addf %dot_general3A_25, %dot_general3A_30 : vector<400x128xf32>
    %get3A_32 = arith.constant 256 : index
    %get3A_33 = arith.constant 0 : index
    %get3A_34 = vector.load %arg5[%get3A_32, %get3A_33] : memref<384x128xf32, #tpu.memory_space<vmem>>, vector<128x128xf32>
    %dot_general3A_35 = arith.constant dense<0.000000e+00> : vector<400x128xf32>
    %dot_general3A_36 = tpu.matmul %sub3A, %get3A_34, %dot_general3A_35 {dimension_numbers = #tpu.dot_dimension_numbers<[1], [0], [0], [1], [0, 0, 1, 1], [], []>, transpose_lhs_hint = false} : vector<400x128xf32>, vector<128x128xf32>, vector<400x128xf32> -> vector<400x128xf32>
    %add3A_37 = arith.addf %add3A_31, %dot_general3A_36 : vector<400x128xf32>
    %get3A_38 = arith.constant 0 : index
    %get3A_39 = arith.constant 0 : index
    %get3A_40 = vector.load %arg6[%get3A_38, %get3A_39] : memref<1x128xf32, #tpu.memory_space<vmem>>, vector<1x128xf32>
    %add3A_41 = vector.broadcast %get3A_40 : vector<1x128xf32> to vector<400x128xf32>
    %add3A_42 = arith.addf %add3A_37, %add3A_41 : vector<400x128xf32>
    %max3A = arith.constant 0.000000e+00 : f32
    %max3A_43 = vector.broadcast %max3A : f32 to vector<400x128xf32>
    %max3A_44 = arith.maximumf %add3A_42, %max3A_43 : vector<400x128xf32>
    %swap3A = arith.constant 0 : index
    %swap3A_45 = arith.constant 0 : index
    %swap3A_46 = vector.load %arg7[%swap3A, %swap3A_45] : memref<400x128xf32, #tpu.memory_space<vmem>>, vector<400x128xf32>
    tpu.vector_store %arg7[%swap3A, %swap3A_45], %max3A_44 {strides = array<i32>} : memref<400x128xf32, #tpu.memory_space<vmem>>, vector<400x128xf32>,
    %mul3A_47 = vector.broadcast %get3A_1 : vector<400x1xf32> to vector<400x128xf32>
    %mul3A_48 = arith.mulf %max3A_44, %mul3A_47 : vector<400x128xf32>
    %swap3A_49 = arith.constant 0 : index
    %swap3A_50 = arith.constant 0 : index
    %swap3A_51 = vector.load %arg8[%swap3A_49, %swap3A_50] : memref<400x128xf32, #tpu.memory_space<vmem>>, vector<400x128xf32>
    tpu.vector_store %arg8[%swap3A_49, %swap3A_50], %mul3A_48 {strides = array<i32>} : memref<400x128xf32, #tpu.memory_space<vmem>>, vector<400x128xf32>,
    return
  }
  func.func @transform_0(%arg0: i32) -> (i32, i32) {
    %c0_i32 = arith.constant 0 : i32
    %c0_i32_0 = arith.constant 0 : i32
    return %arg0, %c0_i32 : i32, i32
  }
  func.func @transform_1(%arg0: i32) -> (i32, i32) {
    %c0_i32 = arith.constant 0 : i32
    %c0_i32_0 = arith.constant 0 : i32
    return %arg0, %c0_i32 : i32, i32
  }
  func.func @transform_2(%arg0: i32) -> (i32, i32, i32) {
    %c0_i32 = arith.constant 0 : i32
    %c0_i32_0 = arith.constant 0 : i32
    %c0_i32_1 = arith.constant 0 : i32
    return %c0_i32, %arg0, %c0_i32_0 : i32, i32, i32
  }
  func.func @transform_3(%arg0: i32) -> (i32, i32) {
    %c0_i32 = arith.constant 0 : i32
    %c0_i32_0 = arith.constant 0 : i32
    return %arg0, %c0_i32 : i32, i32
  }
  func.func @transform_4(%arg0: i32) -> (i32, i32) {
    %c0_i32 = arith.constant 0 : i32
    %c0_i32_0 = arith.constant 0 : i32
    %c0_i32_1 = arith.constant 0 : i32
    return %c0_i32, %c0_i32_0 : i32, i32
  }
  func.func @transform_5(%arg0: i32) -> (i32, i32) {
    %c0_i32 = arith.constant 0 : i32
    %c0_i32_0 = arith.constant 0 : i32
    %c0_i32_1 = arith.constant 0 : i32
    return %c0_i32, %c0_i32_0 : i32, i32
  }
  func.func @transform_6(%arg0: i32) -> (i32, i32) {
    %c0_i32 = arith.constant 0 : i32
    %c0_i32_0 = arith.constant 0 : i32
    return %arg0, %c0_i32 : i32, i32
  }
  func.func @transform_7(%arg0: i32) -> (i32, i32) {
    %c0_i32 = arith.constant 0 : i32
    %c0_i32_0 = arith.constant 0 : i32
    return %arg0, %c0_i32 : i32, i32
  }
}

module attributes {stable_mosaic.version = 14 : i64} {
  func.func @_tc_head_body(%arg0: i32, %arg1: memref<400x128xf32, #tpu.memory_space<vmem>>, %arg2: memref<400x128xf32, #tpu.memory_space<vmem>>, %arg3: memref<2x400x128xf32, #tpu.memory_space<vmem>>, %arg4: memref<400x1xf32, #tpu.memory_space<vmem>>, %arg5: memref<384x128xf32, #tpu.memory_space<vmem>>, %arg6: memref<1x128xf32, #tpu.memory_space<vmem>>, %arg7: memref<128x128xf32, #tpu.memory_space<vmem>>, %arg8: memref<1x128xf32, #tpu.memory_space<vmem>>, %arg9: memref<128x2xf32, #tpu.memory_space<vmem>>, %arg10: memref<1x2xf32, #tpu.memory_space<vmem>>, %arg11: memref<400x2xf32, #tpu.memory_space<vmem>>) attributes {dimension_semantics = [#tpu.dimension_semantics<arbitrary>], iteration_bounds = array<i64: 25>, scalar_prefetch = 0 : i64, scratch_operands = 0 : i64, tpu.core_type = #tpu.core_type<tc>, window_params = [{transform_indices = @transform_0, window_bounds = array<i64: 400, 128>}, {transform_indices = @transform_1, window_bounds = array<i64: 400, 128>}, {transform_indices = @transform_2, window_bounds = array<i64: 2, 400, 128>}, {transform_indices = @transform_3, window_bounds = array<i64: 400, 1>}, {pipeline_mode = #tpu.pipeline_mode<synchronous>, transform_indices = @transform_4, window_bounds = array<i64: 384, 128>}, {pipeline_mode = #tpu.pipeline_mode<synchronous>, transform_indices = @transform_5, window_bounds = array<i64: 1, 128>}, {pipeline_mode = #tpu.pipeline_mode<synchronous>, transform_indices = @transform_6, window_bounds = array<i64: 128, 128>}, {pipeline_mode = #tpu.pipeline_mode<synchronous>, transform_indices = @transform_7, window_bounds = array<i64: 1, 128>}, {pipeline_mode = #tpu.pipeline_mode<synchronous>, transform_indices = @transform_8, window_bounds = array<i64: 128, 2>}, {pipeline_mode = #tpu.pipeline_mode<synchronous>, transform_indices = @transform_9, window_bounds = array<i64: 1, 2>}, {transform_indices = @transform_10, window_bounds = array<i64: 400, 2>}]} {
    %get3A = arith.constant 0 : index
    %get3A_0 = arith.constant 0 : index
    %get3A_1 = vector.load %arg1[%get3A, %get3A_0] : memref<400x128xf32, #tpu.memory_space<vmem>>, vector<400x128xf32>
    %get3A_2 = arith.constant 0 : index
    %get3A_3 = arith.constant 0 : index
    %get3A_4 = vector.load %arg2[%get3A_2, %get3A_3] : memref<400x128xf32, #tpu.memory_space<vmem>>, vector<400x128xf32>
    %get3A_5 = arith.constant 0 : index
    %get3A_6 = arith.constant 0 : index
    %get3A_7 = vector.load %arg4[%get3A_5, %get3A_6] : memref<400x1xf32, #tpu.memory_space<vmem>>, vector<400x1xf32>
    %get3A_8 = arith.constant 0 : index
    %get3A_9 = arith.constant 0 : index
    %get3A_10 = arith.constant 0 : index
    %get3A_11 = vector.load %arg3[%get3A_8, %get3A_9, %get3A_10] : memref<2x400x128xf32, #tpu.memory_space<vmem>>, vector<1x400x128xf32>
    %get3A_12 = vector.shape_cast %get3A_11 : vector<1x400x128xf32> to vector<400x128xf32>
    %get3A_13 = arith.constant 1 : index
    %get3A_14 = arith.constant 0 : index
    %get3A_15 = arith.constant 0 : index
    %get3A_16 = vector.load %arg3[%get3A_13, %get3A_14, %get3A_15] : memref<2x400x128xf32, #tpu.memory_space<vmem>>, vector<1x400x128xf32>
    %get3A_17 = vector.shape_cast %get3A_16 : vector<1x400x128xf32> to vector<400x128xf32>
    %add3A = arith.addf %get3A_12, %get3A_17 : vector<400x128xf32>
    %mul3A = arith.constant -2.000000e+00 : f32
    %mul3A_18 = vector.broadcast %mul3A : f32 to vector<400x1xf32>
    %mul3A_19 = arith.mulf %mul3A_18, %get3A_7 : vector<400x1xf32>
    %mul3A_20 = vector.broadcast %mul3A_19 : vector<400x1xf32> to vector<400x128xf32>
    %mul3A_21 = arith.mulf %add3A, %mul3A_20 : vector<400x128xf32>
    %sub3A = arith.subf %mul3A_21, %get3A_1 : vector<400x128xf32>
    %get3A_22 = arith.constant 0 : index
    %get3A_23 = arith.constant 0 : index
    %get3A_24 = vector.load %arg5[%get3A_22, %get3A_23] : memref<384x128xf32, #tpu.memory_space<vmem>>, vector<128x128xf32>
    %dot_general3A = arith.constant dense<0.000000e+00> : vector<400x128xf32>
    %dot_general3A_25 = tpu.matmul %get3A_1, %get3A_24, %dot_general3A {dimension_numbers = #tpu.dot_dimension_numbers<[1], [0], [0], [1], [0, 0, 1, 1], [], []>, transpose_lhs_hint = false} : vector<400x128xf32>, vector<128x128xf32>, vector<400x128xf32> -> vector<400x128xf32>
    %get3A_26 = arith.constant 128 : index
    %get3A_27 = arith.constant 0 : index
    %get3A_28 = vector.load %arg5[%get3A_26, %get3A_27] : memref<384x128xf32, #tpu.memory_space<vmem>>, vector<128x128xf32>
    %dot_general3A_29 = arith.constant dense<0.000000e+00> : vector<400x128xf32>
    %dot_general3A_30 = tpu.matmul %get3A_4, %get3A_28, %dot_general3A_29 {dimension_numbers = #tpu.dot_dimension_numbers<[1], [0], [0], [1], [0, 0, 1, 1], [], []>, transpose_lhs_hint = false} : vector<400x128xf32>, vector<128x128xf32>, vector<400x128xf32> -> vector<400x128xf32>
    %add3A_31 = arith.addf %dot_general3A_25, %dot_general3A_30 : vector<400x128xf32>
    %get3A_32 = arith.constant 256 : index
    %get3A_33 = arith.constant 0 : index
    %get3A_34 = vector.load %arg5[%get3A_32, %get3A_33] : memref<384x128xf32, #tpu.memory_space<vmem>>, vector<128x128xf32>
    %dot_general3A_35 = arith.constant dense<0.000000e+00> : vector<400x128xf32>
    %dot_general3A_36 = tpu.matmul %sub3A, %get3A_34, %dot_general3A_35 {dimension_numbers = #tpu.dot_dimension_numbers<[1], [0], [0], [1], [0, 0, 1, 1], [], []>, transpose_lhs_hint = false} : vector<400x128xf32>, vector<128x128xf32>, vector<400x128xf32> -> vector<400x128xf32>
    %add3A_37 = arith.addf %add3A_31, %dot_general3A_36 : vector<400x128xf32>
    %get3A_38 = arith.constant 0 : index
    %get3A_39 = arith.constant 0 : index
    %get3A_40 = vector.load %arg6[%get3A_38, %get3A_39] : memref<1x128xf32, #tpu.memory_space<vmem>>, vector<1x128xf32>
    %add3A_41 = vector.broadcast %get3A_40 : vector<1x128xf32> to vector<400x128xf32>
    %add3A_42 = arith.addf %add3A_37, %add3A_41 : vector<400x128xf32>
    %max3A = arith.constant 0.000000e+00 : f32
    %max3A_43 = vector.broadcast %max3A : f32 to vector<400x128xf32>
    %max3A_44 = arith.maximumf %add3A_42, %max3A_43 : vector<400x128xf32>
    %get3A_45 = arith.constant 0 : index
    %get3A_46 = arith.constant 0 : index
    %get3A_47 = vector.load %arg7[%get3A_45, %get3A_46] : memref<128x128xf32, #tpu.memory_space<vmem>>, vector<128x128xf32>
    %dot_general3A_48 = arith.constant dense<0.000000e+00> : vector<400x128xf32>
    %dot_general3A_49 = tpu.matmul %max3A_44, %get3A_47, %dot_general3A_48 {dimension_numbers = #tpu.dot_dimension_numbers<[1], [0], [0], [1], [0, 0, 1, 1], [], []>, transpose_lhs_hint = false} : vector<400x128xf32>, vector<128x128xf32>, vector<400x128xf32> -> vector<400x128xf32>
    %get3A_50 = arith.constant 0 : index
    %get3A_51 = arith.constant 0 : index
    %get3A_52 = vector.load %arg8[%get3A_50, %get3A_51] : memref<1x128xf32, #tpu.memory_space<vmem>>, vector<1x128xf32>
    %add3A_53 = vector.broadcast %get3A_52 : vector<1x128xf32> to vector<400x128xf32>
    %add3A_54 = arith.addf %dot_general3A_49, %add3A_53 : vector<400x128xf32>
    %max3A_55 = arith.constant 0.000000e+00 : f32
    %max3A_56 = vector.broadcast %max3A_55 : f32 to vector<400x128xf32>
    %max3A_57 = arith.maximumf %add3A_54, %max3A_56 : vector<400x128xf32>
    %get3A_58 = arith.constant 0 : index
    %get3A_59 = arith.constant 0 : index
    %get3A_60 = vector.load %arg9[%get3A_58, %get3A_59] : memref<128x2xf32, #tpu.memory_space<vmem>>, vector<128x2xf32>
    %dot_general3A_61 = arith.constant dense<0.000000e+00> : vector<400x2xf32>
    %dot_general3A_62 = tpu.matmul %max3A_57, %get3A_60, %dot_general3A_61 {dimension_numbers = #tpu.dot_dimension_numbers<[1], [0], [0], [1], [0, 0, 1, 1], [], []>, transpose_lhs_hint = false} : vector<400x128xf32>, vector<128x2xf32>, vector<400x2xf32> -> vector<400x2xf32>
    %get3A_63 = arith.constant 0 : index
    %get3A_64 = arith.constant 0 : index
    %get3A_65 = vector.load %arg10[%get3A_63, %get3A_64] : memref<1x2xf32, #tpu.memory_space<vmem>>, vector<1x2xf32>
    %add3A_66 = vector.broadcast %get3A_65 : vector<1x2xf32> to vector<400x2xf32>
    %add3A_67 = arith.addf %dot_general3A_62, %add3A_66 : vector<400x2xf32>
    %swap3A = arith.constant 0 : index
    %swap3A_68 = arith.constant 0 : index
    %swap3A_69 = vector.load %arg11[%swap3A, %swap3A_68] : memref<400x2xf32, #tpu.memory_space<vmem>>, vector<400x2xf32>
    tpu.vector_store %arg11[%swap3A, %swap3A_68], %add3A_67 {strides = array<i32>} : memref<400x2xf32, #tpu.memory_space<vmem>>, vector<400x2xf32>,
    return
  }
  func.func @transform_0(%arg0: i32) -> (i32, i32) {
    %c0_i32 = arith.constant 0 : i32
    %c0_i32_0 = arith.constant 0 : i32
    return %arg0, %c0_i32 : i32, i32
  }
  func.func @transform_1(%arg0: i32) -> (i32, i32) {
    %c0_i32 = arith.constant 0 : i32
    %c0_i32_0 = arith.constant 0 : i32
    return %arg0, %c0_i32 : i32, i32
  }
  func.func @transform_2(%arg0: i32) -> (i32, i32, i32) {
    %c0_i32 = arith.constant 0 : i32
    %c0_i32_0 = arith.constant 0 : i32
    %c0_i32_1 = arith.constant 0 : i32
    return %c0_i32, %arg0, %c0_i32_0 : i32, i32, i32
  }
  func.func @transform_3(%arg0: i32) -> (i32, i32) {
    %c0_i32 = arith.constant 0 : i32
    %c0_i32_0 = arith.constant 0 : i32
    return %arg0, %c0_i32 : i32, i32
  }
  func.func @transform_4(%arg0: i32) -> (i32, i32) {
    %c0_i32 = arith.constant 0 : i32
    %c0_i32_0 = arith.constant 0 : i32
    %c0_i32_1 = arith.constant 0 : i32
    return %c0_i32, %c0_i32_0 : i32, i32
  }
  func.func @transform_5(%arg0: i32) -> (i32, i32) {
    %c0_i32 = arith.constant 0 : i32
    %c0_i32_0 = arith.constant 0 : i32
    %c0_i32_1 = arith.constant 0 : i32
    return %c0_i32, %c0_i32_0 : i32, i32
  }
  func.func @transform_6(%arg0: i32) -> (i32, i32) {
    %c0_i32 = arith.constant 0 : i32
    %c0_i32_0 = arith.constant 0 : i32
    %c0_i32_1 = arith.constant 0 : i32
    return %c0_i32, %c0_i32_0 : i32, i32
  }
  func.func @transform_7(%arg0: i32) -> (i32, i32) {
    %c0_i32 = arith.constant 0 : i32
    %c0_i32_0 = arith.constant 0 : i32
    %c0_i32_1 = arith.constant 0 : i32
    return %c0_i32, %c0_i32_0 : i32, i32
  }
  func.func @transform_8(%arg0: i32) -> (i32, i32) {
    %c0_i32 = arith.constant 0 : i32
    %c0_i32_0 = arith.constant 0 : i32
    %c0_i32_1 = arith.constant 0 : i32
    return %c0_i32, %c0_i32_0 : i32, i32
  }
  func.func @transform_9(%arg0: i32) -> (i32, i32) {
    %c0_i32 = arith.constant 0 : i32
    %c0_i32_0 = arith.constant 0 : i32
    %c0_i32_1 = arith.constant 0 : i32
    return %c0_i32, %c0_i32_0 : i32, i32
  }
  func.func @transform_10(%arg0: i32) -> (i32, i32) {
    %c0_i32 = arith.constant 0 : i32
    %c0_i32_0 = arith.constant 0 : i32
    return %arg0, %c0_i32 : i32, i32
  }
}

</mosaic_0001>

<sc_bundles>
// kernel: kernel.13.cloned.1.call-start
scs
__scs_entry_jumppad:
0x0: {  	(pc) =	sbr.rel $0x88, $3  }
0x1: {  	(tag) =	ssettag $0x0;
	lr =	simm.s32 $0x1  }
0x2: {  	[smem:$0x3F93] =	sst lr;
	_ =	strace $0xD0000000  }
0x3: {  	_ = 	snop  }
0x4: {  	_ = 	snop  }
0x5: {  	_ = 	snop  }
0x6: {  	_ = 	snop  }
0x7: {  	_ = 	snop  }
__scs_overlays_trampoline_lowered:
0x8: {  	[smem:$0x3FA2] =	sst s0  }
0x9: {  	[smem:$0x3FA3] =	sst s1  }
0xa: {  	[smem:$0x3FA4] =	sst s2  }
0xb: {  	[smem:$0x3FA5] =	sst s3  }
0xc: {  	[smem:$0x3FA6] =	sst s4  }
0xd: {  	[smem:$0x3FA7] =	sst s5  }
0xe: {  	[smem:$0x3FA8] =	sst s6  }
0xf: {  	[smem:$0x3FA9] =	sst s7  }
0x10: {  	[smem:$0x3FAA] =	sst s8  }
0x11: {  	[smem:$0x3FAB] =	sst s9;
	s0 =	simm.s32 @!p0 $0x0  }
0x12: {  	s1 =	sld [smem:$0x3F91];
	s0 =	simm.s32 @p0 $0x1  }
0x13: {  	[smem:$0x3FAC] =	sst s0;
	s0 =	simm.s32 @!p1 $0x0  }
0x14: {  	s2 =	sld [smem:$0x3F90];
	s0 =	simm.s32 @p1 $0x1  }
0x15: {  	[smem:$0x3FAD] =	sst s0;
	s0 =	simm.s32 @!p2 $0x0  }
0x16: {  	s3 =	sld [smem:$0x3FDB];
	s0 =	simm.s32 @p2 $0x1  }
0x17: {  	s4 =	simm.s32 $0x1BF5;
	[smem:$0x3FAF] =	sst s0  }
0x18: {  	s0 =	sld [smem:$0x3F92];
	_ =	swait.ge [sflag:s4], $0x0  }
0x19: {  	s7 =	sld [smem:$0x3F93]  }
0x1a: {  	s8 =	sadd.s32 $0xFFFFE003, lr  }
0x1b: {  	s9 =	sadd.s32 $0xFFFFFEF7, lr;
	s5 =	simm.s32 $0xFFFFFFFF;
	p2 =	slt.u32 s8, $0xFFFFF086  }
0x1c: {  	p1 =	slt.u32 s9, $0xF7A;
	s5 =	simm.s32 @!p2 $0x0  }
0x1d: {  	s5 =	simm.s32 @p1 $0x1;
	p0 =	seq.s32 s7, s2  }
0x1e: {  	s7 =	smul.u32 @!p0 $0xF7A, s2;
	p2 =	seq.s32 @!p0 s5, $0x0  }
0x1f: {  	s9 =	smul.u32 $0xF7A, s1;
	s8 =	simm.s32 @!p0 $0x1BF5;
	p2 =	por !p2, p0  }
0x20: {  	[sflag:s8] =	ssyncset.s32 @!p0 $0xFFFFF086;
	s6 =	sadd.s32 @!p0 s3, s7;
	s7 =	simm.s32 @!p0 $0x108  }
0x21: {  	s3 =	sadd.s32 s3, s9;
	s6 =	sadd.s32 @!p0 $0x88, s6;
	s7 =	simm.s32 @p2 $0x1082  }
0x22: {  	[simem:s7], [sflag:s8] =	dma.local @!p0 [hbm:s6], $0xF7A  }
0x23: {  	s9 =	sor.u32 $0xD0000000, s2;
	s6 =	simm.s32 $0x108;
	_ =	swait.ge @!p0 [sflag:s8], $0x0  }
0x24: {  	s3 =	sadd.s32 $0x88, s3;
	s6 =	simm.s32 @!p1 $0x1082;
	[sflag:s4] =	ssyncset.s32 $0xFFFFF086  }
0x25: {  	[simem:s6], [sflag:s4] =	dma.local [hbm:s3], $0xF7A  }
0x26: {  	[smem:$0x3F93] =	sst s1;
	(tag) =	ssettag s2;
	_ =	strace s9  }
0x27: {  	s1 =	sld [smem:$0x3FA3]  }
0x28: {  	s2 =	sld [smem:$0x3FA4]  }
0x29: {  	s4 =	sld [smem:$0x3FA6]  }
0x2a: {  	p0 =	seq.s32 s5, $0x0;
	s5 =	sld [smem:$0x3FA7]  }
0x2b: {  	s6 =	sld [smem:$0x3FA8]  }
0x2c: {  	s7 =	sld [smem:$0x3FA9]  }
0x2d: {  	s3 =	simm.s32 $0x108;
	s8 =	sld [smem:$0x3FAA]  }
0x2e: {  	s3 =	simm.s32 @!p0 $0x1082;
	s9 =	sld [smem:$0x3FAB]  }
0x2f: {  	lr =	sadd.s32 s0, s3;
	s0 =	sld [smem:$0x3FA2]  }
0x30: {  	s3 =	sld [smem:$0x3FA5]  }
0x31: {  	[smem:$0x3FAE] =	sst s10  }
0x32: {  	s10 =	sld [smem:$0x3FAC];
	_ =	sdelay $0x3  }
0x33: {  	p0 =	seq.s32 s10, $0x1;
	s10 =	sld [smem:$0x3FAE];
	_ =	sdelay $0x3  }
0x34: {  	[smem:$0x3FAE] =	sst s10  }
0x35: {  	s10 =	sld [smem:$0x3FAD];
	_ =	sdelay $0x3  }
0x36: {  	p1 =	seq.s32 s10, $0x1;
	s10 =	sld [smem:$0x3FAE];
	_ =	sdelay $0x3  }
0x37: {  	[smem:$0x3FAE] =	sst s10  }
0x38: {  	s10 =	sld [smem:$0x3FAF]  }
0x39: {  	_ = 	snop;
	(pc) =	sbr.ind lr, $3  }
0x3a: {  	_ = 	snop  }
0x3b: {  	_ = 	snop  }
0x3c: {  	p2 =	seq.s32 s10, $0x1;
	s10 =	sld [smem:$0x3FAE]  }
0x3d: {  	_ =	shalt  }
0x3e: {  	_ =	shalt  }
0x3f: {  	_ =	shalt  }
0x40: {  	_ =	shalt  }
0x41: {  	_ =	shalt  }
0x42: {  	_ =	shalt  }
0x43: {  	_ =	shalt  }
0x44: {  	_ =	shalt  }
0x45: {  	_ =	shalt  }
0x46: {  	_ =	shalt  }
0x47: {  	_ =	shalt  }
0x48: {  	_ =	shalt  }
0x49: {  	_ =	shalt  }
0x4a: {  	_ =	shalt  }
0x4b: {  	_ =	shalt  }
0x4c: {  	_ =	shalt  }
0x4d: {  	_ =	shalt  }
0x4e: {  	_ =	shalt  }
0x4f: {  	_ =	shalt  }
0x50: {  	_ =	shalt  }
0x51: {  	_ =	shalt  }
0x52: {  	_ =	shalt  }
0x53: {  	_ =	shalt  }
0x54: {  	_ =	shalt  }
0x55: {  	_ =	shalt  }
0x56: {  	_ =	shalt  }
0x57: {  	_ =	shalt  }
0x58: {  	_ =	shalt  }
0x59: {  	_ =	shalt  }
0x5a: {  	_ =	shalt  }
0x5b: {  	_ =	shalt  }
0x5c: {  	_ =	shalt  }
0x5d: {  	_ =	shalt  }
0x5e: {  	_ =	shalt  }
0x5f: {  	_ =	shalt  }
0x60: {  	_ =	shalt  }
0x61: {  	_ =	shalt  }
0x62: {  	_ =	shalt  }
0x63: {  	_ =	shalt  }
0x64: {  	_ =	shalt  }
0x65: {  	_ =	shalt  }
0x66: {  	_ =	shalt  }
0x67: {  	_ =	shalt  }
0x68: {  	_ =	shalt  }
0x69: {  	_ =	shalt  }
0x6a: {  	_ =	shalt  }
0x6b: {  	_ =	shalt  }
0x6c: {  	_ =	shalt  }
0x6d: {  	_ =	shalt  }
0x6e: {  	_ =	shalt  }
0x6f: {  	_ =	shalt  }
0x70: {  	_ =	shalt  }
0x71: {  	_ =	shalt  }
0x72: {  	_ =	shalt  }
0x73: {  	_ =	shalt  }
0x74: {  	_ =	shalt  }
0x75: {  	_ =	shalt  }
0x76: {  	_ =	shalt  }
0x77: {  	_ =	shalt  }
0x78: {  	_ =	shalt  }
0x79: {  	_ =	shalt  }
0x7a: {  	_ =	shalt  }
0x7b: {  	_ =	shalt  }
0x7c: {  	_ =	shalt  }
0x7d: {  	_ =	shalt  }
0x7e: {  	_ =	shalt  }
0x7f: {  	_ =	shalt  }
0x80: {  	_ =	shalt  }
0x81: {  	_ =	shalt  }
0x82: {  	_ =	shalt  }
0x83: {  	_ =	shalt  }
0x84: {  	_ =	shalt  }
0x85: {  	_ =	shalt  }
0x86: {  	_ =	shalt  }
0x87: {  	_ =	shalt  }
.Lfunc_end0:
.L_simem_size_0:
called_computation_lowered:
.L_overlay_start_0:
0x88: {  	s2 =	sld [smem:$0x3FD9]  }
0x89: {  	s3 =	sld [smem:$0x3FFE];
	_ =	sdelay $0x1  }
0x8a: {  	s1 =	srdreg.scid  }
0x8b: {  	s0 =	sand.u32 $0x1, s1  }
0x8c: {  	s17 =	sshll.u32 s0, $0xA;
	s2 =	sadd.s32 s3, s2  }
0x8d: {  	s2 =	sadd.s32 s2, s17  }
0x8e: {  	[smem:$0x3FBA] =	sst s2  }
0x8f: {  	_ = 	snop  }
0x90: {  	s2 =	sld [smem:$0x3FD0];
	(tm) =	ssettm $0x1  }
0x91: {  	s18 =	sld [smem:$0x3FFB];
	_ =	sdelay $0x3  }
0x92: {  	_ =	strace s18  }
0x93: {  	s3 =	sld [smem:$0x3FFC];
	_ =	sdelay $0x3  }
0x94: {  	_ =	strace s3  }
0x95: {  	s3 =	sld [smem:$0x3FFD];
	_ =	sdelay $0x3  }
0x96: {  	_ =	strace s3  }
0x97: {  	_ =	strace $0x8FFFFFFF  }
0x98: {  	s19 =	sld [smem:$0x3FDB];
	_ =	sdelay $0x1  }
0x99: {  	s4 =	simm.s32 $_scs_section_size  }
0x9a: {  	s5 =	simm.s32 $_size__tile_overlayer_lowered;
	s6 =	simm.s32 $_tile_overlayer_lowered  }
0x9b: {  	s22 =	simm.s32 $0x1BFF;
	s21 =	sshll.u32 s6, $0x1;
	s3 =	sadd.s32 s4, s19  }
0x9c: {  	s7 =	simm.s32 $0x0;
	s20 =	sshll.u32 s5, $0x1;
	s5 =	sadd.s32 s21, s3  }
0x9d: {  	[timem:s7], [sflag:s22] =	dma.local [hbm:s5], s20  }
0x9e: {  	_ =	swait.ge [sflag:s22], s20  }
0x9f: {  	s4 =	ssub.s32 $0x0, s20;
	[sflag:s22] =	ssyncset.done $0x0  }
0xa0: {  	[sflag:s22] =	ssyncadd.s32 s4;
	_ =	sdelay $0x1  }
0xa1: {  	s23 =	simm.s32 $0x1B8B  }
0xa2: {  	_ =	swait.ge [sflag:s23], $0x1  }
0xa3: {  	[sflag:s23] =	ssyncset.done $0x0  }
0xa4: {  	s25 =	simm.s32 $0x1B8E;
	s24 =	sld [smem:$0x3FFE];
	[sflag:s23] =	ssyncadd.s32 $0xFFFFFFFF  }
0xa5: {  	s26 =	simm.s32 $execute0_lowered;
	[smem:$0x3FD2] =	sst s25  }
0xa6: {  	s5 =	sshll.u32 s26, $0x1;
	_ =	strace $0x80000046;
	[dreg:$0x1] =	wrdreg $0xFFFFFFFF  }
0xa7: {  	s28 =	simm.s32 $_size_execute0_lowered;
	s3 =	sadd.s32 s3, s5;
	[dreg:$0x0] =	wrdreg $0x0  }
0xa8: {  	s5 =	sshll.u32 s28, $0x1;
	[dreg:$0x2] =	wrdreg s3  }
0xa9: {  	[dreg:$0x3] =	wrdreg s5  }
0xaa: {  	[dreg:$0x4] =	wrdreg $0xC0  }
0xab: {  	_ =	task [dreg:s7], $0x5FFFF  }
0xac: {  	[dreg:$0x1] =	wrdreg $0xFFFFFFFF  }
0xad: {  	[dreg:$0x0] =	wrdreg $0x60  }
0xae: {  	[dreg:$0x2] =	wrdreg s24  }
0xaf: {  	[dreg:$0x3] =	wrdreg s2  }
0xb0: {  	[dreg:$0x4] =	wrdreg $0x68000  }
0xb1: {  	[dreg:$0x5] =	wrdreg $0x9  }
0xb2: {  	_ =	task.clear_ibuf [dreg:s7], $0x6FFFF;
	_ =	strace $0x90000046  }
0xb3: {  	s29 =	simm.s32 $0x9;
	_ =	strace $0x80000048  }
0xb4: {  	_ =	swait.ge [sflag:s29], $0x1  }
0xb5: {  	[sflag:s29] =	ssyncadd.s32 $0xFFFFFFFF  }
0xb6: {  	_ =	strace $0x90000048  }
0xb7: {  	_ =	sfence  }
0xb8: {  	s30 =	sld [smem:$0x0];
	_ =	sdelay $0x2  }
0xb9: {  	s31 =	sshll.u32 s1, $0xD;
	s1 =	sshrl.u32 s1, $0x2  }
0xba: {  	s3 =	sand.u32 $0x4000, s31;
	s1 =	sadd.s32 s1, s30  }
0xbb: {  	s0 =	sor.u32 s3, s0;
	s1 =	sshll.u32 s1, $0x11  }
0xbc: {  	s0 =	sor.u32 s1, s0  }
0xbd: {  	s0 =	sadd.s32 $0x8F2B, s0  }
0xbe: {  	[sflag:s0] =	ssyncadd.remote.s32 $0x1  }
0xbf: {  	_ =	sfence.sel $0xFFFF  }
0xc0: {  	[dreg:$0x0] =	wrdreg $0xFFFFFFFF;
	(pc) =	sbr.abs _section_cstart, $3  }
0xc1: {  	[dreg:$0x1] =	wrdreg $0xFFFFFFFF  }
0xc2: {  	_ =	task.clear_ibuf [dreg:s7], $0x2FFFF;
	_ =	strace $0x9FFFFFFF  }
0xc3: {  	(tm) =	ssettm $0x7FFFFFFF  }
tec
execute0_lowered:
.L_overlay_start_1:
0x0: {  	(tag) =	ssettag $0x1  }
0x1: {  	s6 =	rddreg [dreg:$0x0]  }
0x2: {  	s2 =	rddreg [dreg:$0x1]  }
0x3: {  	s0 =	srdreg.scid;
	s3 =	rddreg [dreg:$0x2];
	s4 =	simm.s32 $0x0  }
0x4: {  	s13 =	simm.s32 $0x60;
	s5 =	sand.u32 $0x1, s0;
	s0 =	stileid.u32  }
0x5: {  	s14 =	simm.s32 $0x0;
	[smem:$0x7FF] =	sst s4;
	s8 =	smul.u32 $0x14000, s0  }
0x6: {  	s1 =	sshll.u32 s5, $0x4;
	s9 =	smul.u32 $0x140000, s5;
	s5 =	ssub.s32 $0x2, s5  }
0x7: {  	s29 =	smul.u32 $0x50000, s0;
	s31 =	sshll.u32 s0, $0x6;
	s1 =	sor.u32 s0, s1  }
0x8: {  	s11 =	sshrl.u32 s5, $0x1;
	s7 =	smul.u32 $0x700, s1;
	s1 =	rddreg [dreg:$0x3]  }
0x9: {  	_ =	strace $0x80000047;
	s10 =	sshrl.u32 s8, $0x3;
	s8 =	sadd.s32 s8, s9  }
0xa: {  	s11 =	ssub.s32 s5, s11;
	s30 =	sshrl.u32 s29, $0x2;
	s10 =	sadd.s32 s10, s6  }
0xb: {  	s8 =	sshrl.u32 s8, $0x3;
	s12 =	sadd.s32 s30, s3;
	s9 =	smax.u32 s11, $0x1  }
0xc: {  	s11 =	simm.s32 $0x1;
	s7 =	sadd.s32 s7, s6;
	s8 =	sadd.s32 s8, s6  }
0xd: {  	s5 =	sadd.s32 $0x13000, s10;
	s6 =	sor.u32 $0x1C01, s31;
	s10 =	sshrl.u32 s12, $0x3  }
0xe: {  	s12 =	simm.s32 $0x3800;
	s7 =	sadd.s32 $0x5000, s7;
	s8 =	sadd.s32 $0x3B000, s8  }
.LBB2_1:
0xf: {  	[spmem:s10], [sflag:s6] =	dma.local [hbm:s5], $0x2800  }
0x10: {  	_ =	swait.ge [sflag:s11], $0x2800  }
0x11: {  	[sflag:s11] =	ssyncset.done $0x0  }
0x12: {  	[sflag:s11] =	ssyncadd.s32 $0xFFFFD800  }
0x13: {  	[tilespmem:s12], [sflag:$0x1] =	stream.linear.gather [hbm4b:s2+s4], $0x3000, $0x38;
	[tilespmem:$0x1A800] =	vst v63  }
0x14: {  	_ =	swait.ge [sflag:s11], $0x3000  }
0x15: {  	[sflag:s11] =	ssyncset.done $0x0  }
0x16: {  	[sflag:s11] =	ssyncadd.s32 $0xFFFFD000  }
0x17: {  	[tilespmem:s4], [sflag:$0x1] =	stream.linear.gather [hbm4b:s7+s4], $0x3500, $0x38;
	[tilespmem:$0x1A800] =	vst v63  }
0x18: {  	_ =	swait.ge [sflag:s11], $0x3500  }
0x19: {  	[sflag:s11] =	ssyncset.done $0x0  }
0x1a: {  	[sflag:s11] =	ssyncadd.s32 $0xFFFFCB00  }
0x1b: {  	s15 =	simm.s32 $0x0;
	[bflag:$0x0] =	sbarrier.arrive $0xFFFF  }
0x1c: {  	[spmem:s3] =	stream.indirect.scatter.add.f32 [tilespmem:s12], [sflag:$0x1], $0x80, s15, s13, $0xb8;
	[tilespmem:$0x1A800] =	vst v63  }
0x1d: {  	_ =	swait.ge [sflag:s11], $0x3000  }
0x1e: {  	s15 =	simm.s32 $0x200;
	[sflag:s11] =	ssyncset.done $0x0  }
.LBB2_2:
0x1f: {  	s16 =	sshra.s32 s15, $0x2;
	[sflag:s11] =	ssyncadd.s32 $0xFFFFD000;
	p0 =	sne.s32 s15, $0xD200  }
0x20: {  	[spmem:s3] =	stream.indirect.scatter.add.f32 [tilespmem:s12], [sflag:$0x1], $0x80, s16, s13, $0xb8;
	[tilespmem:$0x1A800] =	vst v63  }
.Ltmp0:
0x21: {  	_ = 	snop;
	(pc) =	sbr.rel @p0 .LBB2_2-.Ltmp0, $4  }
0x22: {  	_ = 	snop  }
0x23: {  	s15 =	sadd.s32 $0x200, s15  }
0x24: {  	_ =	swait.ge [sflag:s11], $0x3000  }
0x25: {  	[sflag:s11] =	ssyncset.done $0x0  }
0x26: {  	s14 =	sadd.s32 $0x1, s14  }
0x27: {  	[sflag:s11] =	ssyncadd.s32 $0xFFFFD000;
	p0 =	sne.s32 s14, s9  }
.Ltmp1:
0x28: {  	[bflag:$0x0] =	sbarrier.arrive $0xFFFF;
	(pc) =	sbr.rel @p0 .LBB2_1-.Ltmp1, $4  }
0x29: {  	[hbm:s8], [sflag:s6] =	dma.local [spmem:s10], $0x2800  }
0x2a: {  	_ =	swait.ge [sflag:s11], $0x2800  }
0x2b: {  	[sflag:s11] =	ssyncset.done $0x0  }
0x2c: {  	[sflag:s11] =	ssyncadd.s32 $0xFFFFD800  }
0x2d: {  	_ =	sfence.sel $0x180000  }
0x2e: {  	[bflag:$0x0] =	sbarrier.arrive $0xFFFF  }
0x2f: {  	p0 =	sne.s32 s0, $0x0;
	_ =	strace $0x90000047  }
0x30: {  	s0 =	sadd.s32 @!p0 $0x100000, s1;
	[bflag:$0x2] =	sbarrier.arrive $0xFFFF  }
0x31: {  	[sflag:s0] =	ssyncadd.tile.s32 @!p0 $0x1;
	_ =	shalt  }
.Lfunc_end2:
_tile_overlayer_lowered:
.L_overlay_start_2:
0x32: {  	(tag) =	ssettag $0x2  }
0x33: {  	s0 =	rddreg [dreg:$0x0];
	s2 =	stileid.u32  }
0x34: {  	s1 =	rddreg [dreg:$0x1];
	p0 =	sne.s32 s2, $0x0  }
0x35: {  	s3 =	rddreg [dreg:$0x2];
	[bflag:$0x3] =	sbarrier.arrive $0xFFFF;
	s2 =	simm.s32 @!p0 $0x1C01  }
0x36: {  	[timem:s3], [sflag:s2] =	dma.local @!p0 [hbm:s0], s1  }
0x37: {  	s0 =	simm.s32 @!p0 $0x1  }
0x38: {  	_ =	swait.ge @!p0 [sflag:s0], s1  }
0x39: {  	s1 =	ssub.s32 @!p0 $0x0, s1;
	[sflag:s0] =	ssyncset.done @!p0 $0x0  }
0x3a: {  	[sflag:s0] =	ssyncadd.s32 @!p0 s1  }
0x3b: {  	[bflag:$0x3] =	sbarrier.arrive $0xFFFF  }
0x3c: {  	_ =	shalt  }

// kernel: kernel.16.cloned.1.call-start
scs
__scs_entry_jumppad:
0x0: {  	(pc) =	sbr.rel $0x88, $3  }
0x1: {  	(tag) =	ssettag $0x0;
	lr =	simm.s32 $0x1  }
0x2: {  	[smem:$0x3F93] =	sst lr;
	_ =	strace $0xD0000000  }
0x3: {  	_ = 	snop  }
0x4: {  	_ = 	snop  }
0x5: {  	_ = 	snop  }
0x6: {  	_ = 	snop  }
0x7: {  	_ = 	snop  }
__scs_overlays_trampoline_lowered:
0x8: {  	[smem:$0x3FA2] =	sst s0  }
0x9: {  	[smem:$0x3FA3] =	sst s1  }
0xa: {  	[smem:$0x3FA4] =	sst s2  }
0xb: {  	[smem:$0x3FA5] =	sst s3  }
0xc: {  	[smem:$0x3FA6] =	sst s4  }
0xd: {  	[smem:$0x3FA7] =	sst s5  }
0xe: {  	[smem:$0x3FA8] =	sst s6  }
0xf: {  	[smem:$0x3FA9] =	sst s7  }
0x10: {  	[smem:$0x3FAA] =	sst s8  }
0x11: {  	[smem:$0x3FAB] =	sst s9;
	s0 =	simm.s32 @!p0 $0x0  }
0x12: {  	s1 =	sld [smem:$0x3F91];
	s0 =	simm.s32 @p0 $0x1  }
0x13: {  	[smem:$0x3FAC] =	sst s0;
	s0 =	simm.s32 @!p1 $0x0  }
0x14: {  	s2 =	sld [smem:$0x3F90];
	s0 =	simm.s32 @p1 $0x1  }
0x15: {  	[smem:$0x3FAD] =	sst s0;
	s0 =	simm.s32 @!p2 $0x0  }
0x16: {  	s3 =	sld [smem:$0x3FDB];
	s0 =	simm.s32 @p2 $0x1  }
0x17: {  	s4 =	simm.s32 $0x1BF5;
	[smem:$0x3FAF] =	sst s0  }
0x18: {  	s0 =	sld [smem:$0x3F92];
	_ =	swait.ge [sflag:s4], $0x0  }
0x19: {  	s7 =	sld [smem:$0x3F93]  }
0x1a: {  	s8 =	sadd.s32 $0xFFFFE003, lr  }
0x1b: {  	s9 =	sadd.s32 $0xFFFFFEF7, lr;
	s5 =	simm.s32 $0xFFFFFFFF;
	p2 =	slt.u32 s8, $0xFFFFF086  }
0x1c: {  	p1 =	slt.u32 s9, $0xF7A;
	s5 =	simm.s32 @!p2 $0x0  }
0x1d: {  	s5 =	simm.s32 @p1 $0x1;
	p0 =	seq.s32 s7, s2  }
0x1e: {  	s7 =	smul.u32 @!p0 $0xF7A, s2;
	p2 =	seq.s32 @!p0 s5, $0x0  }
0x1f: {  	s9 =	smul.u32 $0xF7A, s1;
	s8 =	simm.s32 @!p0 $0x1BF5;
	p2 =	por !p2, p0  }
0x20: {  	[sflag:s8] =	ssyncset.s32 @!p0 $0xFFFFF086;
	s6 =	sadd.s32 @!p0 s3, s7;
	s7 =	simm.s32 @!p0 $0x108  }
0x21: {  	s3 =	sadd.s32 s3, s9;
	s6 =	sadd.s32 @!p0 $0x88, s6;
	s7 =	simm.s32 @p2 $0x1082  }
0x22: {  	[simem:s7], [sflag:s8] =	dma.local @!p0 [hbm:s6], $0xF7A  }
0x23: {  	s9 =	sor.u32 $0xD0000000, s2;
	s6 =	simm.s32 $0x108;
	_ =	swait.ge @!p0 [sflag:s8], $0x0  }
0x24: {  	s3 =	sadd.s32 $0x88, s3;
	s6 =	simm.s32 @!p1 $0x1082;
	[sflag:s4] =	ssyncset.s32 $0xFFFFF086  }
0x25: {  	[simem:s6], [sflag:s4] =	dma.local [hbm:s3], $0xF7A  }
0x26: {  	[smem:$0x3F93] =	sst s1;
	(tag) =	ssettag s2;
	_ =	strace s9  }
0x27: {  	s1 =	sld [smem:$0x3FA3]  }
0x28: {  	s2 =	sld [smem:$0x3FA4]  }
0x29: {  	s4 =	sld [smem:$0x3FA6]  }
0x2a: {  	p0 =	seq.s32 s5, $0x0;
	s5 =	sld [smem:$0x3FA7]  }
0x2b: {  	s6 =	sld [smem:$0x3FA8]  }
0x2c: {  	s7 =	sld [smem:$0x3FA9]  }
0x2d: {  	s3 =	simm.s32 $0x108;
	s8 =	sld [smem:$0x3FAA]  }
0x2e: {  	s3 =	simm.s32 @!p0 $0x1082;
	s9 =	sld [smem:$0x3FAB]  }
0x2f: {  	lr =	sadd.s32 s0, s3;
	s0 =	sld [smem:$0x3FA2]  }
0x30: {  	s3 =	sld [smem:$0x3FA5]  }
0x31: {  	[smem:$0x3FAE] =	sst s10  }
0x32: {  	s10 =	sld [smem:$0x3FAC];
	_ =	sdelay $0x3  }
0x33: {  	p0 =	seq.s32 s10, $0x1;
	s10 =	sld [smem:$0x3FAE];
	_ =	sdelay $0x3  }
0x34: {  	[smem:$0x3FAE] =	sst s10  }
0x35: {  	s10 =	sld [smem:$0x3FAD];
	_ =	sdelay $0x3  }
0x36: {  	p1 =	seq.s32 s10, $0x1;
	s10 =	sld [smem:$0x3FAE];
	_ =	sdelay $0x3  }
0x37: {  	[smem:$0x3FAE] =	sst s10  }
0x38: {  	s10 =	sld [smem:$0x3FAF]  }
0x39: {  	_ = 	snop;
	(pc) =	sbr.ind lr, $3  }
0x3a: {  	_ = 	snop  }
0x3b: {  	_ = 	snop  }
0x3c: {  	p2 =	seq.s32 s10, $0x1;
	s10 =	sld [smem:$0x3FAE]  }
0x3d: {  	_ =	shalt  }
0x3e: {  	_ =	shalt  }
0x3f: {  	_ =	shalt  }
0x40: {  	_ =	shalt  }
0x41: {  	_ =	shalt  }
0x42: {  	_ =	shalt  }
0x43: {  	_ =	shalt  }
0x44: {  	_ =	shalt  }
0x45: {  	_ =	shalt  }
0x46: {  	_ =	shalt  }
0x47: {  	_ =	shalt  }
0x48: {  	_ =	shalt  }
0x49: {  	_ =	shalt  }
0x4a: {  	_ =	shalt  }
0x4b: {  	_ =	shalt  }
0x4c: {  	_ =	shalt  }
0x4d: {  	_ =	shalt  }
0x4e: {  	_ =	shalt  }
0x4f: {  	_ =	shalt  }
0x50: {  	_ =	shalt  }
0x51: {  	_ =	shalt  }
0x52: {  	_ =	shalt  }
0x53: {  	_ =	shalt  }
0x54: {  	_ =	shalt  }
0x55: {  	_ =	shalt  }
0x56: {  	_ =	shalt  }
0x57: {  	_ =	shalt  }
0x58: {  	_ =	shalt  }
0x59: {  	_ =	shalt  }
0x5a: {  	_ =	shalt  }
0x5b: {  	_ =	shalt  }
0x5c: {  	_ =	shalt  }
0x5d: {  	_ =	shalt  }
0x5e: {  	_ =	shalt  }
0x5f: {  	_ =	shalt  }
0x60: {  	_ =	shalt  }
0x61: {  	_ =	shalt  }
0x62: {  	_ =	shalt  }
0x63: {  	_ =	shalt  }
0x64: {  	_ =	shalt  }
0x65: {  	_ =	shalt  }
0x66: {  	_ =	shalt  }
0x67: {  	_ =	shalt  }
0x68: {  	_ =	shalt  }
0x69: {  	_ =	shalt  }
0x6a: {  	_ =	shalt  }
0x6b: {  	_ =	shalt  }
0x6c: {  	_ =	shalt  }
0x6d: {  	_ =	shalt  }
0x6e: {  	_ =	shalt  }
0x6f: {  	_ =	shalt  }
0x70: {  	_ =	shalt  }
0x71: {  	_ =	shalt  }
0x72: {  	_ =	shalt  }
0x73: {  	_ =	shalt  }
0x74: {  	_ =	shalt  }
0x75: {  	_ =	shalt  }
0x76: {  	_ =	shalt  }
0x77: {  	_ =	shalt  }
0x78: {  	_ =	shalt  }
0x79: {  	_ =	shalt  }
0x7a: {  	_ =	shalt  }
0x7b: {  	_ =	shalt  }
0x7c: {  	_ =	shalt  }
0x7d: {  	_ =	shalt  }
0x7e: {  	_ =	shalt  }
0x7f: {  	_ =	shalt  }
0x80: {  	_ =	shalt  }
0x81: {  	_ =	shalt  }
0x82: {  	_ =	shalt  }
0x83: {  	_ =	shalt  }
0x84: {  	_ =	shalt  }
0x85: {  	_ =	shalt  }
0x86: {  	_ =	shalt  }
0x87: {  	_ =	shalt  }
.Lfunc_end0:
.L_simem_size_0:
called_computation.1_lowered:
.L_overlay_start_0:
0x88: {  	s2 =	sld [smem:$0x3FD9]  }
0x89: {  	s3 =	sld [smem:$0x3FFE];
	_ =	sdelay $0x1  }
0x8a: {  	s1 =	srdreg.scid  }
0x8b: {  	s0 =	sand.u32 $0x1, s1  }
0x8c: {  	s16 =	sshll.u32 s0, $0xA;
	s2 =	sadd.s32 s3, s2  }
0x8d: {  	s2 =	sadd.s32 s2, s16  }
0x8e: {  	[smem:$0x3FBA] =	sst s2  }
0x8f: {  	_ = 	snop  }
0x90: {  	(tm) =	ssettm $0x1  }
0x91: {  	s17 =	sld [smem:$0x3FFB];
	_ =	sdelay $0x3  }
0x92: {  	_ =	strace s17  }
0x93: {  	s2 =	sld [smem:$0x3FFC];
	_ =	sdelay $0x3  }
0x94: {  	_ =	strace s2  }
0x95: {  	s2 =	sld [smem:$0x3FFD];
	_ =	sdelay $0x3  }
0x96: {  	_ =	strace s2  }
0x97: {  	_ =	strace $0x8FFFFFFF  }
0x98: {  	s18 =	sld [smem:$0x3FDB];
	_ =	sdelay $0x1  }
0x99: {  	s19 =	simm.s32 $_scs_section_size  }
0x9a: {  	s4 =	simm.s32 $_size__tile_overlayer_lowered;
	s5 =	simm.s32 $_tile_overlayer_lowered  }
0x9b: {  	s22 =	simm.s32 $0x1BFF;
	s21 =	sshll.u32 s5, $0x1;
	s2 =	sadd.s32 s19, s18  }
0x9c: {  	s6 =	simm.s32 $0x0;
	s20 =	sshll.u32 s4, $0x1;
	s4 =	sadd.s32 s21, s2  }
0x9d: {  	[timem:s6], [sflag:s22] =	dma.local [hbm:s4], s20  }
0x9e: {  	_ =	swait.ge [sflag:s22], s20  }
0x9f: {  	s3 =	ssub.s32 $0x0, s20;
	[sflag:s22] =	ssyncset.done $0x0  }
0xa0: {  	[sflag:s22] =	ssyncadd.s32 s3;
	_ =	sdelay $0x1  }
0xa1: {  	s23 =	simm.s32 $0x1B8B  }
0xa2: {  	_ =	swait.ge [sflag:s23], $0x1  }
0xa3: {  	[sflag:s23] =	ssyncset.done $0x0  }
0xa4: {  	s25 =	simm.s32 $0x1B8E;
	s24 =	sld [smem:$0x3FFE];
	[sflag:s23] =	ssyncadd.s32 $0xFFFFFFFF  }
0xa5: {  	s26 =	simm.s32 $execute0_lowered;
	[smem:$0x3FD2] =	sst s25  }
0xa6: {  	s4 =	sshll.u32 s26, $0x1;
	_ =	strace $0x80000049;
	[dreg:$0x1] =	wrdreg $0xFFFFFFFF  }
0xa7: {  	s28 =	simm.s32 $_size_execute0_lowered;
	s2 =	sadd.s32 s2, s4;
	[dreg:$0x0] =	wrdreg $0x0  }
0xa8: {  	s4 =	sshll.u32 s28, $0x1;
	[dreg:$0x2] =	wrdreg s2  }
0xa9: {  	[dreg:$0x3] =	wrdreg s4  }
0xaa: {  	[dreg:$0x4] =	wrdreg $0xC0  }
0xab: {  	_ =	task [dreg:s6], $0x5FFFF  }
0xac: {  	[dreg:$0x1] =	wrdreg $0xFFFFFFFF  }
0xad: {  	[dreg:$0x0] =	wrdreg $0x60  }
0xae: {  	[dreg:$0x2] =	wrdreg s24  }
0xaf: {  	[dreg:$0x3] =	wrdreg $0xC0000  }
0xb0: {  	[dreg:$0x4] =	wrdreg $0x9  }
0xb1: {  	_ =	task.clear_ibuf [dreg:s6], $0x5FFFF;
	_ =	strace $0x90000049  }
0xb2: {  	s29 =	simm.s32 $0x9;
	_ =	strace $0x8000004B  }
0xb3: {  	_ =	swait.ge [sflag:s29], $0x1  }
0xb4: {  	[sflag:s29] =	ssyncadd.s32 $0xFFFFFFFF  }
0xb5: {  	_ =	strace $0x9000004B  }
0xb6: {  	_ =	sfence  }
0xb7: {  	s30 =	sld [smem:$0x0];
	_ =	sdelay $0x2  }
0xb8: {  	s31 =	sshll.u32 s1, $0xD;
	s1 =	sshrl.u32 s1, $0x2  }
0xb9: {  	s3 =	sand.u32 $0x4000, s31;
	s1 =	sadd.s32 s1, s30  }
0xba: {  	s0 =	sor.u32 s3, s0;
	s1 =	sshll.u32 s1, $0x11  }
0xbb: {  	s0 =	sor.u32 s1, s0  }
0xbc: {  	s0 =	sadd.s32 $0x8F2B, s0  }
0xbd: {  	[sflag:s0] =	ssyncadd.remote.s32 $0x1  }
0xbe: {  	_ =	sfence.sel $0xFFFF  }
0xbf: {  	[dreg:$0x0] =	wrdreg $0xFFFFFFFF;
	(pc) =	sbr.abs _section_cstart, $3  }
0xc0: {  	[dreg:$0x1] =	wrdreg $0xFFFFFFFF  }
0xc1: {  	_ =	task.clear_ibuf [dreg:s6], $0x2FFFF;
	_ =	strace $0x9FFFFFFF  }
0xc2: {  	(tm) =	ssettm $0x7FFFFFFF  }
0xc3: {  	_ =	shalt  }
tec
execute0_lowered:
.L_overlay_start_1:
0x0: {  	(tag) =	ssettag $0x1  }
0x1: {  	s6 =	rddreg [dreg:$0x0]  }
0x2: {  	s0 =	srdreg.scid;
	s2 =	rddreg [dreg:$0x1]  }
0x3: {  	s3 =	simm.s32 $0x0;
	s15 =	simm.s32 $0x2800;
	s16 =	simm.s32 $0x60  }
0x4: {  	s17 =	simm.s32 $0x6000;
	s18 =	simm.s32 $0x9000;
	s19 =	simm.s32 $0x1  }
0x5: {  	s20 =	simm.s32 $0x2;
	s21 =	simm.s32 $0x5C00;
	s22 =	simm.s32 $0x5C80  }
0x6: {  	s23 =	simm.s32 $0x0;
	s5 =	sand.u32 $0x1, s0;
	s0 =	stileid.u32  }
0x7: {  	[smem:$0x7FF] =	sst s3;
	s1 =	sshll.u32 s5, $0x4;
	s28 =	smul.u32 $0x14000, s0  }
0x8: {  	s8 =	sshll.u32 s0, $0x7;
	s10 =	smul.u32 $0x140000, s5;
	s5 =	ssub.s32 $0x2, s5  }
0x9: {  	s29 =	smul.u32 $0x50000, s0;
	s31 =	sshll.u32 s0, $0x6;
	s4 =	sor.u32 s0, s1  }
0xa: {  	s1 =	rddreg [dreg:$0x2];
	s8 =	sand.u32 $0x380, s8;
	_ =	strace $0x8000004A  }
0xb: {  	s12 =	sshrl.u32 s5, $0x1;
	s7 =	sshrl.u32 s4, $0x3;
	s9 =	smul.u32 $0x700, s4  }
0xc: {  	s4 =	sadd.s32 $0x3B000, s6;
	s11 =	sshrl.u32 s28, $0x3;
	s12 =	ssub.s32 s5, s12  }
0xd: {  	s30 =	sshrl.u32 s29, $0x2;
	s7 =	smul.u32 $0x14000, s7;
	s11 =	sadd.s32 s11, s6  }
0xe: {  	s14 =	sadd.s32 s30, s2;
	s9 =	sadd.s32 s9, s6;
	s5 =	sadd.s32 $0x13000, s11  }
0xf: {  	s11 =	sshrl.u32 s14, $0x3;
	s14 =	simm.s32 $0x400;
	s7 =	sor.u32 s8, s7  }
0x10: {  	s8 =	sadd.s32 s28, s10;
	s10 =	smax.u32 s12, $0x1;
	s7 =	sshrl.u32 s7, $0x3  }
0x11: {  	s12 =	simm.s32 $0x3;
	s8 =	sshrl.u32 s8, $0x3;
	s7 =	sadd.s32 s7, s6  }
0x12: {  	s13 =	sadd.s32 s8, s6;
	s6 =	sor.u32 $0x1C03, s31;
	s8 =	sadd.s32 $0x5000, s9  }
0x13: {  	s7 =	sadd.s32 $0x8B000, s7;
	s9 =	sadd.s32 $0x95000, s13;
	s13 =	simm.s32 $0x80  }
.LBB2_1:
0x14: {  	[spmem:s11], [sflag:s6] =	dma.local [hbm:s5], $0x2800  }
0x15: {  	_ =	swait.ge [sflag:s12], $0x2800  }
0x16: {  	[sflag:s12] =	ssyncset.done $0x0  }
0x17: {  	[sflag:s12] =	ssyncadd.s32 $0xFFFFD800  }
0x18: {  	[tilespmem:s3], [sflag:$0x3] =	stream.strided.gather [hbm4b:s7+s13], $0x2800, s14, s13, $0x38;
	v63 =	vld [tilespmem:$0x0]  }
0x19: {  	_ =	swait.ge [sflag:s12], $0x2800  }
0x1a: {  	[sflag:s12] =	ssyncset.done $0x0  }
0x1b: {  	[sflag:s12] =	ssyncadd.s32 $0xFFFFD800  }
0x1c: {  	[tilespmem:s15], [sflag:$0x3] =	stream.linear.gather [hbm4b:s8+s3], $0x3500, $0x38;
	v63 =	vld [tilespmem:$0x0]  }
0x1d: {  	_ =	swait.ge [sflag:s12], $0x3500  }
0x1e: {  	[sflag:s12] =	ssyncset.done $0x0  }
0x1f: {  	[sflag:s12] =	ssyncadd.s32 $0xFFFFCB00  }
0x20: {  	[bflag:$0x0] =	sbarrier.arrive $0xFFFF  }
0x21: {  	[tilespmem:s17], [sflag:$0x1] =	stream.indirect.gather [hbm4b:s4+s16], $0x80, s3, s16, $0xb8;
	v63 =	vld [tilespmem:$0x0]  }
0x22: {  	_ = 	snop  }
0x23: {  	[tilespmem:s18], [sflag:$0x2] =	stream.indirect.gather [hbm4b:s4+s16], $0x80, s16, s16, $0xb8;
	v63 =	vld [tilespmem:$0x0]  }
0x24: {  	_ =	swait.ge [sflag:s19], $0x3000  }
0x25: {  	[sflag:s19] =	ssyncset.done $0x0  }
0x26: {  	s24 =	simm.s32 $0x2800;
	[sflag:s19] =	ssyncadd.s32 $0xFFFFD000  }
0x27: {  	[spmem:s2] =	stream.indirect.scatter.add.f32 [tilespmem:s17], [sflag:$0x3], $0x80, s24, s16, $0xb8;
	v63 =	vld [tilespmem:$0x0]  }
0x28: {  	_ =	swait.ge [sflag:s12], $0x3000  }
0x29: {  	[sflag:s12] =	ssyncset.done $0x0  }
0x2a: {  	s30 =	simm.s32 $0xC0;
	[sflag:s12] =	ssyncadd.s32 $0xFFFFD000  }
0x2b: {  	[tilespmem:s17], [sflag:$0x1] =	stream.indirect.gather [hbm4b:s4+s16], $0x80, s30, s16, $0xb8;
	v63 =	vld [tilespmem:$0x0]  }
0x2c: {  	_ =	swait.ge [sflag:s20], $0x3000  }
0x2d: {  	[sflag:s20] =	ssyncset.done $0x0  }
0x2e: {  	s31 =	simm.s32 $0x2880;
	[sflag:s20] =	ssyncadd.s32 $0xFFFFD000  }
0x2f: {  	[spmem:s2] =	stream.indirect.scatter.add.f32 [tilespmem:s18], [sflag:$0x3], $0x80, s31, s16, $0xb8;
	v63 =	vld [tilespmem:$0x0]  }
0x30: {  	_ =	swait.ge [sflag:s12], $0x3000  }
0x31: {  	s25 =	simm.s32 $0x400;
	[sflag:s12] =	ssyncset.done $0x0  }
0x32: {  	s26 =	simm.s32 $0x1E0;
	s24 =	simm.s32 $0x120;
	[sflag:s12] =	ssyncadd.s32 $0xFFFFD000  }
.LBB2_2:
0x33: {  	[tilespmem:s18], [sflag:$0x2] =	stream.indirect.gather [hbm4b:s4+s16], $0x80, s24, s16, $0xb8;
	v63 =	vld [tilespmem:$0x0]  }
0x34: {  	s28 =	smov.u32 s25;
	s24 =	smov.u32 s26  }
0x35: {  	p0 =	sne.s32 s25, $0xCC00;
	s25 =	sadd.s32 $0x400, s25;
	_ =	swait.ge [sflag:s19], $0x3000  }
0x36: {  	s28 =	sshra.s32 s28, $0x2;
	[sflag:s19] =	ssyncset.done $0x0  }
0x37: {  	s29 =	sadd.s32 $0x2800, s28;
	[sflag:s19] =	ssyncadd.s32 $0xFFFFD000  }
0x38: {  	[spmem:s2] =	stream.indirect.scatter.add.f32 [tilespmem:s17], [sflag:$0x3], $0x80, s29, s16, $0xb8;
	v63 =	vld [tilespmem:$0x0]  }
0x39: {  	_ =	swait.ge [sflag:s12], $0x3000  }
0x3a: {  	[sflag:s12] =	ssyncset.done $0x0  }
0x3b: {  	s29 =	sadd.s32 $0xFFFFFFA0, s26;
	[sflag:s12] =	ssyncadd.s32 $0xFFFFD000  }
0x3c: {  	[tilespmem:s17], [sflag:$0x1] =	stream.indirect.gather [hbm4b:s4+s16], $0x80, s29, s16, $0xb8;
	v63 =	vld [tilespmem:$0x0]  }
0x3d: {  	_ =	swait.ge [sflag:s20], $0x3000  }
0x3e: {  	[sflag:s20] =	ssyncset.done $0x0  }
.Ltmp0:
0x3f: {  	s28 =	sadd.s32 $0x2880, s28;
	[sflag:s20] =	ssyncadd.s32 $0xFFFFD000;
	(pc) =	sbr.rel @p0 .LBB2_2-.Ltmp0, $4  }
0x40: {  	[spmem:s2] =	stream.indirect.scatter.add.f32 [tilespmem:s18], [sflag:$0x3], $0x80, s28, s16, $0xb8;
	v63 =	vld [tilespmem:$0x0]  }
0x41: {  	_ =	swait.ge [sflag:s12], $0x3000  }
0x42: {  	[sflag:s12] =	ssyncset.done $0x0  }
0x43: {  	s26 =	sadd.s32 $0xC0, s26;
	[sflag:s12] =	ssyncadd.s32 $0xFFFFD000  }
0x44: {  	[tilespmem:s18], [sflag:$0x2] =	stream.indirect.gather [hbm4b:s4+s16], $0x80, s24, s16, $0xb8;
	v63 =	vld [tilespmem:$0x0]  }
0x45: {  	_ =	swait.ge [sflag:s19], $0x3000  }
0x46: {  	[sflag:s19] =	ssyncset.done $0x0  }
0x47: {  	[sflag:s19] =	ssyncadd.s32 $0xFFFFD000  }
0x48: {  	[spmem:s2] =	stream.indirect.scatter.add.f32 [tilespmem:s17], [sflag:$0x3], $0x80, s21, s16, $0xb8;
	v63 =	vld [tilespmem:$0x0]  }
0x49: {  	_ =	swait.ge [sflag:s12], $0x3000  }
0x4a: {  	[sflag:s12] =	ssyncset.done $0x0  }
0x4b: {  	[sflag:s12] =	ssyncadd.s32 $0xFFFFD000  }
0x4c: {  	_ =	swait.ge [sflag:s20], $0x3000  }
0x4d: {  	[sflag:s20] =	ssyncset.done $0x0  }
0x4e: {  	[sflag:s20] =	ssyncadd.s32 $0xFFFFD000  }
0x4f: {  	[spmem:s2] =	stream.indirect.scatter.add.f32 [tilespmem:s18], [sflag:$0x3], $0x80, s22, s16, $0xb8;
	v63 =	vld [tilespmem:$0x0]  }
0x50: {  	_ =	swait.ge [sflag:s12], $0x3000  }
0x51: {  	s23 =	sadd.s32 $0x1, s23;
	[sflag:s12] =	ssyncset.done $0x0  }
0x52: {  	p0 =	sne.s32 s23, s10;
	[sflag:s12] =	ssyncadd.s32 $0xFFFFD000  }
.Ltmp1:
0x53: {  	[bflag:$0x0] =	sbarrier.arrive $0xFFFF;
	(pc) =	sbr.rel @p0 .LBB2_1-.Ltmp1, $4  }
0x54: {  	[hbm:s9], [sflag:s6] =	dma.local [spmem:s11], $0x2800  }
0x55: {  	_ =	swait.ge [sflag:s12], $0x2800  }
0x56: {  	[sflag:s12] =	ssyncset.done $0x0  }
0x57: {  	[sflag:s12] =	ssyncadd.s32 $0xFFFFD800  }
0x58: {  	_ =	sfence.sel $0x180000  }
0x59: {  	[bflag:$0x0] =	sbarrier.arrive $0xFFFF  }
0x5a: {  	p0 =	sne.s32 s0, $0x0;
	_ =	strace $0x9000004A  }
0x5b: {  	s0 =	sadd.s32 @!p0 $0x100000, s1;
	[bflag:$0x2] =	sbarrier.arrive $0xFFFF  }
0x5c: {  	[sflag:s0] =	ssyncadd.tile.s32 @!p0 $0x1;
	_ =	shalt  }
.Lfunc_end2:
_tile_overlayer_lowered:
.L_overlay_start_2:
0x5d: {  	(tag) =	ssettag $0x2  }
0x5e: {  	s0 =	rddreg [dreg:$0x0];
	s2 =	stileid.u32  }
0x5f: {  	s1 =	rddreg [dreg:$0x1];
	p0 =	sne.s32 s2, $0x0  }
0x60: {  	s3 =	rddreg [dreg:$0x2];
	[bflag:$0x3] =	sbarrier.arrive $0xFFFF;
	s2 =	simm.s32 @!p0 $0x1C03  }
0x61: {  	[timem:s3], [sflag:s2] =	dma.local @!p0 [hbm:s0], s1  }
0x62: {  	s0 =	simm.s32 @!p0 $0x3  }
0x63: {  	_ =	swait.ge @!p0 [sflag:s0], s1  }
0x64: {  	s1 =	ssub.s32 @!p0 $0x0, s1;
	[sflag:s0] =	ssyncset.done @!p0 $0x0  }
0x65: {  	[sflag:s0] =	ssyncadd.s32 @!p0 s1  }
0x66: {  	[bflag:$0x3] =	sbarrier.arrive $0xFFFF  }
0x67: {  	_ =	shalt  }

// kernel: kernel.19.cloned.1.call-start
scs
__scs_entry_jumppad:
0x0: {  	(pc) =	sbr.rel $0x88, $3  }
0x1: {  	(tag) =	ssettag $0x0;
	lr =	simm.s32 $0x1  }
0x2: {  	[smem:$0x3F93] =	sst lr;
	_ =	strace $0xD0000000  }
0x3: {  	_ = 	snop  }
0x4: {  	_ = 	snop  }
0x5: {  	_ = 	snop  }
0x6: {  	_ = 	snop  }
0x7: {  	_ = 	snop  }
__scs_overlays_trampoline_lowered:
0x8: {  	[smem:$0x3FA2] =	sst s0  }
0x9: {  	[smem:$0x3FA3] =	sst s1  }
0xa: {  	[smem:$0x3FA4] =	sst s2  }
0xb: {  	[smem:$0x3FA5] =	sst s3  }
0xc: {  	[smem:$0x3FA6] =	sst s4  }
0xd: {  	[smem:$0x3FA7] =	sst s5  }
0xe: {  	[smem:$0x3FA8] =	sst s6  }
0xf: {  	[smem:$0x3FA9] =	sst s7  }
0x10: {  	[smem:$0x3FAA] =	sst s8  }
0x11: {  	[smem:$0x3FAB] =	sst s9;
	s0 =	simm.s32 @!p0 $0x0  }
0x12: {  	s1 =	sld [smem:$0x3F91];
	s0 =	simm.s32 @p0 $0x1  }
0x13: {  	[smem:$0x3FAC] =	sst s0;
	s0 =	simm.s32 @!p1 $0x0  }
0x14: {  	s2 =	sld [smem:$0x3F90];
	s0 =	simm.s32 @p1 $0x1  }
0x15: {  	[smem:$0x3FAD] =	sst s0;
	s0 =	simm.s32 @!p2 $0x0  }
0x16: {  	s3 =	sld [smem:$0x3FDB];
	s0 =	simm.s32 @p2 $0x1  }
0x17: {  	s4 =	simm.s32 $0x1BF5;
	[smem:$0x3FAF] =	sst s0  }
0x18: {  	s0 =	sld [smem:$0x3F92];
	_ =	swait.ge [sflag:s4], $0x0  }
0x19: {  	s7 =	sld [smem:$0x3F93]  }
0x1a: {  	s8 =	sadd.s32 $0xFFFFE003, lr  }
0x1b: {  	s9 =	sadd.s32 $0xFFFFFEF7, lr;
	s5 =	simm.s32 $0xFFFFFFFF;
	p2 =	slt.u32 s8, $0xFFFFF086  }
0x1c: {  	p1 =	slt.u32 s9, $0xF7A;
	s5 =	simm.s32 @!p2 $0x0  }
0x1d: {  	s5 =	simm.s32 @p1 $0x1;
	p0 =	seq.s32 s7, s2  }
0x1e: {  	s7 =	smul.u32 @!p0 $0xF7A, s2;
	p2 =	seq.s32 @!p0 s5, $0x0  }
0x1f: {  	s9 =	smul.u32 $0xF7A, s1;
	s8 =	simm.s32 @!p0 $0x1BF5;
	p2 =	por !p2, p0  }
0x20: {  	[sflag:s8] =	ssyncset.s32 @!p0 $0xFFFFF086;
	s6 =	sadd.s32 @!p0 s3, s7;
	s7 =	simm.s32 @!p0 $0x108  }
0x21: {  	s3 =	sadd.s32 s3, s9;
	s6 =	sadd.s32 @!p0 $0x88, s6;
	s7 =	simm.s32 @p2 $0x1082  }
0x22: {  	[simem:s7], [sflag:s8] =	dma.local @!p0 [hbm:s6], $0xF7A  }
0x23: {  	s9 =	sor.u32 $0xD0000000, s2;
	s6 =	simm.s32 $0x108;
	_ =	swait.ge @!p0 [sflag:s8], $0x0  }
0x24: {  	s3 =	sadd.s32 $0x88, s3;
	s6 =	simm.s32 @!p1 $0x1082;
	[sflag:s4] =	ssyncset.s32 $0xFFFFF086  }
0x25: {  	[simem:s6], [sflag:s4] =	dma.local [hbm:s3], $0xF7A  }
0x26: {  	[smem:$0x3F93] =	sst s1;
	(tag) =	ssettag s2;
	_ =	strace s9  }
0x27: {  	s1 =	sld [smem:$0x3FA3]  }
0x28: {  	s2 =	sld [smem:$0x3FA4]  }
0x29: {  	s4 =	sld [smem:$0x3FA6]  }
0x2a: {  	p0 =	seq.s32 s5, $0x0;
	s5 =	sld [smem:$0x3FA7]  }
0x2b: {  	s6 =	sld [smem:$0x3FA8]  }
0x2c: {  	s7 =	sld [smem:$0x3FA9]  }
0x2d: {  	s3 =	simm.s32 $0x108;
	s8 =	sld [smem:$0x3FAA]  }
0x2e: {  	s3 =	simm.s32 @!p0 $0x1082;
	s9 =	sld [smem:$0x3FAB]  }
0x2f: {  	lr =	sadd.s32 s0, s3;
	s0 =	sld [smem:$0x3FA2]  }
0x30: {  	s3 =	sld [smem:$0x3FA5]  }
0x31: {  	[smem:$0x3FAE] =	sst s10  }
0x32: {  	s10 =	sld [smem:$0x3FAC];
	_ =	sdelay $0x3  }
0x33: {  	p0 =	seq.s32 s10, $0x1;
	s10 =	sld [smem:$0x3FAE];
	_ =	sdelay $0x3  }
0x34: {  	[smem:$0x3FAE] =	sst s10  }
0x35: {  	s10 =	sld [smem:$0x3FAD];
	_ =	sdelay $0x3  }
0x36: {  	p1 =	seq.s32 s10, $0x1;
	s10 =	sld [smem:$0x3FAE];
	_ =	sdelay $0x3  }
0x37: {  	[smem:$0x3FAE] =	sst s10  }
0x38: {  	s10 =	sld [smem:$0x3FAF]  }
0x39: {  	_ = 	snop;
	(pc) =	sbr.ind lr, $3  }
0x3a: {  	_ = 	snop  }
0x3b: {  	_ = 	snop  }
0x3c: {  	p2 =	seq.s32 s10, $0x1;
	s10 =	sld [smem:$0x3FAE]  }
0x3d: {  	_ =	shalt  }
0x3e: {  	_ =	shalt  }
0x3f: {  	_ =	shalt  }
0x40: {  	_ =	shalt  }
0x41: {  	_ =	shalt  }
0x42: {  	_ =	shalt  }
0x43: {  	_ =	shalt  }
0x44: {  	_ =	shalt  }
0x45: {  	_ =	shalt  }
0x46: {  	_ =	shalt  }
0x47: {  	_ =	shalt  }
0x48: {  	_ =	shalt  }
0x49: {  	_ =	shalt  }
0x4a: {  	_ =	shalt  }
0x4b: {  	_ =	shalt  }
0x4c: {  	_ =	shalt  }
0x4d: {  	_ =	shalt  }
0x4e: {  	_ =	shalt  }
0x4f: {  	_ =	shalt  }
0x50: {  	_ =	shalt  }
0x51: {  	_ =	shalt  }
0x52: {  	_ =	shalt  }
0x53: {  	_ =	shalt  }
0x54: {  	_ =	shalt  }
0x55: {  	_ =	shalt  }
0x56: {  	_ =	shalt  }
0x57: {  	_ =	shalt  }
0x58: {  	_ =	shalt  }
0x59: {  	_ =	shalt  }
0x5a: {  	_ =	shalt  }
0x5b: {  	_ =	shalt  }
0x5c: {  	_ =	shalt  }
0x5d: {  	_ =	shalt  }
0x5e: {  	_ =	shalt  }
0x5f: {  	_ =	shalt  }
0x60: {  	_ =	shalt  }
0x61: {  	_ =	shalt  }
0x62: {  	_ =	shalt  }
0x63: {  	_ =	shalt  }
0x64: {  	_ =	shalt  }
0x65: {  	_ =	shalt  }
0x66: {  	_ =	shalt  }
0x67: {  	_ =	shalt  }
0x68: {  	_ =	shalt  }
0x69: {  	_ =	shalt  }
0x6a: {  	_ =	shalt  }
0x6b: {  	_ =	shalt  }
0x6c: {  	_ =	shalt  }
0x6d: {  	_ =	shalt  }
0x6e: {  	_ =	shalt  }
0x6f: {  	_ =	shalt  }
0x70: {  	_ =	shalt  }
0x71: {  	_ =	shalt  }
0x72: {  	_ =	shalt  }
0x73: {  	_ =	shalt  }
0x74: {  	_ =	shalt  }
0x75: {  	_ =	shalt  }
0x76: {  	_ =	shalt  }
0x77: {  	_ =	shalt  }
0x78: {  	_ =	shalt  }
0x79: {  	_ =	shalt  }
0x7a: {  	_ =	shalt  }
0x7b: {  	_ =	shalt  }
0x7c: {  	_ =	shalt  }
0x7d: {  	_ =	shalt  }
0x7e: {  	_ =	shalt  }
0x7f: {  	_ =	shalt  }
0x80: {  	_ =	shalt  }
0x81: {  	_ =	shalt  }
0x82: {  	_ =	shalt  }
0x83: {  	_ =	shalt  }
0x84: {  	_ =	shalt  }
0x85: {  	_ =	shalt  }
0x86: {  	_ =	shalt  }
0x87: {  	_ =	shalt  }
.Lfunc_end0:
.L_simem_size_0:
called_computation.2_lowered:
.L_overlay_start_0:
0x88: {  	s2 =	sld [smem:$0x3FD9]  }
0x89: {  	s3 =	sld [smem:$0x3FFE];
	_ =	sdelay $0x1  }
0x8a: {  	s1 =	srdreg.scid  }
0x8b: {  	s0 =	sand.u32 $0x1, s1  }
0x8c: {  	s16 =	sshll.u32 s0, $0xA;
	s2 =	sadd.s32 s3, s2  }
0x8d: {  	s2 =	sadd.s32 s2, s16  }
0x8e: {  	[smem:$0x3FBA] =	sst s2  }
0x8f: {  	_ = 	snop  }
0x90: {  	(tm) =	ssettm $0x1  }
0x91: {  	s17 =	sld [smem:$0x3FFB];
	_ =	sdelay $0x3  }
0x92: {  	_ =	strace s17  }
0x93: {  	s2 =	sld [smem:$0x3FFC];
	_ =	sdelay $0x3  }
0x94: {  	_ =	strace s2  }
0x95: {  	s2 =	sld [smem:$0x3FFD];
	_ =	sdelay $0x3  }
0x96: {  	_ =	strace s2  }
0x97: {  	_ =	strace $0x8FFFFFFF  }
0x98: {  	s18 =	sld [smem:$0x3FDB];
	_ =	sdelay $0x1  }
0x99: {  	s19 =	simm.s32 $_scs_section_size  }
0x9a: {  	s4 =	simm.s32 $_size__tile_overlayer_lowered;
	s5 =	simm.s32 $_tile_overlayer_lowered  }
0x9b: {  	s22 =	simm.s32 $0x1BFF;
	s21 =	sshll.u32 s5, $0x1;
	s2 =	sadd.s32 s19, s18  }
0x9c: {  	s6 =	simm.s32 $0x0;
	s20 =	sshll.u32 s4, $0x1;
	s4 =	sadd.s32 s21, s2  }
0x9d: {  	[timem:s6], [sflag:s22] =	dma.local [hbm:s4], s20  }
0x9e: {  	_ =	swait.ge [sflag:s22], s20  }
0x9f: {  	s3 =	ssub.s32 $0x0, s20;
	[sflag:s22] =	ssyncset.done $0x0  }
0xa0: {  	[sflag:s22] =	ssyncadd.s32 s3;
	_ =	sdelay $0x1  }
0xa1: {  	s23 =	simm.s32 $0x1B8B  }
0xa2: {  	_ =	swait.ge [sflag:s23], $0x1  }
0xa3: {  	[sflag:s23] =	ssyncset.done $0x0  }
0xa4: {  	s25 =	simm.s32 $0x1B8E;
	s24 =	sld [smem:$0x3FFE];
	[sflag:s23] =	ssyncadd.s32 $0xFFFFFFFF  }
0xa5: {  	s26 =	simm.s32 $execute0_lowered;
	[smem:$0x3FD2] =	sst s25  }
0xa6: {  	s4 =	sshll.u32 s26, $0x1;
	_ =	strace $0x8000004C;
	[dreg:$0x1] =	wrdreg $0xFFFFFFFF  }
0xa7: {  	s28 =	simm.s32 $_size_execute0_lowered;
	s2 =	sadd.s32 s2, s4;
	[dreg:$0x0] =	wrdreg $0x0  }
0xa8: {  	s4 =	sshll.u32 s28, $0x1;
	[dreg:$0x2] =	wrdreg s2  }
0xa9: {  	[dreg:$0x3] =	wrdreg s4  }
0xaa: {  	[dreg:$0x4] =	wrdreg $0xC0  }
0xab: {  	_ =	task [dreg:s6], $0x5FFFF  }
0xac: {  	[dreg:$0x1] =	wrdreg $0xFFFFFFFF  }
0xad: {  	[dreg:$0x0] =	wrdreg $0x60  }
0xae: {  	[dreg:$0x2] =	wrdreg s24  }
0xaf: {  	[dreg:$0x3] =	wrdreg $0xC0000  }
0xb0: {  	[dreg:$0x4] =	wrdreg $0x9  }
0xb1: {  	_ =	task.clear_ibuf [dreg:s6], $0x5FFFF;
	_ =	strace $0x9000004C  }
0xb2: {  	s29 =	simm.s32 $0x9;
	_ =	strace $0x8000004E  }
0xb3: {  	_ =	swait.ge [sflag:s29], $0x1  }
0xb4: {  	[sflag:s29] =	ssyncadd.s32 $0xFFFFFFFF  }
0xb5: {  	_ =	strace $0x9000004E  }
0xb6: {  	_ =	sfence  }
0xb7: {  	s30 =	sld [smem:$0x0];
	_ =	sdelay $0x2  }
0xb8: {  	s31 =	sshll.u32 s1, $0xD;
	s1 =	sshrl.u32 s1, $0x2  }
0xb9: {  	s3 =	sand.u32 $0x4000, s31;
	s1 =	sadd.s32 s1, s30  }
0xba: {  	s0 =	sor.u32 s3, s0;
	s1 =	sshll.u32 s1, $0x11  }
0xbb: {  	s0 =	sor.u32 s1, s0  }
0xbc: {  	s0 =	sadd.s32 $0x8F2B, s0  }
0xbd: {  	[sflag:s0] =	ssyncadd.remote.s32 $0x1  }
0xbe: {  	_ =	sfence.sel $0xFFFF  }
0xbf: {  	[dreg:$0x0] =	wrdreg $0xFFFFFFFF;
	(pc) =	sbr.abs _section_cstart, $3  }
0xc0: {  	[dreg:$0x1] =	wrdreg $0xFFFFFFFF  }
0xc1: {  	_ =	task.clear_ibuf [dreg:s6], $0x2FFFF;
	_ =	strace $0x9FFFFFFF  }
0xc2: {  	(tm) =	ssettm $0x7FFFFFFF  }
0xc3: {  	_ =	shalt  }
tec
execute0_lowered:
.L_overlay_start_1:
0x0: {  	(tag) =	ssettag $0x1  }
0x1: {  	s6 =	rddreg [dreg:$0x0]  }
0x2: {  	s0 =	srdreg.scid;
	s2 =	rddreg [dreg:$0x1]  }
0x3: {  	s3 =	simm.s32 $0x0;
	s15 =	simm.s32 $0x2800;
	s16 =	simm.s32 $0x60  }
0x4: {  	s17 =	simm.s32 $0x6000;
	s18 =	simm.s32 $0x9000;
	s19 =	simm.s32 $0x1  }
0x5: {  	s20 =	simm.s32 $0x2;
	s21 =	simm.s32 $0x5C00;
	s22 =	simm.s32 $0x5C80  }
0x6: {  	s23 =	simm.s32 $0x0;
	s5 =	sand.u32 $0x1, s0;
	s0 =	stileid.u32  }
0x7: {  	[smem:$0x7FF] =	sst s3;
	s1 =	sshll.u32 s5, $0x4;
	s28 =	smul.u32 $0x14000, s0  }
0x8: {  	s8 =	sshll.u32 s0, $0x7;
	s10 =	smul.u32 $0x140000, s5;
	s5 =	ssub.s32 $0x2, s5  }
0x9: {  	s29 =	smul.u32 $0x50000, s0;
	s31 =	sshll.u32 s0, $0x6;
	s4 =	sor.u32 s0, s1  }
0xa: {  	s1 =	rddreg [dreg:$0x2];
	s8 =	sand.u32 $0x380, s8;
	_ =	strace $0x8000004D  }
0xb: {  	s12 =	sshrl.u32 s5, $0x1;
	s7 =	sshrl.u32 s4, $0x3;
	s9 =	smul.u32 $0x700, s4  }
0xc: {  	s4 =	sadd.s32 $0x3B000, s6;
	s11 =	sshrl.u32 s28, $0x3;
	s12 =	ssub.s32 s5, s12  }
0xd: {  	s30 =	sshrl.u32 s29, $0x2;
	s7 =	smul.u32 $0x14000, s7;
	s11 =	sadd.s32 s11, s6  }
0xe: {  	s14 =	sadd.s32 s30, s2;
	s9 =	sadd.s32 s9, s6;
	s5 =	sadd.s32 $0x13000, s11  }
0xf: {  	s11 =	sshrl.u32 s14, $0x3;
	s14 =	simm.s32 $0x400;
	s7 =	sor.u32 s8, s7  }
0x10: {  	s8 =	sadd.s32 s28, s10;
	s10 =	smax.u32 s12, $0x1;
	s7 =	sshrl.u32 s7, $0x3  }
0x11: {  	s12 =	simm.s32 $0x3;
	s8 =	sshrl.u32 s8, $0x3;
	s7 =	sadd.s32 s7, s6  }
0x12: {  	s13 =	sadd.s32 s8, s6;
	s6 =	sor.u32 $0x1C03, s31;
	s8 =	sadd.s32 $0x5000, s9  }
0x13: {  	s7 =	sadd.s32 $0x8B000, s7;
	s9 =	sadd.s32 $0x95000, s13;
	s13 =	simm.s32 $0x80  }
.LBB2_1:
0x14: {  	[spmem:s11], [sflag:s6] =	dma.local [hbm:s5], $0x2800  }
0x15: {  	_ =	swait.ge [sflag:s12], $0x2800  }
0x16: {  	[sflag:s12] =	ssyncset.done $0x0  }
0x17: {  	[sflag:s12] =	ssyncadd.s32 $0xFFFFD800  }
0x18: {  	[tilespmem:s3], [sflag:$0x3] =	stream.strided.gather [hbm4b:s7+s13], $0x2800, s14, s13, $0x38;
	v63 =	vld [tilespmem:$0x0]  }
0x19: {  	_ =	swait.ge [sflag:s12], $0x2800  }
0x1a: {  	[sflag:s12] =	ssyncset.done $0x0  }
0x1b: {  	[sflag:s12] =	ssyncadd.s32 $0xFFFFD800  }
0x1c: {  	[tilespmem:s15], [sflag:$0x3] =	stream.linear.gather [hbm4b:s8+s3], $0x3500, $0x38;
	v63 =	vld [tilespmem:$0x0]  }
0x1d: {  	_ =	swait.ge [sflag:s12], $0x3500  }
0x1e: {  	[sflag:s12] =	ssyncset.done $0x0  }
0x1f: {  	[sflag:s12] =	ssyncadd.s32 $0xFFFFCB00  }
0x20: {  	[bflag:$0x0] =	sbarrier.arrive $0xFFFF  }
0x21: {  	[tilespmem:s17], [sflag:$0x1] =	stream.indirect.gather [hbm4b:s4+s16], $0x80, s3, s16, $0xb8;
	v63 =	vld [tilespmem:$0x0]  }
0x22: {  	_ = 	snop  }
0x23: {  	[tilespmem:s18], [sflag:$0x2] =	stream.indirect.gather [hbm4b:s4+s16], $0x80, s16, s16, $0xb8;
	v63 =	vld [tilespmem:$0x0]  }
0x24: {  	_ =	swait.ge [sflag:s19], $0x3000  }
0x25: {  	[sflag:s19] =	ssyncset.done $0x0  }
0x26: {  	s24 =	simm.s32 $0x2800;
	[sflag:s19] =	ssyncadd.s32 $0xFFFFD000  }
0x27: {  	[spmem:s2] =	stream.indirect.scatter.add.f32 [tilespmem:s17], [sflag:$0x3], $0x80, s24, s16, $0xb8;
	v63 =	vld [tilespmem:$0x0]  }
0x28: {  	_ =	swait.ge [sflag:s12], $0x3000  }
0x29: {  	[sflag:s12] =	ssyncset.done $0x0  }
0x2a: {  	s30 =	simm.s32 $0xC0;
	[sflag:s12] =	ssyncadd.s32 $0xFFFFD000  }
0x2b: {  	[tilespmem:s17], [sflag:$0x1] =	stream.indirect.gather [hbm4b:s4+s16], $0x80, s30, s16, $0xb8;
	v63 =	vld [tilespmem:$0x0]  }
0x2c: {  	_ =	swait.ge [sflag:s20], $0x3000  }
0x2d: {  	[sflag:s20] =	ssyncset.done $0x0  }
0x2e: {  	s31 =	simm.s32 $0x2880;
	[sflag:s20] =	ssyncadd.s32 $0xFFFFD000  }
0x2f: {  	[spmem:s2] =	stream.indirect.scatter.add.f32 [tilespmem:s18], [sflag:$0x3], $0x80, s31, s16, $0xb8;
	v63 =	vld [tilespmem:$0x0]  }
0x30: {  	_ =	swait.ge [sflag:s12], $0x3000  }
0x31: {  	s25 =	simm.s32 $0x400;
	[sflag:s12] =	ssyncset.done $0x0  }
0x32: {  	s26 =	simm.s32 $0x1E0;
	s24 =	simm.s32 $0x120;
	[sflag:s12] =	ssyncadd.s32 $0xFFFFD000  }
.LBB2_2:
0x33: {  	[tilespmem:s18], [sflag:$0x2] =	stream.indirect.gather [hbm4b:s4+s16], $0x80, s24, s16, $0xb8;
	v63 =	vld [tilespmem:$0x0]  }
0x34: {  	s28 =	smov.u32 s25;
	s24 =	smov.u32 s26  }
0x35: {  	p0 =	sne.s32 s25, $0xCC00;
	s25 =	sadd.s32 $0x400, s25;
	_ =	swait.ge [sflag:s19], $0x3000  }
0x36: {  	s28 =	sshra.s32 s28, $0x2;
	[sflag:s19] =	ssyncset.done $0x0  }
0x37: {  	s29 =	sadd.s32 $0x2800, s28;
	[sflag:s19] =	ssyncadd.s32 $0xFFFFD000  }
0x38: {  	[spmem:s2] =	stream.indirect.scatter.add.f32 [tilespmem:s17], [sflag:$0x3], $0x80, s29, s16, $0xb8;
	v63 =	vld [tilespmem:$0x0]  }
0x39: {  	_ =	swait.ge [sflag:s12], $0x3000  }
0x3a: {  	[sflag:s12] =	ssyncset.done $0x0  }
0x3b: {  	s29 =	sadd.s32 $0xFFFFFFA0, s26;
	[sflag:s12] =	ssyncadd.s32 $0xFFFFD000  }
0x3c: {  	[tilespmem:s17], [sflag:$0x1] =	stream.indirect.gather [hbm4b:s4+s16], $0x80, s29, s16, $0xb8;
	v63 =	vld [tilespmem:$0x0]  }
0x3d: {  	_ =	swait.ge [sflag:s20], $0x3000  }
0x3e: {  	[sflag:s20] =	ssyncset.done $0x0  }
.Ltmp0:
0x3f: {  	s28 =	sadd.s32 $0x2880, s28;
	[sflag:s20] =	ssyncadd.s32 $0xFFFFD000;
	(pc) =	sbr.rel @p0 .LBB2_2-.Ltmp0, $4  }
0x40: {  	[spmem:s2] =	stream.indirect.scatter.add.f32 [tilespmem:s18], [sflag:$0x3], $0x80, s28, s16, $0xb8;
	v63 =	vld [tilespmem:$0x0]  }
0x41: {  	_ =	swait.ge [sflag:s12], $0x3000  }
0x42: {  	[sflag:s12] =	ssyncset.done $0x0  }
0x43: {  	s26 =	sadd.s32 $0xC0, s26;
	[sflag:s12] =	ssyncadd.s32 $0xFFFFD000  }
0x44: {  	[tilespmem:s18], [sflag:$0x2] =	stream.indirect.gather [hbm4b:s4+s16], $0x80, s24, s16, $0xb8;
	v63 =	vld [tilespmem:$0x0]  }
0x45: {  	_ =	swait.ge [sflag:s19], $0x3000  }
0x46: {  	[sflag:s19] =	ssyncset.done $0x0  }
0x47: {  	[sflag:s19] =	ssyncadd.s32 $0xFFFFD000  }
0x48: {  	[spmem:s2] =	stream.indirect.scatter.add.f32 [tilespmem:s17], [sflag:$0x3], $0x80, s21, s16, $0xb8;
	v63 =	vld [tilespmem:$0x0]  }
0x49: {  	_ =	swait.ge [sflag:s12], $0x3000  }
0x4a: {  	[sflag:s12] =	ssyncset.done $0x0  }
0x4b: {  	[sflag:s12] =	ssyncadd.s32 $0xFFFFD000  }
0x4c: {  	_ =	swait.ge [sflag:s20], $0x3000  }
0x4d: {  	[sflag:s20] =	ssyncset.done $0x0  }
0x4e: {  	[sflag:s20] =	ssyncadd.s32 $0xFFFFD000  }
0x4f: {  	[spmem:s2] =	stream.indirect.scatter.add.f32 [tilespmem:s18], [sflag:$0x3], $0x80, s22, s16, $0xb8;
	v63 =	vld [tilespmem:$0x0]  }
0x50: {  	_ =	swait.ge [sflag:s12], $0x3000  }
0x51: {  	s23 =	sadd.s32 $0x1, s23;
	[sflag:s12] =	ssyncset.done $0x0  }
0x52: {  	p0 =	sne.s32 s23, s10;
	[sflag:s12] =	ssyncadd.s32 $0xFFFFD000  }
.Ltmp1:
0x53: {  	[bflag:$0x0] =	sbarrier.arrive $0xFFFF;
	(pc) =	sbr.rel @p0 .LBB2_1-.Ltmp1, $4  }
0x54: {  	[hbm:s9], [sflag:s6] =	dma.local [spmem:s11], $0x2800  }
0x55: {  	_ =	swait.ge [sflag:s12], $0x2800  }
0x56: {  	[sflag:s12] =	ssyncset.done $0x0  }
0x57: {  	[sflag:s12] =	ssyncadd.s32 $0xFFFFD800  }
0x58: {  	_ =	sfence.sel $0x180000  }
0x59: {  	[bflag:$0x0] =	sbarrier.arrive $0xFFFF  }
0x5a: {  	p0 =	sne.s32 s0, $0x0;
	_ =	strace $0x9000004D  }
0x5b: {  	s0 =	sadd.s32 @!p0 $0x100000, s1;
	[bflag:$0x2] =	sbarrier.arrive $0xFFFF  }
0x5c: {  	[sflag:s0] =	ssyncadd.tile.s32 @!p0 $0x1;
	_ =	shalt  }
.Lfunc_end2:
_tile_overlayer_lowered:
.L_overlay_start_2:
0x5d: {  	(tag) =	ssettag $0x2  }
0x5e: {  	s0 =	rddreg [dreg:$0x0];
	s2 =	stileid.u32  }
0x5f: {  	s1 =	rddreg [dreg:$0x1];
	p0 =	sne.s32 s2, $0x0  }
0x60: {  	s3 =	rddreg [dreg:$0x2];
	[bflag:$0x3] =	sbarrier.arrive $0xFFFF;
	s2 =	simm.s32 @!p0 $0x1C03  }
0x61: {  	[timem:s3], [sflag:s2] =	dma.local @!p0 [hbm:s0], s1  }
0x62: {  	s0 =	simm.s32 @!p0 $0x3  }
0x63: {  	_ =	swait.ge @!p0 [sflag:s0], s1  }
0x64: {  	s1 =	ssub.s32 @!p0 $0x0, s1;
	[sflag:s0] =	ssyncset.done @!p0 $0x0  }
0x65: {  	[sflag:s0] =	ssyncadd.s32 @!p0 s1  }
0x66: {  	[bflag:$0x3] =	sbarrier.arrive $0xFFFF  }
0x67: {  	_ =	shalt  }

// kernel: kernel.22.cloned.1.call-start
scs
__scs_entry_jumppad:
0x0: {  	(pc) =	sbr.rel $0x88, $3  }
0x1: {  	(tag) =	ssettag $0x0;
	lr =	simm.s32 $0x1  }
0x2: {  	[smem:$0x3F93] =	sst lr;
	_ =	strace $0xD0000000  }
0x3: {  	_ = 	snop  }
0x4: {  	_ = 	snop  }
0x5: {  	_ = 	snop  }
0x6: {  	_ = 	snop  }
0x7: {  	_ = 	snop  }
__scs_overlays_trampoline_lowered:
0x8: {  	[smem:$0x3FA2] =	sst s0  }
0x9: {  	[smem:$0x3FA3] =	sst s1  }
0xa: {  	[smem:$0x3FA4] =	sst s2  }
0xb: {  	[smem:$0x3FA5] =	sst s3  }
0xc: {  	[smem:$0x3FA6] =	sst s4  }
0xd: {  	[smem:$0x3FA7] =	sst s5  }
0xe: {  	[smem:$0x3FA8] =	sst s6  }
0xf: {  	[smem:$0x3FA9] =	sst s7  }
0x10: {  	[smem:$0x3FAA] =	sst s8  }
0x11: {  	[smem:$0x3FAB] =	sst s9;
	s0 =	simm.s32 @!p0 $0x0  }
0x12: {  	s1 =	sld [smem:$0x3F91];
	s0 =	simm.s32 @p0 $0x1  }
0x13: {  	[smem:$0x3FAC] =	sst s0;
	s0 =	simm.s32 @!p1 $0x0  }
0x14: {  	s2 =	sld [smem:$0x3F90];
	s0 =	simm.s32 @p1 $0x1  }
0x15: {  	[smem:$0x3FAD] =	sst s0;
	s0 =	simm.s32 @!p2 $0x0  }
0x16: {  	s3 =	sld [smem:$0x3FDB];
	s0 =	simm.s32 @p2 $0x1  }
0x17: {  	s4 =	simm.s32 $0x1BF5;
	[smem:$0x3FAF] =	sst s0  }
0x18: {  	s0 =	sld [smem:$0x3F92];
	_ =	swait.ge [sflag:s4], $0x0  }
0x19: {  	s7 =	sld [smem:$0x3F93]  }
0x1a: {  	s8 =	sadd.s32 $0xFFFFE003, lr  }
0x1b: {  	s9 =	sadd.s32 $0xFFFFFEF7, lr;
	s5 =	simm.s32 $0xFFFFFFFF;
	p2 =	slt.u32 s8, $0xFFFFF086  }
0x1c: {  	p1 =	slt.u32 s9, $0xF7A;
	s5 =	simm.s32 @!p2 $0x0  }
0x1d: {  	s5 =	simm.s32 @p1 $0x1;
	p0 =	seq.s32 s7, s2  }
0x1e: {  	s7 =	smul.u32 @!p0 $0xF7A, s2;
	p2 =	seq.s32 @!p0 s5, $0x0  }
0x1f: {  	s9 =	smul.u32 $0xF7A, s1;
	s8 =	simm.s32 @!p0 $0x1BF5;
	p2 =	por !p2, p0  }
0x20: {  	[sflag:s8] =	ssyncset.s32 @!p0 $0xFFFFF086;
	s6 =	sadd.s32 @!p0 s3, s7;
	s7 =	simm.s32 @!p0 $0x108  }
0x21: {  	s3 =	sadd.s32 s3, s9;
	s6 =	sadd.s32 @!p0 $0x88, s6;
	s7 =	simm.s32 @p2 $0x1082  }
0x22: {  	[simem:s7], [sflag:s8] =	dma.local @!p0 [hbm:s6], $0xF7A  }
0x23: {  	s9 =	sor.u32 $0xD0000000, s2;
	s6 =	simm.s32 $0x108;
	_ =	swait.ge @!p0 [sflag:s8], $0x0  }
0x24: {  	s3 =	sadd.s32 $0x88, s3;
	s6 =	simm.s32 @!p1 $0x1082;
	[sflag:s4] =	ssyncset.s32 $0xFFFFF086  }
0x25: {  	[simem:s6], [sflag:s4] =	dma.local [hbm:s3], $0xF7A  }
0x26: {  	[smem:$0x3F93] =	sst s1;
	(tag) =	ssettag s2;
	_ =	strace s9  }
0x27: {  	s1 =	sld [smem:$0x3FA3]  }
0x28: {  	s2 =	sld [smem:$0x3FA4]  }
0x29: {  	s4 =	sld [smem:$0x3FA6]  }
0x2a: {  	p0 =	seq.s32 s5, $0x0;
	s5 =	sld [smem:$0x3FA7]  }
0x2b: {  	s6 =	sld [smem:$0x3FA8]  }
0x2c: {  	s7 =	sld [smem:$0x3FA9]  }
0x2d: {  	s3 =	simm.s32 $0x108;
	s8 =	sld [smem:$0x3FAA]  }
0x2e: {  	s3 =	simm.s32 @!p0 $0x1082;
	s9 =	sld [smem:$0x3FAB]  }
0x2f: {  	lr =	sadd.s32 s0, s3;
	s0 =	sld [smem:$0x3FA2]  }
0x30: {  	s3 =	sld [smem:$0x3FA5]  }
0x31: {  	[smem:$0x3FAE] =	sst s10  }
0x32: {  	s10 =	sld [smem:$0x3FAC];
	_ =	sdelay $0x3  }
0x33: {  	p0 =	seq.s32 s10, $0x1;
	s10 =	sld [smem:$0x3FAE];
	_ =	sdelay $0x3  }
0x34: {  	[smem:$0x3FAE] =	sst s10  }
0x35: {  	s10 =	sld [smem:$0x3FAD];
	_ =	sdelay $0x3  }
0x36: {  	p1 =	seq.s32 s10, $0x1;
	s10 =	sld [smem:$0x3FAE];
	_ =	sdelay $0x3  }
0x37: {  	[smem:$0x3FAE] =	sst s10  }
0x38: {  	s10 =	sld [smem:$0x3FAF]  }
0x39: {  	_ = 	snop;
	(pc) =	sbr.ind lr, $3  }
0x3a: {  	_ = 	snop  }
0x3b: {  	_ = 	snop  }
0x3c: {  	p2 =	seq.s32 s10, $0x1;
	s10 =	sld [smem:$0x3FAE]  }
0x3d: {  	_ =	shalt  }
0x3e: {  	_ =	shalt  }
0x3f: {  	_ =	shalt  }
0x40: {  	_ =	shalt  }
0x41: {  	_ =	shalt  }
0x42: {  	_ =	shalt  }
0x43: {  	_ =	shalt  }
0x44: {  	_ =	shalt  }
0x45: {  	_ =	shalt  }
0x46: {  	_ =	shalt  }
0x47: {  	_ =	shalt  }
0x48: {  	_ =	shalt  }
0x49: {  	_ =	shalt  }
0x4a: {  	_ =	shalt  }
0x4b: {  	_ =	shalt  }
0x4c: {  	_ =	shalt  }
0x4d: {  	_ =	shalt  }
0x4e: {  	_ =	shalt  }
0x4f: {  	_ =	shalt  }
0x50: {  	_ =	shalt  }
0x51: {  	_ =	shalt  }
0x52: {  	_ =	shalt  }
0x53: {  	_ =	shalt  }
0x54: {  	_ =	shalt  }
0x55: {  	_ =	shalt  }
0x56: {  	_ =	shalt  }
0x57: {  	_ =	shalt  }
0x58: {  	_ =	shalt  }
0x59: {  	_ =	shalt  }
0x5a: {  	_ =	shalt  }
0x5b: {  	_ =	shalt  }
0x5c: {  	_ =	shalt  }
0x5d: {  	_ =	shalt  }
0x5e: {  	_ =	shalt  }
0x5f: {  	_ =	shalt  }
0x60: {  	_ =	shalt  }
0x61: {  	_ =	shalt  }
0x62: {  	_ =	shalt  }
0x63: {  	_ =	shalt  }
0x64: {  	_ =	shalt  }
0x65: {  	_ =	shalt  }
0x66: {  	_ =	shalt  }
0x67: {  	_ =	shalt  }
0x68: {  	_ =	shalt  }
0x69: {  	_ =	shalt  }
0x6a: {  	_ =	shalt  }
0x6b: {  	_ =	shalt  }
0x6c: {  	_ =	shalt  }
0x6d: {  	_ =	shalt  }
0x6e: {  	_ =	shalt  }
0x6f: {  	_ =	shalt  }
0x70: {  	_ =	shalt  }
0x71: {  	_ =	shalt  }
0x72: {  	_ =	shalt  }
0x73: {  	_ =	shalt  }
0x74: {  	_ =	shalt  }
0x75: {  	_ =	shalt  }
0x76: {  	_ =	shalt  }
0x77: {  	_ =	shalt  }
0x78: {  	_ =	shalt  }
0x79: {  	_ =	shalt  }
0x7a: {  	_ =	shalt  }
0x7b: {  	_ =	shalt  }
0x7c: {  	_ =	shalt  }
0x7d: {  	_ =	shalt  }
0x7e: {  	_ =	shalt  }
0x7f: {  	_ =	shalt  }
0x80: {  	_ =	shalt  }
0x81: {  	_ =	shalt  }
0x82: {  	_ =	shalt  }
0x83: {  	_ =	shalt  }
0x84: {  	_ =	shalt  }
0x85: {  	_ =	shalt  }
0x86: {  	_ =	shalt  }
0x87: {  	_ =	shalt  }
.Lfunc_end0:
.L_simem_size_0:
called_computation.3_lowered:
.L_overlay_start_0:
0x88: {  	s2 =	sld [smem:$0x3FD9]  }
0x89: {  	s3 =	sld [smem:$0x3FFE];
	_ =	sdelay $0x1  }
0x8a: {  	s1 =	srdreg.scid  }
0x8b: {  	s0 =	sand.u32 $0x1, s1  }
0x8c: {  	s16 =	sshll.u32 s0, $0xA;
	s2 =	sadd.s32 s3, s2  }
0x8d: {  	s2 =	sadd.s32 s2, s16  }
0x8e: {  	[smem:$0x3FBA] =	sst s2  }
0x8f: {  	_ = 	snop  }
0x90: {  	(tm) =	ssettm $0x1  }
0x91: {  	s17 =	sld [smem:$0x3FFB];
	_ =	sdelay $0x3  }
0x92: {  	_ =	strace s17  }
0x93: {  	s2 =	sld [smem:$0x3FFC];
	_ =	sdelay $0x3  }
0x94: {  	_ =	strace s2  }
0x95: {  	s2 =	sld [smem:$0x3FFD];
	_ =	sdelay $0x3  }
0x96: {  	_ =	strace s2  }
0x97: {  	_ =	strace $0x8FFFFFFF  }
0x98: {  	s18 =	sld [smem:$0x3FDB];
	_ =	sdelay $0x1  }
0x99: {  	s19 =	simm.s32 $_scs_section_size  }
0x9a: {  	s4 =	simm.s32 $_size__tile_overlayer_lowered;
	s5 =	simm.s32 $_tile_overlayer_lowered  }
0x9b: {  	s22 =	simm.s32 $0x1BFF;
	s21 =	sshll.u32 s5, $0x1;
	s2 =	sadd.s32 s19, s18  }
0x9c: {  	s6 =	simm.s32 $0x0;
	s20 =	sshll.u32 s4, $0x1;
	s4 =	sadd.s32 s21, s2  }
0x9d: {  	[timem:s6], [sflag:s22] =	dma.local [hbm:s4], s20  }
0x9e: {  	_ =	swait.ge [sflag:s22], s20  }
0x9f: {  	s3 =	ssub.s32 $0x0, s20;
	[sflag:s22] =	ssyncset.done $0x0  }
0xa0: {  	[sflag:s22] =	ssyncadd.s32 s3;
	_ =	sdelay $0x1  }
0xa1: {  	s23 =	simm.s32 $0x1B8B  }
0xa2: {  	_ =	swait.ge [sflag:s23], $0x1  }
0xa3: {  	[sflag:s23] =	ssyncset.done $0x0  }
0xa4: {  	s25 =	simm.s32 $0x1B8E;
	s24 =	sld [smem:$0x3FFE];
	[sflag:s23] =	ssyncadd.s32 $0xFFFFFFFF  }
0xa5: {  	s26 =	simm.s32 $execute0_lowered;
	[smem:$0x3FD2] =	sst s25  }
0xa6: {  	s4 =	sshll.u32 s26, $0x1;
	_ =	strace $0x8000004F;
	[dreg:$0x1] =	wrdreg $0xFFFFFFFF  }
0xa7: {  	s28 =	simm.s32 $_size_execute0_lowered;
	s2 =	sadd.s32 s2, s4;
	[dreg:$0x0] =	wrdreg $0x0  }
0xa8: {  	s4 =	sshll.u32 s28, $0x1;
	[dreg:$0x2] =	wrdreg s2  }
0xa9: {  	[dreg:$0x3] =	wrdreg s4  }
0xaa: {  	[dreg:$0x4] =	wrdreg $0xC0  }
0xab: {  	_ =	task [dreg:s6], $0x5FFFF  }
0xac: {  	[dreg:$0x1] =	wrdreg $0xFFFFFFFF  }
0xad: {  	[dreg:$0x0] =	wrdreg $0x60  }
0xae: {  	[dreg:$0x2] =	wrdreg s24  }
0xaf: {  	[dreg:$0x3] =	wrdreg $0xC0000  }
0xb0: {  	[dreg:$0x4] =	wrdreg $0x9  }
0xb1: {  	_ =	task.clear_ibuf [dreg:s6], $0x5FFFF;
	_ =	strace $0x9000004F  }
0xb2: {  	s29 =	simm.s32 $0x9;
	_ =	strace $0x80000051  }
0xb3: {  	_ =	swait.ge [sflag:s29], $0x1  }
0xb4: {  	[sflag:s29] =	ssyncadd.s32 $0xFFFFFFFF  }
0xb5: {  	_ =	strace $0x90000051  }
0xb6: {  	_ =	sfence  }
0xb7: {  	s30 =	sld [smem:$0x0];
	_ =	sdelay $0x2  }
0xb8: {  	s31 =	sshll.u32 s1, $0xD;
	s1 =	sshrl.u32 s1, $0x2  }
0xb9: {  	s3 =	sand.u32 $0x4000, s31;
	s1 =	sadd.s32 s1, s30  }
0xba: {  	s0 =	sor.u32 s3, s0;
	s1 =	sshll.u32 s1, $0x11  }
0xbb: {  	s0 =	sor.u32 s1, s0  }
0xbc: {  	s0 =	sadd.s32 $0x8F2B, s0  }
0xbd: {  	[sflag:s0] =	ssyncadd.remote.s32 $0x1  }
0xbe: {  	_ =	sfence.sel $0xFFFF  }
0xbf: {  	[dreg:$0x0] =	wrdreg $0xFFFFFFFF;
	(pc) =	sbr.abs _section_cstart, $3  }
0xc0: {  	[dreg:$0x1] =	wrdreg $0xFFFFFFFF  }
0xc1: {  	_ =	task.clear_ibuf [dreg:s6], $0x2FFFF;
	_ =	strace $0x9FFFFFFF  }
0xc2: {  	(tm) =	ssettm $0x7FFFFFFF  }
0xc3: {  	_ =	shalt  }
tec
execute0_lowered:
.L_overlay_start_1:
0x0: {  	(tag) =	ssettag $0x1  }
0x1: {  	s6 =	rddreg [dreg:$0x0]  }
0x2: {  	s0 =	srdreg.scid;
	s2 =	rddreg [dreg:$0x1]  }
0x3: {  	s3 =	simm.s32 $0x0;
	s15 =	simm.s32 $0x2800;
	s16 =	simm.s32 $0x60  }
0x4: {  	s17 =	simm.s32 $0x6000;
	s18 =	simm.s32 $0x9000;
	s19 =	simm.s32 $0x1  }
0x5: {  	s20 =	simm.s32 $0x2;
	s21 =	simm.s32 $0x5C00;
	s22 =	simm.s32 $0x5C80  }
0x6: {  	s23 =	simm.s32 $0x0;
	s5 =	sand.u32 $0x1, s0;
	s0 =	stileid.u32  }
0x7: {  	[smem:$0x7FF] =	sst s3;
	s1 =	sshll.u32 s5, $0x4;
	s28 =	smul.u32 $0x14000, s0  }
0x8: {  	s8 =	sshll.u32 s0, $0x7;
	s10 =	smul.u32 $0x140000, s5;
	s5 =	ssub.s32 $0x2, s5  }
0x9: {  	s29 =	smul.u32 $0x50000, s0;
	s31 =	sshll.u32 s0, $0x6;
	s4 =	sor.u32 s0, s1  }
0xa: {  	s1 =	rddreg [dreg:$0x2];
	s8 =	sand.u32 $0x380, s8;
	_ =	strace $0x80000050  }
0xb: {  	s12 =	sshrl.u32 s5, $0x1;
	s7 =	sshrl.u32 s4, $0x3;
	s9 =	smul.u32 $0x700, s4  }
0xc: {  	s4 =	sadd.s32 $0x3B000, s6;
	s11 =	sshrl.u32 s28, $0x3;
	s12 =	ssub.s32 s5, s12  }
0xd: {  	s30 =	sshrl.u32 s29, $0x2;
	s7 =	smul.u32 $0x14000, s7;
	s11 =	sadd.s32 s11, s6  }
0xe: {  	s14 =	sadd.s32 s30, s2;
	s9 =	sadd.s32 s9, s6;
	s5 =	sadd.s32 $0x13000, s11  }
0xf: {  	s11 =	sshrl.u32 s14, $0x3;
	s14 =	simm.s32 $0x400;
	s7 =	sor.u32 s8, s7  }
0x10: {  	s8 =	sadd.s32 s28, s10;
	s10 =	smax.u32 s12, $0x1;
	s7 =	sshrl.u32 s7, $0x3  }
0x11: {  	s12 =	simm.s32 $0x3;
	s8 =	sshrl.u32 s8, $0x3;
	s7 =	sadd.s32 s7, s6  }
0x12: {  	s13 =	sadd.s32 s8, s6;
	s6 =	sor.u32 $0x1C03, s31;
	s8 =	sadd.s32 $0x5000, s9  }
0x13: {  	s7 =	sadd.s32 $0x8B000, s7;
	s9 =	sadd.s32 $0xBC200, s13;
	s13 =	simm.s32 $0x80  }
.LBB2_1:
0x14: {  	[spmem:s11], [sflag:s6] =	dma.local [hbm:s5], $0x2800  }
0x15: {  	_ =	swait.ge [sflag:s12], $0x2800  }
0x16: {  	[sflag:s12] =	ssyncset.done $0x0  }
0x17: {  	[sflag:s12] =	ssyncadd.s32 $0xFFFFD800  }
0x18: {  	[tilespmem:s3], [sflag:$0x3] =	stream.strided.gather [hbm4b:s7+s13], $0x2800, s14, s13, $0x38;
	v63 =	vld [tilespmem:$0x0]  }
0x19: {  	_ =	swait.ge [sflag:s12], $0x2800  }
0x1a: {  	[sflag:s12] =	ssyncset.done $0x0  }
0x1b: {  	[sflag:s12] =	ssyncadd.s32 $0xFFFFD800  }
0x1c: {  	[tilespmem:s15], [sflag:$0x3] =	stream.linear.gather [hbm4b:s8+s3], $0x3500, $0x38;
	v63 =	vld [tilespmem:$0x0]  }
0x1d: {  	_ =	swait.ge [sflag:s12], $0x3500  }
0x1e: {  	[sflag:s12] =	ssyncset.done $0x0  }
0x1f: {  	[sflag:s12] =	ssyncadd.s32 $0xFFFFCB00  }
0x20: {  	[bflag:$0x0] =	sbarrier.arrive $0xFFFF  }
0x21: {  	[tilespmem:s17], [sflag:$0x1] =	stream.indirect.gather [hbm4b:s4+s16], $0x80, s3, s16, $0xb8;
	v63 =	vld [tilespmem:$0x0]  }
0x22: {  	_ = 	snop  }
0x23: {  	[tilespmem:s18], [sflag:$0x2] =	stream.indirect.gather [hbm4b:s4+s16], $0x80, s16, s16, $0xb8;
	v63 =	vld [tilespmem:$0x0]  }
0x24: {  	_ =	swait.ge [sflag:s19], $0x3000  }
0x25: {  	[sflag:s19] =	ssyncset.done $0x0  }
0x26: {  	s24 =	simm.s32 $0x2800;
	[sflag:s19] =	ssyncadd.s32 $0xFFFFD000  }
0x27: {  	[spmem:s2] =	stream.indirect.scatter.add.f32 [tilespmem:s17], [sflag:$0x3], $0x80, s24, s16, $0xb8;
	v63 =	vld [tilespmem:$0x0]  }
0x28: {  	_ =	swait.ge [sflag:s12], $0x3000  }
0x29: {  	[sflag:s12] =	ssyncset.done $0x0  }
0x2a: {  	s30 =	simm.s32 $0xC0;
	[sflag:s12] =	ssyncadd.s32 $0xFFFFD000  }
0x2b: {  	[tilespmem:s17], [sflag:$0x1] =	stream.indirect.gather [hbm4b:s4+s16], $0x80, s30, s16, $0xb8;
	v63 =	vld [tilespmem:$0x0]  }
0x2c: {  	_ =	swait.ge [sflag:s20], $0x3000  }
0x2d: {  	[sflag:s20] =	ssyncset.done $0x0  }
0x2e: {  	s31 =	simm.s32 $0x2880;
	[sflag:s20] =	ssyncadd.s32 $0xFFFFD000  }
0x2f: {  	[spmem:s2] =	stream.indirect.scatter.add.f32 [tilespmem:s18], [sflag:$0x3], $0x80, s31, s16, $0xb8;
	v63 =	vld [tilespmem:$0x0]  }
0x30: {  	_ =	swait.ge [sflag:s12], $0x3000  }
0x31: {  	s25 =	simm.s32 $0x400;
	[sflag:s12] =	ssyncset.done $0x0  }
0x32: {  	s26 =	simm.s32 $0x1E0;
	s24 =	simm.s32 $0x120;
	[sflag:s12] =	ssyncadd.s32 $0xFFFFD000  }
.LBB2_2:
0x33: {  	[tilespmem:s18], [sflag:$0x2] =	stream.indirect.gather [hbm4b:s4+s16], $0x80, s24, s16, $0xb8;
	v63 =	vld [tilespmem:$0x0]  }
0x34: {  	s28 =	smov.u32 s25;
	s24 =	smov.u32 s26  }
0x35: {  	p0 =	sne.s32 s25, $0xCC00;
	s25 =	sadd.s32 $0x400, s25;
	_ =	swait.ge [sflag:s19], $0x3000  }
0x36: {  	s28 =	sshra.s32 s28, $0x2;
	[sflag:s19] =	ssyncset.done $0x0  }
0x37: {  	s29 =	sadd.s32 $0x2800, s28;
	[sflag:s19] =	ssyncadd.s32 $0xFFFFD000  }
0x38: {  	[spmem:s2] =	stream.indirect.scatter.add.f32 [tilespmem:s17], [sflag:$0x3], $0x80, s29, s16, $0xb8;
	v63 =	vld [tilespmem:$0x0]  }
0x39: {  	_ =	swait.ge [sflag:s12], $0x3000  }
0x3a: {  	[sflag:s12] =	ssyncset.done $0x0  }
0x3b: {  	s29 =	sadd.s32 $0xFFFFFFA0, s26;
	[sflag:s12] =	ssyncadd.s32 $0xFFFFD000  }
0x3c: {  	[tilespmem:s17], [sflag:$0x1] =	stream.indirect.gather [hbm4b:s4+s16], $0x80, s29, s16, $0xb8;
	v63 =	vld [tilespmem:$0x0]  }
0x3d: {  	_ =	swait.ge [sflag:s20], $0x3000  }
0x3e: {  	[sflag:s20] =	ssyncset.done $0x0  }
.Ltmp0:
0x3f: {  	s28 =	sadd.s32 $0x2880, s28;
	[sflag:s20] =	ssyncadd.s32 $0xFFFFD000;
	(pc) =	sbr.rel @p0 .LBB2_2-.Ltmp0, $4  }
0x40: {  	[spmem:s2] =	stream.indirect.scatter.add.f32 [tilespmem:s18], [sflag:$0x3], $0x80, s28, s16, $0xb8;
	v63 =	vld [tilespmem:$0x0]  }
0x41: {  	_ =	swait.ge [sflag:s12], $0x3000  }
0x42: {  	[sflag:s12] =	ssyncset.done $0x0  }
0x43: {  	s26 =	sadd.s32 $0xC0, s26;
	[sflag:s12] =	ssyncadd.s32 $0xFFFFD000  }
0x44: {  	[tilespmem:s18], [sflag:$0x2] =	stream.indirect.gather [hbm4b:s4+s16], $0x80, s24, s16, $0xb8;
	v63 =	vld [tilespmem:$0x0]  }
0x45: {  	_ =	swait.ge [sflag:s19], $0x3000  }
0x46: {  	[sflag:s19] =	ssyncset.done $0x0  }
0x47: {  	[sflag:s19] =	ssyncadd.s32 $0xFFFFD000  }
0x48: {  	[spmem:s2] =	stream.indirect.scatter.add.f32 [tilespmem:s17], [sflag:$0x3], $0x80, s21, s16, $0xb8;
	v63 =	vld [tilespmem:$0x0]  }
0x49: {  	_ =	swait.ge [sflag:s12], $0x3000  }
0x4a: {  	[sflag:s12] =	ssyncset.done $0x0  }
0x4b: {  	[sflag:s12] =	ssyncadd.s32 $0xFFFFD000  }
0x4c: {  	_ =	swait.ge [sflag:s20], $0x3000  }
0x4d: {  	[sflag:s20] =	ssyncset.done $0x0  }
0x4e: {  	[sflag:s20] =	ssyncadd.s32 $0xFFFFD000  }
0x4f: {  	[spmem:s2] =	stream.indirect.scatter.add.f32 [tilespmem:s18], [sflag:$0x3], $0x80, s22, s16, $0xb8;
	v63 =	vld [tilespmem:$0x0]  }
0x50: {  	_ =	swait.ge [sflag:s12], $0x3000  }
0x51: {  	s23 =	sadd.s32 $0x1, s23;
	[sflag:s12] =	ssyncset.done $0x0  }
0x52: {  	p0 =	sne.s32 s23, s10;
	[sflag:s12] =	ssyncadd.s32 $0xFFFFD000  }
.Ltmp1:
0x53: {  	[bflag:$0x0] =	sbarrier.arrive $0xFFFF;
	(pc) =	sbr.rel @p0 .LBB2_1-.Ltmp1, $4  }
0x54: {  	[hbm:s9], [sflag:s6] =	dma.local [spmem:s11], $0x2800  }
0x55: {  	_ =	swait.ge [sflag:s12], $0x2800  }
0x56: {  	[sflag:s12] =	ssyncset.done $0x0  }
0x57: {  	[sflag:s12] =	ssyncadd.s32 $0xFFFFD800  }
0x58: {  	_ =	sfence.sel $0x180000  }
0x59: {  	[bflag:$0x0] =	sbarrier.arrive $0xFFFF  }
0x5a: {  	p0 =	sne.s32 s0, $0x0;
	_ =	strace $0x90000050  }
0x5b: {  	s0 =	sadd.s32 @!p0 $0x100000, s1;
	[bflag:$0x2] =	sbarrier.arrive $0xFFFF  }
0x5c: {  	[sflag:s0] =	ssyncadd.tile.s32 @!p0 $0x1;
	_ =	shalt  }
.Lfunc_end2:
_tile_overlayer_lowered:
.L_overlay_start_2:
0x5d: {  	(tag) =	ssettag $0x2  }
0x5e: {  	s0 =	rddreg [dreg:$0x0];
	s2 =	stileid.u32  }
0x5f: {  	s1 =	rddreg [dreg:$0x1];
	p0 =	sne.s32 s2, $0x0  }
0x60: {  	s3 =	rddreg [dreg:$0x2];
	[bflag:$0x3] =	sbarrier.arrive $0xFFFF;
	s2 =	simm.s32 @!p0 $0x1C03  }
0x61: {  	[timem:s3], [sflag:s2] =	dma.local @!p0 [hbm:s0], s1  }
0x62: {  	s0 =	simm.s32 @!p0 $0x3  }
0x63: {  	_ =	swait.ge @!p0 [sflag:s0], s1  }
0x64: {  	s1 =	ssub.s32 @!p0 $0x0, s1;
	[sflag:s0] =	ssyncset.done @!p0 $0x0  }
0x65: {  	[sflag:s0] =	ssyncadd.s32 @!p0 s1  }
0x66: {  	[bflag:$0x3] =	sbarrier.arrive $0xFFFF  }
0x67: {  	_ =	shalt  }

// kernel: kernel.25.cloned.1.call-start
scs
__scs_entry_jumppad:
0x0: {  	(pc) =	sbr.rel $0x88, $3  }
0x1: {  	(tag) =	ssettag $0x0;
	lr =	simm.s32 $0x1  }
0x2: {  	[smem:$0x3F93] =	sst lr;
	_ =	strace $0xD0000000  }
0x3: {  	_ = 	snop  }
0x4: {  	_ = 	snop  }
0x5: {  	_ = 	snop  }
0x6: {  	_ = 	snop  }
0x7: {  	_ = 	snop  }
__scs_overlays_trampoline_lowered:
0x8: {  	[smem:$0x3FA2] =	sst s0  }
0x9: {  	[smem:$0x3FA3] =	sst s1  }
0xa: {  	[smem:$0x3FA4] =	sst s2  }
0xb: {  	[smem:$0x3FA5] =	sst s3  }
0xc: {  	[smem:$0x3FA6] =	sst s4  }
0xd: {  	[smem:$0x3FA7] =	sst s5  }
0xe: {  	[smem:$0x3FA8] =	sst s6  }
0xf: {  	[smem:$0x3FA9] =	sst s7  }
0x10: {  	[smem:$0x3FAA] =	sst s8  }
0x11: {  	[smem:$0x3FAB] =	sst s9;
	s0 =	simm.s32 @!p0 $0x0  }
0x12: {  	s1 =	sld [smem:$0x3F91];
	s0 =	simm.s32 @p0 $0x1  }
0x13: {  	[smem:$0x3FAC] =	sst s0;
	s0 =	simm.s32 @!p1 $0x0  }
0x14: {  	s2 =	sld [smem:$0x3F90];
	s0 =	simm.s32 @p1 $0x1  }
0x15: {  	[smem:$0x3FAD] =	sst s0;
	s0 =	simm.s32 @!p2 $0x0  }
0x16: {  	s3 =	sld [smem:$0x3FDB];
	s0 =	simm.s32 @p2 $0x1  }
0x17: {  	s4 =	simm.s32 $0x1BF5;
	[smem:$0x3FAF] =	sst s0  }
0x18: {  	s0 =	sld [smem:$0x3F92];
	_ =	swait.ge [sflag:s4], $0x0  }
0x19: {  	s7 =	sld [smem:$0x3F93]  }
0x1a: {  	s8 =	sadd.s32 $0xFFFFE003, lr  }
0x1b: {  	s9 =	sadd.s32 $0xFFFFFEF7, lr;
	s5 =	simm.s32 $0xFFFFFFFF;
	p2 =	slt.u32 s8, $0xFFFFF086  }
0x1c: {  	p1 =	slt.u32 s9, $0xF7A;
	s5 =	simm.s32 @!p2 $0x0  }
0x1d: {  	s5 =	simm.s32 @p1 $0x1;
	p0 =	seq.s32 s7, s2  }
0x1e: {  	s7 =	smul.u32 @!p0 $0xF7A, s2;
	p2 =	seq.s32 @!p0 s5, $0x0  }
0x1f: {  	s9 =	smul.u32 $0xF7A, s1;
	s8 =	simm.s32 @!p0 $0x1BF5;
	p2 =	por !p2, p0  }
0x20: {  	[sflag:s8] =	ssyncset.s32 @!p0 $0xFFFFF086;
	s6 =	sadd.s32 @!p0 s3, s7;
	s7 =	simm.s32 @!p0 $0x108  }
0x21: {  	s3 =	sadd.s32 s3, s9;
	s6 =	sadd.s32 @!p0 $0x88, s6;
	s7 =	simm.s32 @p2 $0x1082  }
0x22: {  	[simem:s7], [sflag:s8] =	dma.local @!p0 [hbm:s6], $0xF7A  }
0x23: {  	s9 =	sor.u32 $0xD0000000, s2;
	s6 =	simm.s32 $0x108;
	_ =	swait.ge @!p0 [sflag:s8], $0x0  }
0x24: {  	s3 =	sadd.s32 $0x88, s3;
	s6 =	simm.s32 @!p1 $0x1082;
	[sflag:s4] =	ssyncset.s32 $0xFFFFF086  }
0x25: {  	[simem:s6], [sflag:s4] =	dma.local [hbm:s3], $0xF7A  }
0x26: {  	[smem:$0x3F93] =	sst s1;
	(tag) =	ssettag s2;
	_ =	strace s9  }
0x27: {  	s1 =	sld [smem:$0x3FA3]  }
0x28: {  	s2 =	sld [smem:$0x3FA4]  }
0x29: {  	s4 =	sld [smem:$0x3FA6]  }
0x2a: {  	p0 =	seq.s32 s5, $0x0;
	s5 =	sld [smem:$0x3FA7]  }
0x2b: {  	s6 =	sld [smem:$0x3FA8]  }
0x2c: {  	s7 =	sld [smem:$0x3FA9]  }
0x2d: {  	s3 =	simm.s32 $0x108;
	s8 =	sld [smem:$0x3FAA]  }
0x2e: {  	s3 =	simm.s32 @!p0 $0x1082;
	s9 =	sld [smem:$0x3FAB]  }
0x2f: {  	lr =	sadd.s32 s0, s3;
	s0 =	sld [smem:$0x3FA2]  }
0x30: {  	s3 =	sld [smem:$0x3FA5]  }
0x31: {  	[smem:$0x3FAE] =	sst s10  }
0x32: {  	s10 =	sld [smem:$0x3FAC];
	_ =	sdelay $0x3  }
0x33: {  	p0 =	seq.s32 s10, $0x1;
	s10 =	sld [smem:$0x3FAE];
	_ =	sdelay $0x3  }
0x34: {  	[smem:$0x3FAE] =	sst s10  }
0x35: {  	s10 =	sld [smem:$0x3FAD];
	_ =	sdelay $0x3  }
0x36: {  	p1 =	seq.s32 s10, $0x1;
	s10 =	sld [smem:$0x3FAE];
	_ =	sdelay $0x3  }
0x37: {  	[smem:$0x3FAE] =	sst s10  }
0x38: {  	s10 =	sld [smem:$0x3FAF]  }
0x39: {  	_ = 	snop;
	(pc) =	sbr.ind lr, $3  }
0x3a: {  	_ = 	snop  }
0x3b: {  	_ = 	snop  }
0x3c: {  	p2 =	seq.s32 s10, $0x1;
	s10 =	sld [smem:$0x3FAE]  }
0x3d: {  	_ =	shalt  }
0x3e: {  	_ =	shalt  }
0x3f: {  	_ =	shalt  }
0x40: {  	_ =	shalt  }
0x41: {  	_ =	shalt  }
0x42: {  	_ =	shalt  }
0x43: {  	_ =	shalt  }
0x44: {  	_ =	shalt  }
0x45: {  	_ =	shalt  }
0x46: {  	_ =	shalt  }
0x47: {  	_ =	shalt  }
0x48: {  	_ =	shalt  }
0x49: {  	_ =	shalt  }
0x4a: {  	_ =	shalt  }
0x4b: {  	_ =	shalt  }
0x4c: {  	_ =	shalt  }
0x4d: {  	_ =	shalt  }
0x4e: {  	_ =	shalt  }
0x4f: {  	_ =	shalt  }
0x50: {  	_ =	shalt  }
0x51: {  	_ =	shalt  }
0x52: {  	_ =	shalt  }
0x53: {  	_ =	shalt  }
0x54: {  	_ =	shalt  }
0x55: {  	_ =	shalt  }
0x56: {  	_ =	shalt  }
0x57: {  	_ =	shalt  }
0x58: {  	_ =	shalt  }
0x59: {  	_ =	shalt  }
0x5a: {  	_ =	shalt  }
0x5b: {  	_ =	shalt  }
0x5c: {  	_ =	shalt  }
0x5d: {  	_ =	shalt  }
0x5e: {  	_ =	shalt  }
0x5f: {  	_ =	shalt  }
0x60: {  	_ =	shalt  }
0x61: {  	_ =	shalt  }
0x62: {  	_ =	shalt  }
0x63: {  	_ =	shalt  }
0x64: {  	_ =	shalt  }
0x65: {  	_ =	shalt  }
0x66: {  	_ =	shalt  }
0x67: {  	_ =	shalt  }
0x68: {  	_ =	shalt  }
0x69: {  	_ =	shalt  }
0x6a: {  	_ =	shalt  }
0x6b: {  	_ =	shalt  }
0x6c: {  	_ =	shalt  }
0x6d: {  	_ =	shalt  }
0x6e: {  	_ =	shalt  }
0x6f: {  	_ =	shalt  }
0x70: {  	_ =	shalt  }
0x71: {  	_ =	shalt  }
0x72: {  	_ =	shalt  }
0x73: {  	_ =	shalt  }
0x74: {  	_ =	shalt  }
0x75: {  	_ =	shalt  }
0x76: {  	_ =	shalt  }
0x77: {  	_ =	shalt  }
0x78: {  	_ =	shalt  }
0x79: {  	_ =	shalt  }
0x7a: {  	_ =	shalt  }
0x7b: {  	_ =	shalt  }
0x7c: {  	_ =	shalt  }
0x7d: {  	_ =	shalt  }
0x7e: {  	_ =	shalt  }
0x7f: {  	_ =	shalt  }
0x80: {  	_ =	shalt  }
0x81: {  	_ =	shalt  }
0x82: {  	_ =	shalt  }
0x83: {  	_ =	shalt  }
0x84: {  	_ =	shalt  }
0x85: {  	_ =	shalt  }
0x86: {  	_ =	shalt  }
0x87: {  	_ =	shalt  }
.Lfunc_end0:
.L_simem_size_0:
called_computation.4_lowered:
.L_overlay_start_0:
0x88: {  	s2 =	sld [smem:$0x3FD9]  }
0x89: {  	s3 =	sld [smem:$0x3FFE];
	_ =	sdelay $0x1  }
0x8a: {  	s1 =	srdreg.scid  }
0x8b: {  	s0 =	sand.u32 $0x1, s1  }
0x8c: {  	s16 =	sshll.u32 s0, $0xA;
	s2 =	sadd.s32 s3, s2  }
0x8d: {  	s2 =	sadd.s32 s2, s16  }
0x8e: {  	[smem:$0x3FBA] =	sst s2  }
0x8f: {  	_ = 	snop  }
0x90: {  	(tm) =	ssettm $0x1  }
0x91: {  	s17 =	sld [smem:$0x3FFB];
	_ =	sdelay $0x3  }
0x92: {  	_ =	strace s17  }
0x93: {  	s2 =	sld [smem:$0x3FFC];
	_ =	sdelay $0x3  }
0x94: {  	_ =	strace s2  }
0x95: {  	s2 =	sld [smem:$0x3FFD];
	_ =	sdelay $0x3  }
0x96: {  	_ =	strace s2  }
0x97: {  	_ =	strace $0x8FFFFFFF  }
0x98: {  	s18 =	sld [smem:$0x3FDB];
	_ =	sdelay $0x1  }
0x99: {  	s19 =	simm.s32 $_scs_section_size  }
0x9a: {  	s4 =	simm.s32 $_size__tile_overlayer_lowered;
	s5 =	simm.s32 $_tile_overlayer_lowered  }
0x9b: {  	s22 =	simm.s32 $0x1BFF;
	s21 =	sshll.u32 s5, $0x1;
	s2 =	sadd.s32 s19, s18  }
0x9c: {  	s6 =	simm.s32 $0x0;
	s20 =	sshll.u32 s4, $0x1;
	s4 =	sadd.s32 s21, s2  }
0x9d: {  	[timem:s6], [sflag:s22] =	dma.local [hbm:s4], s20  }
0x9e: {  	_ =	swait.ge [sflag:s22], s20  }
0x9f: {  	s3 =	ssub.s32 $0x0, s20;
	[sflag:s22] =	ssyncset.done $0x0  }
0xa0: {  	[sflag:s22] =	ssyncadd.s32 s3;
	_ =	sdelay $0x1  }
0xa1: {  	s23 =	simm.s32 $0x1B8B  }
0xa2: {  	_ =	swait.ge [sflag:s23], $0x1  }
0xa3: {  	[sflag:s23] =	ssyncset.done $0x0  }
0xa4: {  	s25 =	simm.s32 $0x1B8E;
	s24 =	sld [smem:$0x3FFE];
	[sflag:s23] =	ssyncadd.s32 $0xFFFFFFFF  }
0xa5: {  	s26 =	simm.s32 $execute0_lowered;
	[smem:$0x3FD2] =	sst s25  }
0xa6: {  	s4 =	sshll.u32 s26, $0x1;
	_ =	strace $0x80000052;
	[dreg:$0x1] =	wrdreg $0xFFFFFFFF  }
0xa7: {  	s28 =	simm.s32 $_size_execute0_lowered;
	s2 =	sadd.s32 s2, s4;
	[dreg:$0x0] =	wrdreg $0x0  }
0xa8: {  	s4 =	sshll.u32 s28, $0x1;
	[dreg:$0x2] =	wrdreg s2  }
0xa9: {  	[dreg:$0x3] =	wrdreg s4  }
0xaa: {  	[dreg:$0x4] =	wrdreg $0xC0  }
0xab: {  	_ =	task [dreg:s6], $0x5FFFF  }
0xac: {  	[dreg:$0x1] =	wrdreg $0xFFFFFFFF  }
0xad: {  	[dreg:$0x0] =	wrdreg $0x60  }
0xae: {  	[dreg:$0x2] =	wrdreg s24  }
0xaf: {  	[dreg:$0x3] =	wrdreg $0xC0000  }
0xb0: {  	[dreg:$0x4] =	wrdreg $0x9  }
0xb1: {  	_ =	task.clear_ibuf [dreg:s6], $0x5FFFF;
	_ =	strace $0x90000052  }
0xb2: {  	s29 =	simm.s32 $0x9;
	_ =	strace $0x80000054  }
0xb3: {  	_ =	swait.ge [sflag:s29], $0x1  }
0xb4: {  	[sflag:s29] =	ssyncadd.s32 $0xFFFFFFFF  }
0xb5: {  	_ =	strace $0x90000054  }
0xb6: {  	_ =	sfence  }
0xb7: {  	s30 =	sld [smem:$0x0];
	_ =	sdelay $0x2  }
0xb8: {  	s31 =	sshll.u32 s1, $0xD;
	s1 =	sshrl.u32 s1, $0x2  }
0xb9: {  	s3 =	sand.u32 $0x4000, s31;
	s1 =	sadd.s32 s1, s30  }
0xba: {  	s0 =	sor.u32 s3, s0;
	s1 =	sshll.u32 s1, $0x11  }
0xbb: {  	s0 =	sor.u32 s1, s0  }
0xbc: {  	s0 =	sadd.s32 $0x8F2B, s0  }
0xbd: {  	[sflag:s0] =	ssyncadd.remote.s32 $0x1  }
0xbe: {  	_ =	sfence.sel $0xFFFF  }
0xbf: {  	[dreg:$0x0] =	wrdreg $0xFFFFFFFF;
	(pc) =	sbr.abs _section_cstart, $3  }
0xc0: {  	[dreg:$0x1] =	wrdreg $0xFFFFFFFF  }
0xc1: {  	_ =	task.clear_ibuf [dreg:s6], $0x2FFFF;
	_ =	strace $0x9FFFFFFF  }
0xc2: {  	(tm) =	ssettm $0x7FFFFFFF  }
0xc3: {  	_ =	shalt  }
tec
execute0_lowered:
.L_overlay_start_1:
0x0: {  	(tag) =	ssettag $0x1  }
0x1: {  	s6 =	rddreg [dreg:$0x0]  }
0x2: {  	s0 =	srdreg.scid;
	s2 =	rddreg [dreg:$0x1]  }
0x3: {  	s3 =	simm.s32 $0x0;
	s15 =	simm.s32 $0x2800;
	s16 =	simm.s32 $0x60  }
0x4: {  	s17 =	simm.s32 $0x6000;
	s18 =	simm.s32 $0x9000;
	s19 =	simm.s32 $0x1  }
0x5: {  	s20 =	simm.s32 $0x2;
	s21 =	simm.s32 $0x5C00;
	s22 =	simm.s32 $0x5C80  }
0x6: {  	s23 =	simm.s32 $0x0;
	s5 =	sand.u32 $0x1, s0;
	s0 =	stileid.u32  }
0x7: {  	[smem:$0x7FF] =	sst s3;
	s1 =	sshll.u32 s5, $0x4;
	s28 =	smul.u32 $0x14000, s0  }
0x8: {  	s8 =	sshll.u32 s0, $0x7;
	s10 =	smul.u32 $0x140000, s5;
	s5 =	ssub.s32 $0x2, s5  }
0x9: {  	s29 =	smul.u32 $0x50000, s0;
	s31 =	sshll.u32 s0, $0x6;
	s4 =	sor.u32 s0, s1  }
0xa: {  	s1 =	rddreg [dreg:$0x2];
	s8 =	sand.u32 $0x380, s8;
	_ =	strace $0x80000053  }
0xb: {  	s12 =	sshrl.u32 s5, $0x1;
	s7 =	sshrl.u32 s4, $0x3;
	s9 =	smul.u32 $0x700, s4  }
0xc: {  	s4 =	sadd.s32 $0x3B000, s6;
	s11 =	sshrl.u32 s28, $0x3;
	s12 =	ssub.s32 s5, s12  }
0xd: {  	s30 =	sshrl.u32 s29, $0x2;
	s7 =	smul.u32 $0x14000, s7;
	s11 =	sadd.s32 s11, s6  }
0xe: {  	s14 =	sadd.s32 s30, s2;
	s9 =	sadd.s32 s9, s6;
	s5 =	sadd.s32 $0x13000, s11  }
0xf: {  	s11 =	sshrl.u32 s14, $0x3;
	s14 =	simm.s32 $0x400;
	s7 =	sor.u32 s8, s7  }
0x10: {  	s8 =	sadd.s32 s28, s10;
	s10 =	smax.u32 s12, $0x1;
	s7 =	sshrl.u32 s7, $0x3  }
0x11: {  	s12 =	simm.s32 $0x3;
	s8 =	sshrl.u32 s8, $0x3;
	s7 =	sadd.s32 s7, s6  }
0x12: {  	s13 =	sadd.s32 s8, s6;
	s6 =	sor.u32 $0x1C03, s31;
	s8 =	sadd.s32 $0x5000, s9  }
0x13: {  	s7 =	sadd.s32 $0x8B000, s7;
	s9 =	sadd.s32 $0xBC200, s13;
	s13 =	simm.s32 $0x80  }
.LBB2_1:
0x14: {  	[spmem:s11], [sflag:s6] =	dma.local [hbm:s5], $0x2800  }
0x15: {  	_ =	swait.ge [sflag:s12], $0x2800  }
0x16: {  	[sflag:s12] =	ssyncset.done $0x0  }
0x17: {  	[sflag:s12] =	ssyncadd.s32 $0xFFFFD800  }
0x18: {  	[tilespmem:s3], [sflag:$0x3] =	stream.strided.gather [hbm4b:s7+s13], $0x2800, s14, s13, $0x38;
	v63 =	vld [tilespmem:$0x0]  }
0x19: {  	_ =	swait.ge [sflag:s12], $0x2800  }
0x1a: {  	[sflag:s12] =	ssyncset.done $0x0  }
0x1b: {  	[sflag:s12] =	ssyncadd.s32 $0xFFFFD800  }
0x1c: {  	[tilespmem:s15], [sflag:$0x3] =	stream.linear.gather [hbm4b:s8+s3], $0x3500, $0x38;
	v63 =	vld [tilespmem:$0x0]  }
0x1d: {  	_ =	swait.ge [sflag:s12], $0x3500  }
0x1e: {  	[sflag:s12] =	ssyncset.done $0x0  }
0x1f: {  	[sflag:s12] =	ssyncadd.s32 $0xFFFFCB00  }
0x20: {  	[bflag:$0x0] =	sbarrier.arrive $0xFFFF  }
0x21: {  	[tilespmem:s17], [sflag:$0x1] =	stream.indirect.gather [hbm4b:s4+s16], $0x80, s3, s16, $0xb8;
	v63 =	vld [tilespmem:$0x0]  }
0x22: {  	_ = 	snop  }
0x23: {  	[tilespmem:s18], [sflag:$0x2] =	stream.indirect.gather [hbm4b:s4+s16], $0x80, s16, s16, $0xb8;
	v63 =	vld [tilespmem:$0x0]  }
0x24: {  	_ =	swait.ge [sflag:s19], $0x3000  }
0x25: {  	[sflag:s19] =	ssyncset.done $0x0  }
0x26: {  	s24 =	simm.s32 $0x2800;
	[sflag:s19] =	ssyncadd.s32 $0xFFFFD000  }
0x27: {  	[spmem:s2] =	stream.indirect.scatter.add.f32 [tilespmem:s17], [sflag:$0x3], $0x80, s24, s16, $0xb8;
	v63 =	vld [tilespmem:$0x0]  }
0x28: {  	_ =	swait.ge [sflag:s12], $0x3000  }
0x29: {  	[sflag:s12] =	ssyncset.done $0x0  }
0x2a: {  	s30 =	simm.s32 $0xC0;
	[sflag:s12] =	ssyncadd.s32 $0xFFFFD000  }
0x2b: {  	[tilespmem:s17], [sflag:$0x1] =	stream.indirect.gather [hbm4b:s4+s16], $0x80, s30, s16, $0xb8;
	v63 =	vld [tilespmem:$0x0]  }
0x2c: {  	_ =	swait.ge [sflag:s20], $0x3000  }
0x2d: {  	[sflag:s20] =	ssyncset.done $0x0  }
0x2e: {  	s31 =	simm.s32 $0x2880;
	[sflag:s20] =	ssyncadd.s32 $0xFFFFD000  }
0x2f: {  	[spmem:s2] =	stream.indirect.scatter.add.f32 [tilespmem:s18], [sflag:$0x3], $0x80, s31, s16, $0xb8;
	v63 =	vld [tilespmem:$0x0]  }
0x30: {  	_ =	swait.ge [sflag:s12], $0x3000  }
0x31: {  	s25 =	simm.s32 $0x400;
	[sflag:s12] =	ssyncset.done $0x0  }
0x32: {  	s26 =	simm.s32 $0x1E0;
	s24 =	simm.s32 $0x120;
	[sflag:s12] =	ssyncadd.s32 $0xFFFFD000  }
.LBB2_2:
0x33: {  	[tilespmem:s18], [sflag:$0x2] =	stream.indirect.gather [hbm4b:s4+s16], $0x80, s24, s16, $0xb8;
	v63 =	vld [tilespmem:$0x0]  }
0x34: {  	s28 =	smov.u32 s25;
	s24 =	smov.u32 s26  }
0x35: {  	p0 =	sne.s32 s25, $0xCC00;
	s25 =	sadd.s32 $0x400, s25;
	_ =	swait.ge [sflag:s19], $0x3000  }
0x36: {  	s28 =	sshra.s32 s28, $0x2;
	[sflag:s19] =	ssyncset.done $0x0  }
0x37: {  	s29 =	sadd.s32 $0x2800, s28;
	[sflag:s19] =	ssyncadd.s32 $0xFFFFD000  }
0x38: {  	[spmem:s2] =	stream.indirect.scatter.add.f32 [tilespmem:s17], [sflag:$0x3], $0x80, s29, s16, $0xb8;
	v63 =	vld [tilespmem:$0x0]  }
0x39: {  	_ =	swait.ge [sflag:s12], $0x3000  }
0x3a: {  	[sflag:s12] =	ssyncset.done $0x0  }
0x3b: {  	s29 =	sadd.s32 $0xFFFFFFA0, s26;
	[sflag:s12] =	ssyncadd.s32 $0xFFFFD000  }
0x3c: {  	[tilespmem:s17], [sflag:$0x1] =	stream.indirect.gather [hbm4b:s4+s16], $0x80, s29, s16, $0xb8;
	v63 =	vld [tilespmem:$0x0]  }
0x3d: {  	_ =	swait.ge [sflag:s20], $0x3000  }
0x3e: {  	[sflag:s20] =	ssyncset.done $0x0  }
.Ltmp0:
0x3f: {  	s28 =	sadd.s32 $0x2880, s28;
	[sflag:s20] =	ssyncadd.s32 $0xFFFFD000;
	(pc) =	sbr.rel @p0 .LBB2_2-.Ltmp0, $4  }
0x40: {  	[spmem:s2] =	stream.indirect.scatter.add.f32 [tilespmem:s18], [sflag:$0x3], $0x80, s28, s16, $0xb8;
	v63 =	vld [tilespmem:$0x0]  }
0x41: {  	_ =	swait.ge [sflag:s12], $0x3000  }
0x42: {  	[sflag:s12] =	ssyncset.done $0x0  }
0x43: {  	s26 =	sadd.s32 $0xC0, s26;
	[sflag:s12] =	ssyncadd.s32 $0xFFFFD000  }
0x44: {  	[tilespmem:s18], [sflag:$0x2] =	stream.indirect.gather [hbm4b:s4+s16], $0x80, s24, s16, $0xb8;
	v63 =	vld [tilespmem:$0x0]  }
0x45: {  	_ =	swait.ge [sflag:s19], $0x3000  }
0x46: {  	[sflag:s19] =	ssyncset.done $0x0  }
0x47: {  	[sflag:s19] =	ssyncadd.s32 $0xFFFFD000  }
0x48: {  	[spmem:s2] =	stream.indirect.scatter.add.f32 [tilespmem:s17], [sflag:$0x3], $0x80, s21, s16, $0xb8;
	v63 =	vld [tilespmem:$0x0]  }
0x49: {  	_ =	swait.ge [sflag:s12], $0x3000  }
0x4a: {  	[sflag:s12] =	ssyncset.done $0x0  }
0x4b: {  	[sflag:s12] =	ssyncadd.s32 $0xFFFFD000  }
0x4c: {  	_ =	swait.ge [sflag:s20], $0x3000  }
0x4d: {  	[sflag:s20] =	ssyncset.done $0x0  }
0x4e: {  	[sflag:s20] =	ssyncadd.s32 $0xFFFFD000  }
0x4f: {  	[spmem:s2] =	stream.indirect.scatter.add.f32 [tilespmem:s18], [sflag:$0x3], $0x80, s22, s16, $0xb8;
	v63 =	vld [tilespmem:$0x0]  }
0x50: {  	_ =	swait.ge [sflag:s12], $0x3000  }
0x51: {  	s23 =	sadd.s32 $0x1, s23;
	[sflag:s12] =	ssyncset.done $0x0  }
0x52: {  	p0 =	sne.s32 s23, s10;
	[sflag:s12] =	ssyncadd.s32 $0xFFFFD000  }
.Ltmp1:
0x53: {  	[bflag:$0x0] =	sbarrier.arrive $0xFFFF;
	(pc) =	sbr.rel @p0 .LBB2_1-.Ltmp1, $4  }
0x54: {  	[hbm:s9], [sflag:s6] =	dma.local [spmem:s11], $0x2800  }
0x55: {  	_ =	swait.ge [sflag:s12], $0x2800  }
0x56: {  	[sflag:s12] =	ssyncset.done $0x0  }
0x57: {  	[sflag:s12] =	ssyncadd.s32 $0xFFFFD800  }
0x58: {  	_ =	sfence.sel $0x180000  }
0x59: {  	[bflag:$0x0] =	sbarrier.arrive $0xFFFF  }
0x5a: {  	p0 =	sne.s32 s0, $0x0;
	_ =	strace $0x90000053  }
0x5b: {  	s0 =	sadd.s32 @!p0 $0x100000, s1;
	[bflag:$0x2] =	sbarrier.arrive $0xFFFF  }
0x5c: {  	[sflag:s0] =	ssyncadd.tile.s32 @!p0 $0x1;
	_ =	shalt  }
.Lfunc_end2:
_tile_overlayer_lowered:
.L_overlay_start_2:
0x5d: {  	(tag) =	ssettag $0x2  }
0x5e: {  	s0 =	rddreg [dreg:$0x0];
	s2 =	stileid.u32  }
0x5f: {  	s1 =	rddreg [dreg:$0x1];
	p0 =	sne.s32 s2, $0x0  }
0x60: {  	s3 =	rddreg [dreg:$0x2];
	[bflag:$0x3] =	sbarrier.arrive $0xFFFF;
	s2 =	simm.s32 @!p0 $0x1C03  }
0x61: {  	[timem:s3], [sflag:s2] =	dma.local @!p0 [hbm:s0], s1  }
0x62: {  	s0 =	simm.s32 @!p0 $0x3  }
0x63: {  	_ =	swait.ge @!p0 [sflag:s0], s1  }
0x64: {  	s1 =	ssub.s32 @!p0 $0x0, s1;
	[sflag:s0] =	ssyncset.done @!p0 $0x0  }
0x65: {  	[sflag:s0] =	ssyncadd.s32 @!p0 s1  }
0x66: {  	[bflag:$0x3] =	sbarrier.arrive $0xFFFF  }
0x67: {  	_ =	shalt  }

</sc_bundles>
